<compile_context>
chip_gen: v7x
topology: tpu7x:2x2x1
jax: 0.10.2.dev20260603
libtpu: 0.0.44.dev20260713+nightly
codegen_flags: <defaults>
</compile_context>

<pallas_src>
import functools

import jax
import jax.numpy as jnp
from jax import lax
from jax.experimental import pallas as pl
from jax.experimental.pallas import tpu as pltpu
from jax.experimental.pallas import tpu_sc as plsc

N_NODES = 10000
D = 256
DH = 128
N_PAD = 10240
E_PAD = 163840
NC = 2
NS = 16
CHUNK = 128

NBUF = 4
LOOKAHEAD = 2
MASK15 = 32767
ROWS_PER_TILE = N_PAD // NS
DEG_CHUNKS = E_PAD // (NC * NS * CHUNK)
AGG_CHUNK = 64
AGG_CHUNKS = E_PAD // (NS * AGG_CHUNK)
NMACRO = AGG_CHUNKS // NBUF

_MESH = plsc.VectorSubcoreMesh(core_axis_name="c", subcore_axis_name="s")


@functools.partial(
    pl.kernel,
    out_type=jax.ShapeDtypeStruct((NC, N_PAD, 128), jnp.float32),
    mesh=_MESH,
    scratch_types=[
        pltpu.VMEM((DEG_CHUNKS, CHUNK), jnp.int32),
        pltpu.VMEM((CHUNK, 128), jnp.float32),
        pltpu.VMEM_SHARED((N_PAD, 128), jnp.float32),
        pltpu.SemaphoreType.DMA,
    ],
)
def _deg_kernel(dst_hbm, zeros_hbm, ones_hbm, deg_out, idx_v, ones_v, acc_sh, sem):
    c = lax.axis_index("c")
    s = lax.axis_index("s")
    rbase = s * ROWS_PER_TILE
    pltpu.sync_copy(zeros_hbm, acc_sh.at[pl.ds(rbase, ROWS_PER_TILE)])
    pltpu.sync_copy(ones_hbm, ones_v)
    ebase = (c * NS + s) * DEG_CHUNKS
    pltpu.sync_copy(dst_hbm.at[pl.ds(ebase, DEG_CHUNKS)], idx_v)
    plsc.subcore_barrier()

    def step(j, carry):
        pltpu.async_copy(ones_v, acc_sh.at[idx_v.at[j]], sem, add=True)
        return carry

    lax.fori_loop(0, DEG_CHUNKS, step, 0, unroll=False)

    def drain(j, carry):
        pltpu.make_async_copy(ones_v, acc_sh.at[pl.ds(0, CHUNK)], sem).wait()
        return carry

    lax.fori_loop(0, DEG_CHUNKS, drain, 0, unroll=False)
    plsc.subcore_barrier()
    pltpu.sync_copy(acc_sh.at[pl.ds(rbase, ROWS_PER_TILE)],
                    deg_out.at[c, pl.ds(rbase, ROWS_PER_TILE)])


def _mm_body(x_ref, w_ref, deg_ref, g_ref):
    h = jnp.dot(x_ref[...], w_ref[...], preferred_element_type=jnp.float32)
    deg = deg_ref[0, :, 0] + deg_ref[1, :, 0] + 1.0
    dinv = lax.rsqrt(deg)
    g = h * dinv[:, None]
    g_ref[0] = g[:, :DH]
    g_ref[1] = g[:, DH:]


_MM_BLK = 1280


def _matmul_scale(x_pad, W, deg16):
    grid = N_PAD // _MM_BLK
    return pl.pallas_call(
        _mm_body,
        grid=(grid,),
        in_specs=[
            pl.BlockSpec((_MM_BLK, D), lambda i: (i, 0)),
            pl.BlockSpec((D, D), lambda i: (0, 0)),
            pl.BlockSpec((NC, _MM_BLK, 128), lambda i: (0, i, 0)),
        ],
        out_specs=pl.BlockSpec((NC, _MM_BLK, DH), lambda i: (0, i, 0)),
        out_shape=jax.ShapeDtypeStruct((NC, N_PAD, DH), jnp.float32),
    )(x_pad, W, deg16)


@functools.partial(
    pl.kernel,
    out_type=jax.ShapeDtypeStruct((NC, N_PAD, DH), jnp.float32),
    mesh=_MESH,
    scratch_types=[
        pltpu.VMEM((2, NBUF, AGG_CHUNK), jnp.int32),
        pltpu.VMEM((2, NBUF, AGG_CHUNK), jnp.int32),
        pltpu.VMEM((2, NBUF, AGG_CHUNK), jnp.int32),
        pltpu.VMEM((AGG_CHUNK, DH), jnp.float32),
        pltpu.VMEM((AGG_CHUNK, DH), jnp.float32),
        pltpu.VMEM((AGG_CHUNK, DH), jnp.float32),
        pltpu.VMEM((AGG_CHUNK, DH), jnp.float32),
        pltpu.SemaphoreType.DMA((NBUF,)),
        pltpu.SemaphoreType.DMA((NBUF,)),
        pltpu.SemaphoreType.DMA((2,)),
        pltpu.VMEM_SHARED((N_PAD, DH), jnp.float32),
    ],
)
def _agg_kernel(g_hbm, packed_hbm, acc_out, pring, src_st, dst_st,
                buf0, buf1, buf2, buf3, gsem, ssem, isem, acc_sh):
    bufs = [buf0, buf1, buf2, buf3]
    c = lax.axis_index("c")
    s = lax.axis_index("s")
    coff = c * N_PAD
    rbase = s * ROWS_PER_TILE
    ebase = s * AGG_CHUNKS
    pltpu.sync_copy(g_hbm.at[pl.ds(coff + rbase, ROWS_PER_TILE)],
                    acc_sh.at[pl.ds(rbase, ROWS_PER_TILE)])
    pltpu.sync_copy(packed_hbm.at[pl.ds(ebase, NBUF)], pring.at[0])
    pltpu.sync_copy(packed_hbm.at[pl.ds(ebase + NBUF, NBUF)], pring.at[1])

    def unpack(m1):
        slot = m1 % 2
        for bb in range(NBUF):
            for k in range(AGG_CHUNK // 16):
                v = pring[slot, bb, pl.ds(k * 16, 16)]
                src_st[slot, bb, pl.ds(k * 16, 16)] = (v & MASK15) + coff
                dst_st[slot, bb, pl.ds(k * 16, 16)] = v >> 15

    unpack(0)
    unpack(1)
    plsc.subcore_barrier()

    for b in range(LOOKAHEAD):
        pltpu.async_copy(g_hbm.at[src_st.at[0, b]], bufs[b], gsem.at[b])

    def macro(m, carry):
        slot = m % 2
        slot1 = (m + 1) % 2
        for b in range(NBUF):
            j = m * NBUF + b
            bn = (b + LOOKAHEAD) % NBUF

            if b == 0:
                @pl.when(m + 2 < NMACRO)
                def _():
                    pltpu.async_copy(
                        packed_hbm.at[pl.ds(ebase + (m + 2) * NBUF, NBUF)],
                        pring.at[slot], isem.at[slot])

            if b == LOOKAHEAD:
                @pl.when((m >= 1) & (m + 1 < NMACRO))
                def _():
                    pltpu.make_async_copy(packed_hbm.at[pl.ds(0, NBUF)],
                                          pring.at[0], isem.at[slot1]).wait()

                @pl.when(m + 1 < NMACRO)
                def _():
                    unpack(m + 1)

            @pl.when(j >= LOOKAHEAD)
            def _():
                pltpu.make_async_copy(g_hbm.at[pl.ds(0, AGG_CHUNK)], bufs[bn],
                                      ssem.at[bn]).wait()

            @pl.when(j + LOOKAHEAD < AGG_CHUNKS)
            def _():
                if b < NBUF - LOOKAHEAD:
                    idxref = src_st.at[slot, b + LOOKAHEAD]
                else:
                    idxref = src_st.at[slot1, b + LOOKAHEAD - NBUF]
                pltpu.async_copy(g_hbm.at[idxref], bufs[bn], gsem.at[bn])

            pltpu.make_async_copy(g_hbm.at[pl.ds(0, AGG_CHUNK)], bufs[b],
                                  gsem.at[b]).wait()
            pltpu.async_copy(bufs[b], acc_sh.at[dst_st.at[slot, b]],
                             ssem.at[b], add=True)
        return carry

    lax.fori_loop(0, NMACRO, macro, 0, unroll=False)
    for b in range(NBUF - LOOKAHEAD, NBUF):
        pltpu.make_async_copy(g_hbm.at[pl.ds(0, AGG_CHUNK)], bufs[b],
                              ssem.at[b]).wait()
    plsc.subcore_barrier()
    pltpu.sync_copy(acc_sh.at[pl.ds(rbase, ROWS_PER_TILE)],
                    acc_out.at[c, pl.ds(rbase, ROWS_PER_TILE)])


def _epi_body(acc_ref, deg_ref, b_ref, o_ref):
    deg = deg_ref[0, :, 0] + deg_ref[1, :, 0] + 1.0
    dinv = lax.rsqrt(deg)
    z = jnp.concatenate([acc_ref[0], acc_ref[1]], axis=1)
    z = z * dinv[:, None] + b_ref[0][None, :]
    m = jnp.max(z, axis=1, keepdims=True)
    lse = jnp.log(jnp.sum(jnp.exp(z - m), axis=1, keepdims=True)) + m
    o_ref[...] = z - lse


def _epilogue(accum, deg16, b2d):
    grid = N_PAD // _MM_BLK
    return pl.pallas_call(
        _epi_body,
        grid=(grid,),
        in_specs=[
            pl.BlockSpec((NC, _MM_BLK, DH), lambda i: (0, i, 0)),
            pl.BlockSpec((NC, _MM_BLK, 128), lambda i: (0, i, 0)),
            pl.BlockSpec((1, D), lambda i: (0, 0)),
        ],
        out_specs=pl.BlockSpec((_MM_BLK, D), lambda i: (i, 0)),
        out_shape=jax.ShapeDtypeStruct((N_PAD, D), jnp.float32),
    )(accum, deg16, b2d)


def kernel(x, edge_index, W, b):
    n_edges = edge_index.shape[1]
    src = edge_index[0].astype(jnp.int32)
    dst = edge_index[1].astype(jnp.int32)
    pad = jnp.full((E_PAD - n_edges,), N_NODES, jnp.int32)
    src_p = jnp.concatenate([src, pad])
    dst_p = jnp.concatenate([dst, pad])
    dst_r = dst_p.reshape(E_PAD // CHUNK, CHUNK)
    packed = ((dst_p << 15) | src_p).reshape(E_PAD // AGG_CHUNK, AGG_CHUNK)

    x_pad = jnp.zeros((N_PAD, D), jnp.float32).at[:N_NODES].set(x)
    zeros128 = jnp.zeros((ROWS_PER_TILE, 128), jnp.float32)
    ones128 = jnp.ones((CHUNK, 128), jnp.float32)

    deg128 = _deg_kernel(dst_r, zeros128, ones128)
    g = _matmul_scale(x_pad, W, deg128)
    accum = _agg_kernel(g.reshape(NC * N_PAD, DH), packed)
    out = _epilogue(accum, deg128, b.reshape(1, D))
    return out[:N_NODES]

# --- scband reference (transcript-rebuilt; emitter-appended) ---
"""Pipeline reference for scband-cls-6828998001544 (READ-ONLY COPY).

The authoritative reference and input builder live on the scoring server;
editing this copy changes nothing except your own understanding.
"""

import jax, jax.numpy as jnp
import numpy as np

D_IN = 256
D_OUT = 256
N_NODES = 10000
N_EDGES = 160000

def setup_inputs(seed: int = 0) -> dict:
    key = jax.random.key(seed)
    k1, k2, k3 = jax.random.split(key, 3)
    x = jax.random.normal(k1, (N_NODES, D_IN), dtype=jnp.float32)
    edge_index = jax.random.randint(k2, (2, N_EDGES), 0, N_NODES, dtype=jnp.int64)
    W = jax.random.normal(k3, (D_IN, D_OUT), dtype=jnp.float32) * (1.0 / np.sqrt(D_IN))
    b = jnp.zeros((D_OUT,), dtype=jnp.float32)
    return {"x": x, "edge_index": edge_index, "W": W, "b": b}

def reference(x, edge_index, W, b):
    N = x.shape[0]
    # GCNConv with add_self_loops=True and symmetric normalization (gcn_norm)
    loop = jnp.arange(N, dtype=edge_index.dtype)
    src = jnp.concatenate([edge_index[0], loop])
    dst = jnp.concatenate([edge_index[1], loop])
    ones = jnp.ones(src.shape[0], dtype=x.dtype)
    deg = jnp.zeros((N,), dtype=x.dtype).at[dst].add(ones)
    deg_inv_sqrt = jnp.where(deg > 0, jax.lax.rsqrt(jnp.maximum(deg, 1e-12)), 0.0)
    norm = deg_inv_sqrt[src] * deg_inv_sqrt[dst]
    # linear transform first (as in PyG GCNConv), then propagate
    h = x @ W
    msg = h[src] * norm[:, None]
    out = jnp.zeros((N, W.shape[1]), dtype=x.dtype).at[dst].add(msg)
    out = out + b
    return jax.nn.log_softmax(out, axis=1)

if __name__ == "__main__":
    import jax
    _d = setup_inputs()
    print(jax.jit(kernel)(*tuple(_d.values())))

</pallas_src>

<mosaic_0001>
#map = affine_map<(d0, d1) -> (0, 0)>
#map1 = affine_map<(d0, d1) -> (0, 0, 0)>
module attributes {stable_mosaic.version = 14 : i64} {
  func.func @_deg_kernel(%arg0: i32, %arg1: i32, %arg2: memref<1280x128xi32, #tpu.memory_space<hbm>>, %arg3: memref<640x128xf32, #tpu.memory_space<hbm>>, %arg4: memref<128x128xf32, #tpu.memory_space<hbm>>, %arg5: memref<2x10240x128xf32, #tpu.memory_space<hbm>>, %arg6: memref<40x128xi32, #tpu.memory_space<vmem>>, %arg7: memref<128x128xf32, #tpu.memory_space<vmem>>, %arg8: memref<10240x128xf32, #tpu.memory_space<vmem_shared>>, %arg9: memref<!tpu.dma_semaphore, #tpu.memory_space<semaphore_mem>>) attributes {dimension_semantics = [#tpu.dimension_semantics<core_parallel>, #tpu.dimension_semantics<subcore_parallel>], iteration_bounds = array<i64: 2, 16>, scalar_prefetch = 0 : i64, scratch_operands = 4 : i64, tpu.core_type = #tpu.core_type<sc_vector_subcore>, window_params = [{transform_indices = #map}, {transform_indices = #map}, {transform_indices = #map}, {transform_indices = #map1}]} {
    %mul3A = arith.constant 640 : i32
    %mul3A_0 = arith.muli %arg1, %mul3A : i32
    "tpu.region"() ({
      %run_scoped3A = tpu.sem_alloc : memref<!tpu.dma_semaphore, #tpu.memory_space<semaphore_mem>>
      %dma_start3A = arith.constant 0 : i32
      %dma_start3A_17 = tpu.memref_slice %arg8[%mul3A_0, %dma_start3A] : memref<10240x128xf32, #tpu.memory_space<vmem_shared>> -> memref<640x128xf32, #tpu.memory_space<vmem_shared>>
      tpu.enqueue_dma source(%arg3 : memref<640x128xf32, #tpu.memory_space<hbm>>) target(%dma_start3A_17 : memref<640x128xf32, #tpu.memory_space<vmem_shared>>) target_semaphore(%run_scoped3A : memref<!tpu.dma_semaphore, #tpu.memory_space<semaphore_mem>>)
      %dma_wait3A = arith.constant 0 : i32
      %dma_wait3A_18 = tpu.memref_slice %arg8[%mul3A_0, %dma_wait3A] : memref<10240x128xf32, #tpu.memory_space<vmem_shared>> -> memref<640x128xf32, #tpu.memory_space<vmem_shared>>
      tpu.wait_dma2 semaphore(%run_scoped3A : memref<!tpu.dma_semaphore, #tpu.memory_space<semaphore_mem>>) src(%arg3 : memref<640x128xf32, #tpu.memory_space<hbm>>) dst(%dma_wait3A_18 : memref<640x128xf32, #tpu.memory_space<vmem_shared>>)
      tpu.yield
    }) : () -> ()
    "tpu.region"() ({
      %run_scoped3A = tpu.sem_alloc : memref<!tpu.dma_semaphore, #tpu.memory_space<semaphore_mem>>
      tpu.enqueue_dma source(%arg4 : memref<128x128xf32, #tpu.memory_space<hbm>>) target(%arg7 : memref<128x128xf32, #tpu.memory_space<vmem>>) target_semaphore(%run_scoped3A : memref<!tpu.dma_semaphore, #tpu.memory_space<semaphore_mem>>)
      tpu.wait_dma2 semaphore(%run_scoped3A : memref<!tpu.dma_semaphore, #tpu.memory_space<semaphore_mem>>) src(%arg4 : memref<128x128xf32, #tpu.memory_space<hbm>>) dst(%arg7 : memref<128x128xf32, #tpu.memory_space<vmem>>)
      tpu.yield
    }) : () -> ()
    %mul3A_1 = arith.constant 16 : i32
    %mul3A_2 = arith.muli %arg0, %mul3A_1 : i32
    %add3A = arith.addi %mul3A_2, %arg1 : i32
    %mul3A_3 = arith.constant 40 : i32
    %mul3A_4 = arith.muli %add3A, %mul3A_3 : i32
    "tpu.region"() ({
      %run_scoped3A = tpu.sem_alloc : memref<!tpu.dma_semaphore, #tpu.memory_space<semaphore_mem>>
      %dma_start3A = arith.constant 0 : i32
      %dma_start3A_17 = tpu.memref_slice %arg2[%mul3A_4, %dma_start3A] : memref<1280x128xi32, #tpu.memory_space<hbm>> -> memref<40x128xi32, #tpu.memory_space<hbm>>
      %dma_start3A_18 = arith.constant 0 : i32
      %dma_start3A_19 = tpu.memref_slice %arg2[%mul3A_4, %dma_start3A_18] : memref<1280x128xi32, #tpu.memory_space<hbm>> -> memref<40x128xi32, #tpu.memory_space<hbm>>
      tpu.enqueue_dma source(%dma_start3A_19 : memref<40x128xi32, #tpu.memory_space<hbm>>) target(%arg6 : memref<40x128xi32, #tpu.memory_space<vmem>>) target_semaphore(%run_scoped3A : memref<!tpu.dma_semaphore, #tpu.memory_space<semaphore_mem>>)
      %dma_wait3A = arith.constant 0 : i32
      %dma_wait3A_20 = tpu.memref_slice %arg2[%mul3A_4, %dma_wait3A] : memref<1280x128xi32, #tpu.memory_space<hbm>> -> memref<40x128xi32, #tpu.memory_space<hbm>>
      %dma_wait3A_21 = arith.constant 0 : i32
      %dma_wait3A_22 = tpu.memref_slice %arg2[%mul3A_4, %dma_wait3A_21] : memref<1280x128xi32, #tpu.memory_space<hbm>> -> memref<40x128xi32, #tpu.memory_space<hbm>>
      tpu.wait_dma2 semaphore(%run_scoped3A : memref<!tpu.dma_semaphore, #tpu.memory_space<semaphore_mem>>) src(%dma_wait3A_22 : memref<40x128xi32, #tpu.memory_space<hbm>>) dst(%arg6 : memref<40x128xi32, #tpu.memory_space<vmem>>)
      tpu.yield
    }) : () -> ()
    %barrier3A = arith.constant 0 : index
    tpu.barrier barrier_id(%barrier3A)
    %scan3A = arith.constant 0 : i32
    %scan3A_5 = arith.constant 0 : i32
    %scan3A_6 = arith.constant 40 : i32
    %scan3A_7 = arith.addi %scan3A_5, %scan3A_6 : i32
    %scan3A_8 = arith.constant 1 : i32
    scf.for %scan3A_17 = %scan3A_5 to %scan3A_7 step %scan3A_8  : i32 {
      %dma_start3A = arith.constant 0 : i32
      %dma_start3A_18 = tpu.memref_slice %arg6[%scan3A_17, %dma_start3A] : memref<40x128xi32, #tpu.memory_space<vmem>> -> memref<1x128xi32, #tpu.memory_space<vmem>>
      %dma_start3A_19 = tpu.memref_squeeze %dma_start3A_18 : memref<1x128xi32, #tpu.memory_space<vmem>> -> memref<128xi32, #tpu.memory_space<vmem>>
      %dma_start3A_20 = arith.constant 0 : i32
      %dma_start3A_21 = arith.constant 0 : i32
      %dma_start3A_22 = tpu.memref_slice %arg8[%dma_start3A_20, %dma_start3A_21] : memref<10240x128xf32, #tpu.memory_space<vmem_shared>> -> memref<10240x128xf32, #tpu.memory_space<vmem_shared>>
      tpu.enqueue_indirect_dma source(%arg7 : memref<128x128xf32, #tpu.memory_space<vmem>>) target(%dma_start3A_22 : memref<10240x128xf32, #tpu.memory_space<vmem_shared>>) offsets(%dma_start3A_19 : memref<128xi32, #tpu.memory_space<vmem>>) semaphore(%arg9 : memref<!tpu.dma_semaphore, #tpu.memory_space<semaphore_mem>>) {add = true}
    }
    %scan3A_9 = arith.constant 40 : i32
    %scan3A_10 = arith.constant 0 : i32
    %scan3A_11 = arith.constant 0 : i32
    %scan3A_12 = arith.constant 40 : i32
    %scan3A_13 = arith.addi %scan3A_11, %scan3A_12 : i32
    %scan3A_14 = arith.constant 1 : i32
    scf.for %scan3A_17 = %scan3A_11 to %scan3A_13 step %scan3A_14  : i32 {
      %dma_wait3A = arith.constant 0 : i32
      %dma_wait3A_18 = arith.constant 0 : i32
      %dma_wait3A_19 = tpu.memref_slice %arg8[%dma_wait3A, %dma_wait3A_18] : memref<10240x128xf32, #tpu.memory_space<vmem_shared>> -> memref<128x128xf32, #tpu.memory_space<vmem_shared>>
      %dma_wait3A_20 = arith.constant 0 : i32
      %dma_wait3A_21 = arith.constant 0 : i32
      %dma_wait3A_22 = tpu.memref_slice %arg8[%dma_wait3A_20, %dma_wait3A_21] : memref<10240x128xf32, #tpu.memory_space<vmem_shared>> -> memref<128x128xf32, #tpu.memory_space<vmem_shared>>
      tpu.wait_dma2 semaphore(%arg9 : memref<!tpu.dma_semaphore, #tpu.memory_space<semaphore_mem>>) src(%arg7 : memref<128x128xf32, #tpu.memory_space<vmem>>) dst(%dma_wait3A_22 : memref<128x128xf32, #tpu.memory_space<vmem_shared>>)
    }
    %scan3A_15 = arith.constant 40 : i32
    %barrier3A_16 = arith.constant 0 : index
    tpu.barrier barrier_id(%barrier3A_16)
    "tpu.region"() ({
      %run_scoped3A = tpu.sem_alloc : memref<!tpu.dma_semaphore, #tpu.memory_space<semaphore_mem>>
      %dma_start3A = arith.constant 0 : i32
      %dma_start3A_17 = tpu.memref_slice %arg5[%arg0, %mul3A_0, %dma_start3A] : memref<2x10240x128xf32, #tpu.memory_space<hbm>> -> memref<1x640x128xf32, #tpu.memory_space<hbm>>
      %dma_start3A_18 = tpu.memref_squeeze %dma_start3A_17 : memref<1x640x128xf32, #tpu.memory_space<hbm>> -> memref<640x128xf32, #tpu.memory_space<hbm>>
      %dma_start3A_19 = arith.constant 0 : i32
      %dma_start3A_20 = tpu.memref_slice %arg8[%mul3A_0, %dma_start3A_19] : memref<10240x128xf32, #tpu.memory_space<vmem_shared>> -> memref<640x128xf32, #tpu.memory_space<vmem_shared>>
      tpu.enqueue_dma source(%dma_start3A_20 : memref<640x128xf32, #tpu.memory_space<vmem_shared>>) target(%dma_start3A_18 : memref<640x128xf32, #tpu.memory_space<hbm>>) target_semaphore(%run_scoped3A : memref<!tpu.dma_semaphore, #tpu.memory_space<semaphore_mem>>)
      %dma_wait3A = arith.constant 0 : i32
      %dma_wait3A_21 = tpu.memref_slice %arg5[%arg0, %mul3A_0, %dma_wait3A] : memref<2x10240x128xf32, #tpu.memory_space<hbm>> -> memref<1x640x128xf32, #tpu.memory_space<hbm>>
      %dma_wait3A_22 = tpu.memref_squeeze %dma_wait3A_21 : memref<1x640x128xf32, #tpu.memory_space<hbm>> -> memref<640x128xf32, #tpu.memory_space<hbm>>
      %dma_wait3A_23 = arith.constant 0 : i32
      %dma_wait3A_24 = tpu.memref_slice %arg8[%mul3A_0, %dma_wait3A_23] : memref<10240x128xf32, #tpu.memory_space<vmem_shared>> -> memref<640x128xf32, #tpu.memory_space<vmem_shared>>
      tpu.wait_dma2 semaphore(%run_scoped3A : memref<!tpu.dma_semaphore, #tpu.memory_space<semaphore_mem>>) src(%dma_wait3A_24 : memref<640x128xf32, #tpu.memory_space<vmem_shared>>) dst(%dma_wait3A_22 : memref<640x128xf32, #tpu.memory_space<hbm>>)
      tpu.yield
    }) : () -> ()
    return
  }
}

#map = affine_map<(d0, d1) -> (0, 0)>
#map1 = affine_map<(d0, d1) -> (0, 0, 0)>
module attributes {stable_mosaic.version = 14 : i64} {
  func.func @_agg_kernel(%arg0: i32, %arg1: i32, %arg2: memref<20480x128xf32, #tpu.memory_space<hbm>>, %arg3: memref<2560x64xi32, #tpu.memory_space<hbm>>, %arg4: memref<2x10240x128xf32, #tpu.memory_space<hbm>>, %arg5: memref<2x4x64xi32, #tpu.memory_space<vmem>>, %arg6: memref<2x4x64xi32, #tpu.memory_space<vmem>>, %arg7: memref<2x4x64xi32, #tpu.memory_space<vmem>>, %arg8: memref<64x128xf32, #tpu.memory_space<vmem>>, %arg9: memref<64x128xf32, #tpu.memory_space<vmem>>, %arg10: memref<64x128xf32, #tpu.memory_space<vmem>>, %arg11: memref<64x128xf32, #tpu.memory_space<vmem>>, %arg12: memref<4x!tpu.dma_semaphore, #tpu.memory_space<semaphore_mem>>, %arg13: memref<4x!tpu.dma_semaphore, #tpu.memory_space<semaphore_mem>>, %arg14: memref<2x!tpu.dma_semaphore, #tpu.memory_space<semaphore_mem>>, %arg15: memref<10240x128xf32, #tpu.memory_space<vmem_shared>>) attributes {dimension_semantics = [#tpu.dimension_semantics<core_parallel>, #tpu.dimension_semantics<subcore_parallel>], iteration_bounds = array<i64: 2, 16>, scalar_prefetch = 0 : i64, scratch_operands = 11 : i64, tpu.core_type = #tpu.core_type<sc_vector_subcore>, window_params = [{transform_indices = #map}, {transform_indices = #map}, {transform_indices = #map1}]} {
    %mul3A = arith.constant 10240 : i32
    %mul3A_0 = arith.muli %arg0, %mul3A : i32
    %mul3A_1 = arith.constant 640 : i32
    %mul3A_2 = arith.muli %arg1, %mul3A_1 : i32
    %mul3A_3 = arith.constant 160 : i32
    %mul3A_4 = arith.muli %arg1, %mul3A_3 : i32
    %add3A = arith.addi %mul3A_0, %mul3A_2 : i32
    "tpu.region"() ({
      %run_scoped3A_1040 = tpu.sem_alloc : memref<!tpu.dma_semaphore, #tpu.memory_space<semaphore_mem>>
      %dma_start3A_1041 = arith.constant 0 : i32
      %dma_start3A_1042 = tpu.memref_slice %arg15[%mul3A_2, %dma_start3A_1041] : memref<10240x128xf32, #tpu.memory_space<vmem_shared>> -> memref<640x128xf32, #tpu.memory_space<vmem_shared>>
      %dma_start3A_1043 = arith.constant 0 : i32
      %dma_start3A_1044 = tpu.memref_slice %arg2[%add3A, %dma_start3A_1043] : memref<20480x128xf32, #tpu.memory_space<hbm>> -> memref<640x128xf32, #tpu.memory_space<hbm>>
      tpu.enqueue_dma source(%dma_start3A_1044 : memref<640x128xf32, #tpu.memory_space<hbm>>) target(%dma_start3A_1042 : memref<640x128xf32, #tpu.memory_space<vmem_shared>>) target_semaphore(%run_scoped3A_1040 : memref<!tpu.dma_semaphore, #tpu.memory_space<semaphore_mem>>)
      %dma_wait3A_1045 = arith.constant 0 : i32
      %dma_wait3A_1046 = tpu.memref_slice %arg15[%mul3A_2, %dma_wait3A_1045] : memref<10240x128xf32, #tpu.memory_space<vmem_shared>> -> memref<640x128xf32, #tpu.memory_space<vmem_shared>>
      %dma_wait3A_1047 = arith.constant 0 : i32
      %dma_wait3A_1048 = tpu.memref_slice %arg2[%add3A, %dma_wait3A_1047] : memref<20480x128xf32, #tpu.memory_space<hbm>> -> memref<640x128xf32, #tpu.memory_space<hbm>>
      tpu.wait_dma2 semaphore(%run_scoped3A_1040 : memref<!tpu.dma_semaphore, #tpu.memory_space<semaphore_mem>>) src(%dma_wait3A_1048 : memref<640x128xf32, #tpu.memory_space<hbm>>) dst(%dma_wait3A_1046 : memref<640x128xf32, #tpu.memory_space<vmem_shared>>)
      tpu.yield
    }) : () -> ()
    %run_scoped3A = arith.constant 0 : i32
    "tpu.region"() ({
      %run_scoped3A_1040 = tpu.sem_alloc : memref<!tpu.dma_semaphore, #tpu.memory_space<semaphore_mem>>
      %dma_start3A_1041 = arith.constant 0 : i32
      %dma_start3A_1042 = arith.constant 0 : i32
      %dma_start3A_1043 = tpu.memref_slice %arg5[%run_scoped3A, %dma_start3A_1041, %dma_start3A_1042] : memref<2x4x64xi32, #tpu.memory_space<vmem>> -> memref<1x4x64xi32, #tpu.memory_space<vmem>>
      %dma_start3A_1044 = tpu.memref_squeeze %dma_start3A_1043 : memref<1x4x64xi32, #tpu.memory_space<vmem>> -> memref<4x64xi32, #tpu.memory_space<vmem>>
      %dma_start3A_1045 = arith.constant 0 : i32
      %dma_start3A_1046 = tpu.memref_slice %arg3[%mul3A_4, %dma_start3A_1045] : memref<2560x64xi32, #tpu.memory_space<hbm>> -> memref<4x64xi32, #tpu.memory_space<hbm>>
      %dma_start3A_1047 = arith.constant 0 : i32
      %dma_start3A_1048 = arith.constant 0 : i32
      %dma_start3A_1049 = tpu.memref_slice %arg5[%run_scoped3A, %dma_start3A_1047, %dma_start3A_1048] : memref<2x4x64xi32, #tpu.memory_space<vmem>> -> memref<1x4x64xi32, #tpu.memory_space<vmem>>
      %dma_start3A_1050 = tpu.memref_squeeze %dma_start3A_1049 : memref<1x4x64xi32, #tpu.memory_space<vmem>> -> memref<4x64xi32, #tpu.memory_space<vmem>>
      %dma_start3A_1051 = arith.constant 0 : i32
      %dma_start3A_1052 = tpu.memref_slice %arg3[%mul3A_4, %dma_start3A_1051] : memref<2560x64xi32, #tpu.memory_space<hbm>> -> memref<4x64xi32, #tpu.memory_space<hbm>>
      tpu.enqueue_dma source(%dma_start3A_1052 : memref<4x64xi32, #tpu.memory_space<hbm>>) target(%dma_start3A_1050 : memref<4x64xi32, #tpu.memory_space<vmem>>) target_semaphore(%run_scoped3A_1040 : memref<!tpu.dma_semaphore, #tpu.memory_space<semaphore_mem>>)
      %dma_wait3A_1053 = arith.constant 0 : i32
      %dma_wait3A_1054 = arith.constant 0 : i32
      %dma_wait3A_1055 = tpu.memref_slice %arg5[%run_scoped3A, %dma_wait3A_1053, %dma_wait3A_1054] : memref<2x4x64xi32, #tpu.memory_space<vmem>> -> memref<1x4x64xi32, #tpu.memory_space<vmem>>
      %dma_wait3A_1056 = tpu.memref_squeeze %dma_wait3A_1055 : memref<1x4x64xi32, #tpu.memory_space<vmem>> -> memref<4x64xi32, #tpu.memory_space<vmem>>
      %dma_wait3A_1057 = arith.constant 0 : i32
      %dma_wait3A_1058 = tpu.memref_slice %arg3[%mul3A_4, %dma_wait3A_1057] : memref<2560x64xi32, #tpu.memory_space<hbm>> -> memref<4x64xi32, #tpu.memory_space<hbm>>
      %dma_wait3A_1059 = arith.constant 0 : i32
      %dma_wait3A_1060 = arith.constant 0 : i32
      %dma_wait3A_1061 = tpu.memref_slice %arg5[%run_scoped3A, %dma_wait3A_1059, %dma_wait3A_1060] : memref<2x4x64xi32, #tpu.memory_space<vmem>> -> memref<1x4x64xi32, #tpu.memory_space<vmem>>
      %dma_wait3A_1062 = tpu.memref_squeeze %dma_wait3A_1061 : memref<1x4x64xi32, #tpu.memory_space<vmem>> -> memref<4x64xi32, #tpu.memory_space<vmem>>
      %dma_wait3A_1063 = arith.constant 0 : i32
      %dma_wait3A_1064 = tpu.memref_slice %arg3[%mul3A_4, %dma_wait3A_1063] : memref<2560x64xi32, #tpu.memory_space<hbm>> -> memref<4x64xi32, #tpu.memory_space<hbm>>
      tpu.wait_dma2 semaphore(%run_scoped3A_1040 : memref<!tpu.dma_semaphore, #tpu.memory_space<semaphore_mem>>) src(%dma_wait3A_1064 : memref<4x64xi32, #tpu.memory_space<hbm>>) dst(%dma_wait3A_1062 : memref<4x64xi32, #tpu.memory_space<vmem>>)
      tpu.yield
    }) : () -> ()
    %add3A_5 = arith.constant 4 : i32
    %add3A_6 = arith.addi %mul3A_4, %add3A_5 : i32
    %run_scoped3A_7 = arith.constant 1 : i32
    "tpu.region"() ({
      %run_scoped3A_1040 = tpu.sem_alloc : memref<!tpu.dma_semaphore, #tpu.memory_space<semaphore_mem>>
      %dma_start3A_1041 = arith.constant 0 : i32
      %dma_start3A_1042 = arith.constant 0 : i32
      %dma_start3A_1043 = tpu.memref_slice %arg5[%run_scoped3A_7, %dma_start3A_1041, %dma_start3A_1042] : memref<2x4x64xi32, #tpu.memory_space<vmem>> -> memref<1x4x64xi32, #tpu.memory_space<vmem>>
      %dma_start3A_1044 = tpu.memref_squeeze %dma_start3A_1043 : memref<1x4x64xi32, #tpu.memory_space<vmem>> -> memref<4x64xi32, #tpu.memory_space<vmem>>
      %dma_start3A_1045 = arith.constant 0 : i32
      %dma_start3A_1046 = tpu.memref_slice %arg3[%add3A_6, %dma_start3A_1045] : memref<2560x64xi32, #tpu.memory_space<hbm>> -> memref<4x64xi32, #tpu.memory_space<hbm>>
      %dma_start3A_1047 = arith.constant 0 : i32
      %dma_start3A_1048 = arith.constant 0 : i32
      %dma_start3A_1049 = tpu.memref_slice %arg5[%run_scoped3A_7, %dma_start3A_1047, %dma_start3A_1048] : memref<2x4x64xi32, #tpu.memory_space<vmem>> -> memref<1x4x64xi32, #tpu.memory_space<vmem>>
      %dma_start3A_1050 = tpu.memref_squeeze %dma_start3A_1049 : memref<1x4x64xi32, #tpu.memory_space<vmem>> -> memref<4x64xi32, #tpu.memory_space<vmem>>
      %dma_start3A_1051 = arith.constant 0 : i32
      %dma_start3A_1052 = tpu.memref_slice %arg3[%add3A_6, %dma_start3A_1051] : memref<2560x64xi32, #tpu.memory_space<hbm>> -> memref<4x64xi32, #tpu.memory_space<hbm>>
      tpu.enqueue_dma source(%dma_start3A_1052 : memref<4x64xi32, #tpu.memory_space<hbm>>) target(%dma_start3A_1050 : memref<4x64xi32, #tpu.memory_space<vmem>>) target_semaphore(%run_scoped3A_1040 : memref<!tpu.dma_semaphore, #tpu.memory_space<semaphore_mem>>)
      %dma_wait3A_1053 = arith.constant 0 : i32
      %dma_wait3A_1054 = arith.constant 0 : i32
      %dma_wait3A_1055 = tpu.memref_slice %arg5[%run_scoped3A_7, %dma_wait3A_1053, %dma_wait3A_1054] : memref<2x4x64xi32, #tpu.memory_space<vmem>> -> memref<1x4x64xi32, #tpu.memory_space<vmem>>
      %dma_wait3A_1056 = tpu.memref_squeeze %dma_wait3A_1055 : memref<1x4x64xi32, #tpu.memory_space<vmem>> -> memref<4x64xi32, #tpu.memory_space<vmem>>
      %dma_wait3A_1057 = arith.constant 0 : i32
      %dma_wait3A_1058 = tpu.memref_slice %arg3[%add3A_6, %dma_wait3A_1057] : memref<2560x64xi32, #tpu.memory_space<hbm>> -> memref<4x64xi32, #tpu.memory_space<hbm>>
      %dma_wait3A_1059 = arith.constant 0 : i32
      %dma_wait3A_1060 = arith.constant 0 : i32
      %dma_wait3A_1061 = tpu.memref_slice %arg5[%run_scoped3A_7, %dma_wait3A_1059, %dma_wait3A_1060] : memref<2x4x64xi32, #tpu.memory_space<vmem>> -> memref<1x4x64xi32, #tpu.memory_space<vmem>>
      %dma_wait3A_1062 = tpu.memref_squeeze %dma_wait3A_1061 : memref<1x4x64xi32, #tpu.memory_space<vmem>> -> memref<4x64xi32, #tpu.memory_space<vmem>>
      %dma_wait3A_1063 = arith.constant 0 : i32
      %dma_wait3A_1064 = tpu.memref_slice %arg3[%add3A_6, %dma_wait3A_1063] : memref<2560x64xi32, #tpu.memory_space<hbm>> -> memref<4x64xi32, #tpu.memory_space<hbm>>
      tpu.wait_dma2 semaphore(%run_scoped3A_1040 : memref<!tpu.dma_semaphore, #tpu.memory_space<semaphore_mem>>) src(%dma_wait3A_1064 : memref<4x64xi32, #tpu.memory_space<hbm>>) dst(%dma_wait3A_1062 : memref<4x64xi32, #tpu.memory_space<vmem>>)
      tpu.yield
    }) : () -> ()
    %get3A = arith.constant 0 : i32
    %get3A_8 = arith.constant 0 : i32
    %get3A_9 = arith.index_cast %get3A : i32 to index
    %get3A_10 = arith.index_cast %get3A_8 : i32 to index
    %get3A_11 = arith.constant 0 : index
    %get3A_12 = tpu.vector_load %arg5[%get3A_9, %get3A_10, %get3A_11] {strides = array<i32>} : memref<2x4x64xi32, #tpu.memory_space<vmem>>, vector<1x1x16xi32>,
    %get3A_13 = vector.shape_cast %get3A_12 : vector<1x1x16xi32> to vector<16xi32>
    %and3A = arith.constant 32767 : i32
    %and3A_14 = vector.broadcast %and3A : i32 to vector<16xi32>
    %and3A_15 = arith.andi %get3A_13, %and3A_14 : vector<16xi32>
    %add3A_16 = vector.broadcast %mul3A_0 : i32 to vector<16xi32>
    %add3A_17 = arith.addi %and3A_15, %add3A_16 : vector<16xi32>
    %swap3A = arith.constant 0 : i32
    %swap3A_18 = arith.constant 0 : i32
    %swap3A_19 = arith.index_cast %swap3A : i32 to index
    %swap3A_20 = arith.index_cast %swap3A_18 : i32 to index
    %swap3A_21 = arith.constant 0 : index
    %swap3A_22 = tpu.vector_load %arg6[%swap3A_19, %swap3A_20, %swap3A_21] {strides = array<i32>} : memref<2x4x64xi32, #tpu.memory_space<vmem>>, vector<1x1x16xi32>,
    %swap3A_23 = vector.shape_cast %swap3A_22 : vector<1x1x16xi32> to vector<16xi32>
    %swap3A_24 = vector.shape_cast %add3A_17 : vector<16xi32> to vector<1x1x16xi32>
    tpu.vector_store %arg6[%swap3A_19, %swap3A_20, %swap3A_21], %swap3A_24 {strides = array<i32>} : memref<2x4x64xi32, #tpu.memory_space<vmem>>, vector<1x1x16xi32>,
    %shift_right_arithmetic3A = arith.constant 15 : i32
    %shift_right_arithmetic3A_25 = vector.broadcast %shift_right_arithmetic3A : i32 to vector<16xi32>
    %shift_right_arithmetic3A_26 = arith.shrsi %get3A_13, %shift_right_arithmetic3A_25 : vector<16xi32>
    %swap3A_27 = arith.constant 0 : i32
    %swap3A_28 = arith.constant 0 : i32
    %swap3A_29 = arith.index_cast %swap3A_27 : i32 to index
    %swap3A_30 = arith.index_cast %swap3A_28 : i32 to index
    %swap3A_31 = arith.constant 0 : index
    %swap3A_32 = tpu.vector_load %arg7[%swap3A_29, %swap3A_30, %swap3A_31] {strides = array<i32>} : memref<2x4x64xi32, #tpu.memory_space<vmem>>, vector<1x1x16xi32>,
    %swap3A_33 = vector.shape_cast %swap3A_32 : vector<1x1x16xi32> to vector<16xi32>
    %swap3A_34 = vector.shape_cast %shift_right_arithmetic3A_26 : vector<16xi32> to vector<1x1x16xi32>
    tpu.vector_store %arg7[%swap3A_29, %swap3A_30, %swap3A_31], %swap3A_34 {strides = array<i32>} : memref<2x4x64xi32, #tpu.memory_space<vmem>>, vector<1x1x16xi32>,
    %get3A_35 = arith.constant 0 : i32
    %get3A_36 = arith.constant 0 : i32
    %get3A_37 = arith.index_cast %get3A_35 : i32 to index
    %get3A_38 = arith.index_cast %get3A_36 : i32 to index
    %get3A_39 = arith.constant 16 : index
    %get3A_40 = tpu.vector_load %arg5[%get3A_37, %get3A_38, %get3A_39] {strides = array<i32>} : memref<2x4x64xi32, #tpu.memory_space<vmem>>, vector<1x1x16xi32>,
    %get3A_41 = vector.shape_cast %get3A_40 : vector<1x1x16xi32> to vector<16xi32>
    %and3A_42 = arith.constant 32767 : i32
    %and3A_43 = vector.broadcast %and3A_42 : i32 to vector<16xi32>
    %and3A_44 = arith.andi %get3A_41, %and3A_43 : vector<16xi32>
    %add3A_45 = vector.broadcast %mul3A_0 : i32 to vector<16xi32>
    %add3A_46 = arith.addi %and3A_44, %add3A_45 : vector<16xi32>
    %swap3A_47 = arith.constant 0 : i32
    %swap3A_48 = arith.constant 0 : i32
    %swap3A_49 = arith.index_cast %swap3A_47 : i32 to index
    %swap3A_50 = arith.index_cast %swap3A_48 : i32 to index
    %swap3A_51 = arith.constant 16 : index
    %swap3A_52 = tpu.vector_load %arg6[%swap3A_49, %swap3A_50, %swap3A_51] {strides = array<i32>} : memref<2x4x64xi32, #tpu.memory_space<vmem>>, vector<1x1x16xi32>,
    %swap3A_53 = vector.shape_cast %swap3A_52 : vector<1x1x16xi32> to vector<16xi32>
    %swap3A_54 = vector.shape_cast %add3A_46 : vector<16xi32> to vector<1x1x16xi32>
    tpu.vector_store %arg6[%swap3A_49, %swap3A_50, %swap3A_51], %swap3A_54 {strides = array<i32>} : memref<2x4x64xi32, #tpu.memory_space<vmem>>, vector<1x1x16xi32>,
    %shift_right_arithmetic3A_55 = arith.constant 15 : i32
    %shift_right_arithmetic3A_56 = vector.broadcast %shift_right_arithmetic3A_55 : i32 to vector<16xi32>
    %shift_right_arithmetic3A_57 = arith.shrsi %get3A_41, %shift_right_arithmetic3A_56 : vector<16xi32>
    %swap3A_58 = arith.constant 0 : i32
    %swap3A_59 = arith.constant 0 : i32
    %swap3A_60 = arith.index_cast %swap3A_58 : i32 to index
    %swap3A_61 = arith.index_cast %swap3A_59 : i32 to index
    %swap3A_62 = arith.constant 16 : index
    %swap3A_63 = tpu.vector_load %arg7[%swap3A_60, %swap3A_61, %swap3A_62] {strides = array<i32>} : memref<2x4x64xi32, #tpu.memory_space<vmem>>, vector<1x1x16xi32>,
    %swap3A_64 = vector.shape_cast %swap3A_63 : vector<1x1x16xi32> to vector<16xi32>
    %swap3A_65 = vector.shape_cast %shift_right_arithmetic3A_57 : vector<16xi32> to vector<1x1x16xi32>
    tpu.vector_store %arg7[%swap3A_60, %swap3A_61, %swap3A_62], %swap3A_65 {strides = array<i32>} : memref<2x4x64xi32, #tpu.memory_space<vmem>>, vector<1x1x16xi32>,
    %get3A_66 = arith.constant 0 : i32
    %get3A_67 = arith.constant 0 : i32
    %get3A_68 = arith.index_cast %get3A_66 : i32 to index
    %get3A_69 = arith.index_cast %get3A_67 : i32 to index
    %get3A_70 = arith.constant 32 : index
    %get3A_71 = tpu.vector_load %arg5[%get3A_68, %get3A_69, %get3A_70] {strides = array<i32>} : memref<2x4x64xi32, #tpu.memory_space<vmem>>, vector<1x1x16xi32>,
    %get3A_72 = vector.shape_cast %get3A_71 : vector<1x1x16xi32> to vector<16xi32>
    %and3A_73 = arith.constant 32767 : i32
    %and3A_74 = vector.broadcast %and3A_73 : i32 to vector<16xi32>
    %and3A_75 = arith.andi %get3A_72, %and3A_74 : vector<16xi32>
    %add3A_76 = vector.broadcast %mul3A_0 : i32 to vector<16xi32>
    %add3A_77 = arith.addi %and3A_75, %add3A_76 : vector<16xi32>
    %swap3A_78 = arith.constant 0 : i32
    %swap3A_79 = arith.constant 0 : i32
    %swap3A_80 = arith.index_cast %swap3A_78 : i32 to index
    %swap3A_81 = arith.index_cast %swap3A_79 : i32 to index
    %swap3A_82 = arith.constant 32 : index
    %swap3A_83 = tpu.vector_load %arg6[%swap3A_80, %swap3A_81, %swap3A_82] {strides = array<i32>} : memref<2x4x64xi32, #tpu.memory_space<vmem>>, vector<1x1x16xi32>,
    %swap3A_84 = vector.shape_cast %swap3A_83 : vector<1x1x16xi32> to vector<16xi32>
    %swap3A_85 = vector.shape_cast %add3A_77 : vector<16xi32> to vector<1x1x16xi32>
    tpu.vector_store %arg6[%swap3A_80, %swap3A_81, %swap3A_82], %swap3A_85 {strides = array<i32>} : memref<2x4x64xi32, #tpu.memory_space<vmem>>, vector<1x1x16xi32>,
    %shift_right_arithmetic3A_86 = arith.constant 15 : i32
    %shift_right_arithmetic3A_87 = vector.broadcast %shift_right_arithmetic3A_86 : i32 to vector<16xi32>
    %shift_right_arithmetic3A_88 = arith.shrsi %get3A_72, %shift_right_arithmetic3A_87 : vector<16xi32>
    %swap3A_89 = arith.constant 0 : i32
    %swap3A_90 = arith.constant 0 : i32
    %swap3A_91 = arith.index_cast %swap3A_89 : i32 to index
    %swap3A_92 = arith.index_cast %swap3A_90 : i32 to index
    %swap3A_93 = arith.constant 32 : index
    %swap3A_94 = tpu.vector_load %arg7[%swap3A_91, %swap3A_92, %swap3A_93] {strides = array<i32>} : memref<2x4x64xi32, #tpu.memory_space<vmem>>, vector<1x1x16xi32>,
    %swap3A_95 = vector.shape_cast %swap3A_94 : vector<1x1x16xi32> to vector<16xi32>
    %swap3A_96 = vector.shape_cast %shift_right_arithmetic3A_88 : vector<16xi32> to vector<1x1x16xi32>
    tpu.vector_store %arg7[%swap3A_91, %swap3A_92, %swap3A_93], %swap3A_96 {strides = array<i32>} : memref<2x4x64xi32, #tpu.memory_space<vmem>>, vector<1x1x16xi32>,
    %get3A_97 = arith.constant 0 : i32
    %get3A_98 = arith.constant 0 : i32
    %get3A_99 = arith.index_cast %get3A_97 : i32 to index
    %get3A_100 = arith.index_cast %get3A_98 : i32 to index
    %get3A_101 = arith.constant 48 : index
    %get3A_102 = tpu.vector_load %arg5[%get3A_99, %get3A_100, %get3A_101] {strides = array<i32>} : memref<2x4x64xi32, #tpu.memory_space<vmem>>, vector<1x1x16xi32>,
    %get3A_103 = vector.shape_cast %get3A_102 : vector<1x1x16xi32> to vector<16xi32>
    %and3A_104 = arith.constant 32767 : i32
    %and3A_105 = vector.broadcast %and3A_104 : i32 to vector<16xi32>
    %and3A_106 = arith.andi %get3A_103, %and3A_105 : vector<16xi32>
    %add3A_107 = vector.broadcast %mul3A_0 : i32 to vector<16xi32>
    %add3A_108 = arith.addi %and3A_106, %add3A_107 : vector<16xi32>
    %swap3A_109 = arith.constant 0 : i32
    %swap3A_110 = arith.constant 0 : i32
    %swap3A_111 = arith.index_cast %swap3A_109 : i32 to index
    %swap3A_112 = arith.index_cast %swap3A_110 : i32 to index
    %swap3A_113 = arith.constant 48 : index
    %swap3A_114 = tpu.vector_load %arg6[%swap3A_111, %swap3A_112, %swap3A_113] {strides = array<i32>} : memref<2x4x64xi32, #tpu.memory_space<vmem>>, vector<1x1x16xi32>,
    %swap3A_115 = vector.shape_cast %swap3A_114 : vector<1x1x16xi32> to vector<16xi32>
    %swap3A_116 = vector.shape_cast %add3A_108 : vector<16xi32> to vector<1x1x16xi32>
    tpu.vector_store %arg6[%swap3A_111, %swap3A_112, %swap3A_113], %swap3A_116 {strides = array<i32>} : memref<2x4x64xi32, #tpu.memory_space<vmem>>, vector<1x1x16xi32>,
    %shift_right_arithmetic3A_117 = arith.constant 15 : i32
    %shift_right_arithmetic3A_118 = vector.broadcast %shift_right_arithmetic3A_117 : i32 to vector<16xi32>
    %shift_right_arithmetic3A_119 = arith.shrsi %get3A_103, %shift_right_arithmetic3A_118 : vector<16xi32>
    %swap3A_120 = arith.constant 0 : i32
    %swap3A_121 = arith.constant 0 : i32
    %swap3A_122 = arith.index_cast %swap3A_120 : i32 to index
    %swap3A_123 = arith.index_cast %swap3A_121 : i32 to index
    %swap3A_124 = arith.constant 48 : index
    %swap3A_125 = tpu.vector_load %arg7[%swap3A_122, %swap3A_123, %swap3A_124] {strides = array<i32>} : memref<2x4x64xi32, #tpu.memory_space<vmem>>, vector<1x1x16xi32>,
    %swap3A_126 = vector.shape_cast %swap3A_125 : vector<1x1x16xi32> to vector<16xi32>
    %swap3A_127 = vector.shape_cast %shift_right_arithmetic3A_119 : vector<16xi32> to vector<1x1x16xi32>
    tpu.vector_store %arg7[%swap3A_122, %swap3A_123, %swap3A_124], %swap3A_127 {strides = array<i32>} : memref<2x4x64xi32, #tpu.memory_space<vmem>>, vector<1x1x16xi32>,
    %get3A_128 = arith.constant 0 : i32
    %get3A_129 = arith.constant 1 : i32
    %get3A_130 = arith.index_cast %get3A_128 : i32 to index
    %get3A_131 = arith.index_cast %get3A_129 : i32 to index
    %get3A_132 = arith.constant 0 : index
    %get3A_133 = tpu.vector_load %arg5[%get3A_130, %get3A_131, %get3A_132] {strides = array<i32>} : memref<2x4x64xi32, #tpu.memory_space<vmem>>, vector<1x1x16xi32>,
    %get3A_134 = vector.shape_cast %get3A_133 : vector<1x1x16xi32> to vector<16xi32>
    %and3A_135 = arith.constant 32767 : i32
    %and3A_136 = vector.broadcast %and3A_135 : i32 to vector<16xi32>
    %and3A_137 = arith.andi %get3A_134, %and3A_136 : vector<16xi32>
    %add3A_138 = vector.broadcast %mul3A_0 : i32 to vector<16xi32>
    %add3A_139 = arith.addi %and3A_137, %add3A_138 : vector<16xi32>
    %swap3A_140 = arith.constant 0 : i32
    %swap3A_141 = arith.constant 1 : i32
    %swap3A_142 = arith.index_cast %swap3A_140 : i32 to index
    %swap3A_143 = arith.index_cast %swap3A_141 : i32 to index
    %swap3A_144 = arith.constant 0 : index
    %swap3A_145 = tpu.vector_load %arg6[%swap3A_142, %swap3A_143, %swap3A_144] {strides = array<i32>} : memref<2x4x64xi32, #tpu.memory_space<vmem>>, vector<1x1x16xi32>,
    %swap3A_146 = vector.shape_cast %swap3A_145 : vector<1x1x16xi32> to vector<16xi32>
    %swap3A_147 = vector.shape_cast %add3A_139 : vector<16xi32> to vector<1x1x16xi32>
    tpu.vector_store %arg6[%swap3A_142, %swap3A_143, %swap3A_144], %swap3A_147 {strides = array<i32>} : memref<2x4x64xi32, #tpu.memory_space<vmem>>, vector<1x1x16xi32>,
    %shift_right_arithmetic3A_148 = arith.constant 15 : i32
    %shift_right_arithmetic3A_149 = vector.broadcast %shift_right_arithmetic3A_148 : i32 to vector<16xi32>
    %shift_right_arithmetic3A_150 = arith.shrsi %get3A_134, %shift_right_arithmetic3A_149 : vector<16xi32>
    %swap3A_151 = arith.constant 0 : i32
    %swap3A_152 = arith.constant 1 : i32
    %swap3A_153 = arith.index_cast %swap3A_151 : i32 to index
    %swap3A_154 = arith.index_cast %swap3A_152 : i32 to index
    %swap3A_155 = arith.constant 0 : index
    %swap3A_156 = tpu.vector_load %arg7[%swap3A_153, %swap3A_154, %swap3A_155] {strides = array<i32>} : memref<2x4x64xi32, #tpu.memory_space<vmem>>, vector<1x1x16xi32>,
    %swap3A_157 = vector.shape_cast %swap3A_156 : vector<1x1x16xi32> to vector<16xi32>
    %swap3A_158 = vector.shape_cast %shift_right_arithmetic3A_150 : vector<16xi32> to vector<1x1x16xi32>
    tpu.vector_store %arg7[%swap3A_153, %swap3A_154, %swap3A_155], %swap3A_158 {strides = array<i32>} : memref<2x4x64xi32, #tpu.memory_space<vmem>>, vector<1x1x16xi32>,
    %get3A_159 = arith.constant 0 : i32
    %get3A_160 = arith.constant 1 : i32
    %get3A_161 = arith.index_cast %get3A_159 : i32 to index
    %get3A_162 = arith.index_cast %get3A_160 : i32 to index
    %get3A_163 = arith.constant 16 : index
    %get3A_164 = tpu.vector_load %arg5[%get3A_161, %get3A_162, %get3A_163] {strides = array<i32>} : memref<2x4x64xi32, #tpu.memory_space<vmem>>, vector<1x1x16xi32>,
    %get3A_165 = vector.shape_cast %get3A_164 : vector<1x1x16xi32> to vector<16xi32>
    %and3A_166 = arith.constant 32767 : i32
    %and3A_167 = vector.broadcast %and3A_166 : i32 to vector<16xi32>
    %and3A_168 = arith.andi %get3A_165, %and3A_167 : vector<16xi32>
    %add3A_169 = vector.broadcast %mul3A_0 : i32 to vector<16xi32>
    %add3A_170 = arith.addi %and3A_168, %add3A_169 : vector<16xi32>
    %swap3A_171 = arith.constant 0 : i32
    %swap3A_172 = arith.constant 1 : i32
    %swap3A_173 = arith.index_cast %swap3A_171 : i32 to index
    %swap3A_174 = arith.index_cast %swap3A_172 : i32 to index
    %swap3A_175 = arith.constant 16 : index
    %swap3A_176 = tpu.vector_load %arg6[%swap3A_173, %swap3A_174, %swap3A_175] {strides = array<i32>} : memref<2x4x64xi32, #tpu.memory_space<vmem>>, vector<1x1x16xi32>,
    %swap3A_177 = vector.shape_cast %swap3A_176 : vector<1x1x16xi32> to vector<16xi32>
    %swap3A_178 = vector.shape_cast %add3A_170 : vector<16xi32> to vector<1x1x16xi32>
    tpu.vector_store %arg6[%swap3A_173, %swap3A_174, %swap3A_175], %swap3A_178 {strides = array<i32>} : memref<2x4x64xi32, #tpu.memory_space<vmem>>, vector<1x1x16xi32>,
    %shift_right_arithmetic3A_179 = arith.constant 15 : i32
    %shift_right_arithmetic3A_180 = vector.broadcast %shift_right_arithmetic3A_179 : i32 to vector<16xi32>
    %shift_right_arithmetic3A_181 = arith.shrsi %get3A_165, %shift_right_arithmetic3A_180 : vector<16xi32>
    %swap3A_182 = arith.constant 0 : i32
    %swap3A_183 = arith.constant 1 : i32
    %swap3A_184 = arith.index_cast %swap3A_182 : i32 to index
    %swap3A_185 = arith.index_cast %swap3A_183 : i32 to index
    %swap3A_186 = arith.constant 16 : index
    %swap3A_187 = tpu.vector_load %arg7[%swap3A_184, %swap3A_185, %swap3A_186] {strides = array<i32>} : memref<2x4x64xi32, #tpu.memory_space<vmem>>, vector<1x1x16xi32>,
    %swap3A_188 = vector.shape_cast %swap3A_187 : vector<1x1x16xi32> to vector<16xi32>
    %swap3A_189 = vector.shape_cast %shift_right_arithmetic3A_181 : vector<16xi32> to vector<1x1x16xi32>
    tpu.vector_store %arg7[%swap3A_184, %swap3A_185, %swap3A_186], %swap3A_189 {strides = array<i32>} : memref<2x4x64xi32, #tpu.memory_space<vmem>>, vector<1x1x16xi32>,
    %get3A_190 = arith.constant 0 : i32
    %get3A_191 = arith.constant 1 : i32
    %get3A_192 = arith.index_cast %get3A_190 : i32 to index
    %get3A_193 = arith.index_cast %get3A_191 : i32 to index
    %get3A_194 = arith.constant 32 : index
    %get3A_195 = tpu.vector_load %arg5[%get3A_192, %get3A_193, %get3A_194] {strides = array<i32>} : memref<2x4x64xi32, #tpu.memory_space<vmem>>, vector<1x1x16xi32>,
    %get3A_196 = vector.shape_cast %get3A_195 : vector<1x1x16xi32> to vector<16xi32>
    %and3A_197 = arith.constant 32767 : i32
    %and3A_198 = vector.broadcast %and3A_197 : i32 to vector<16xi32>
    %and3A_199 = arith.andi %get3A_196, %and3A_198 : vector<16xi32>
    %add3A_200 = vector.broadcast %mul3A_0 : i32 to vector<16xi32>
    %add3A_201 = arith.addi %and3A_199, %add3A_200 : vector<16xi32>
    %swap3A_202 = arith.constant 0 : i32
    %swap3A_203 = arith.constant 1 : i32
    %swap3A_204 = arith.index_cast %swap3A_202 : i32 to index
    %swap3A_205 = arith.index_cast %swap3A_203 : i32 to index
    %swap3A_206 = arith.constant 32 : index
    %swap3A_207 = tpu.vector_load %arg6[%swap3A_204, %swap3A_205, %swap3A_206] {strides = array<i32>} : memref<2x4x64xi32, #tpu.memory_space<vmem>>, vector<1x1x16xi32>,
    %swap3A_208 = vector.shape_cast %swap3A_207 : vector<1x1x16xi32> to vector<16xi32>
    %swap3A_209 = vector.shape_cast %add3A_201 : vector<16xi32> to vector<1x1x16xi32>
    tpu.vector_store %arg6[%swap3A_204, %swap3A_205, %swap3A_206], %swap3A_209 {strides = array<i32>} : memref<2x4x64xi32, #tpu.memory_space<vmem>>, vector<1x1x16xi32>,
    %shift_right_arithmetic3A_210 = arith.constant 15 : i32
    %shift_right_arithmetic3A_211 = vector.broadcast %shift_right_arithmetic3A_210 : i32 to vector<16xi32>
    %shift_right_arithmetic3A_212 = arith.shrsi %get3A_196, %shift_right_arithmetic3A_211 : vector<16xi32>
    %swap3A_213 = arith.constant 0 : i32
    %swap3A_214 = arith.constant 1 : i32
    %swap3A_215 = arith.index_cast %swap3A_213 : i32 to index
    %swap3A_216 = arith.index_cast %swap3A_214 : i32 to index
    %swap3A_217 = arith.constant 32 : index
    %swap3A_218 = tpu.vector_load %arg7[%swap3A_215, %swap3A_216, %swap3A_217] {strides = array<i32>} : memref<2x4x64xi32, #tpu.memory_space<vmem>>, vector<1x1x16xi32>,
    %swap3A_219 = vector.shape_cast %swap3A_218 : vector<1x1x16xi32> to vector<16xi32>
    %swap3A_220 = vector.shape_cast %shift_right_arithmetic3A_212 : vector<16xi32> to vector<1x1x16xi32>
    tpu.vector_store %arg7[%swap3A_215, %swap3A_216, %swap3A_217], %swap3A_220 {strides = array<i32>} : memref<2x4x64xi32, #tpu.memory_space<vmem>>, vector<1x1x16xi32>,
    %get3A_221 = arith.constant 0 : i32
    %get3A_222 = arith.constant 1 : i32
    %get3A_223 = arith.index_cast %get3A_221 : i32 to index
    %get3A_224 = arith.index_cast %get3A_222 : i32 to index
    %get3A_225 = arith.constant 48 : index
    %get3A_226 = tpu.vector_load %arg5[%get3A_223, %get3A_224, %get3A_225] {strides = array<i32>} : memref<2x4x64xi32, #tpu.memory_space<vmem>>, vector<1x1x16xi32>,
    %get3A_227 = vector.shape_cast %get3A_226 : vector<1x1x16xi32> to vector<16xi32>
    %and3A_228 = arith.constant 32767 : i32
    %and3A_229 = vector.broadcast %and3A_228 : i32 to vector<16xi32>
    %and3A_230 = arith.andi %get3A_227, %and3A_229 : vector<16xi32>
    %add3A_231 = vector.broadcast %mul3A_0 : i32 to vector<16xi32>
    %add3A_232 = arith.addi %and3A_230, %add3A_231 : vector<16xi32>
    %swap3A_233 = arith.constant 0 : i32
    %swap3A_234 = arith.constant 1 : i32
    %swap3A_235 = arith.index_cast %swap3A_233 : i32 to index
    %swap3A_236 = arith.index_cast %swap3A_234 : i32 to index
    %swap3A_237 = arith.constant 48 : index
    %swap3A_238 = tpu.vector_load %arg6[%swap3A_235, %swap3A_236, %swap3A_237] {strides = array<i32>} : memref<2x4x64xi32, #tpu.memory_space<vmem>>, vector<1x1x16xi32>,
    %swap3A_239 = vector.shape_cast %swap3A_238 : vector<1x1x16xi32> to vector<16xi32>
    %swap3A_240 = vector.shape_cast %add3A_232 : vector<16xi32> to vector<1x1x16xi32>
    tpu.vector_store %arg6[%swap3A_235, %swap3A_236, %swap3A_237], %swap3A_240 {strides = array<i32>} : memref<2x4x64xi32, #tpu.memory_space<vmem>>, vector<1x1x16xi32>,
    %shift_right_arithmetic3A_241 = arith.constant 15 : i32
    %shift_right_arithmetic3A_242 = vector.broadcast %shift_right_arithmetic3A_241 : i32 to vector<16xi32>
    %shift_right_arithmetic3A_243 = arith.shrsi %get3A_227, %shift_right_arithmetic3A_242 : vector<16xi32>
    %swap3A_244 = arith.constant 0 : i32
    %swap3A_245 = arith.constant 1 : i32
    %swap3A_246 = arith.index_cast %swap3A_244 : i32 to index
    %swap3A_247 = arith.index_cast %swap3A_245 : i32 to index
    %swap3A_248 = arith.constant 48 : index
    %swap3A_249 = tpu.vector_load %arg7[%swap3A_246, %swap3A_247, %swap3A_248] {strides = array<i32>} : memref<2x4x64xi32, #tpu.memory_space<vmem>>, vector<1x1x16xi32>,
    %swap3A_250 = vector.shape_cast %swap3A_249 : vector<1x1x16xi32> to vector<16xi32>
    %swap3A_251 = vector.shape_cast %shift_right_arithmetic3A_243 : vector<16xi32> to vector<1x1x16xi32>
    tpu.vector_store %arg7[%swap3A_246, %swap3A_247, %swap3A_248], %swap3A_251 {strides = array<i32>} : memref<2x4x64xi32, #tpu.memory_space<vmem>>, vector<1x1x16xi32>,
    %get3A_252 = arith.constant 0 : i32
    %get3A_253 = arith.constant 2 : i32
    %get3A_254 = arith.index_cast %get3A_252 : i32 to index
    %get3A_255 = arith.index_cast %get3A_253 : i32 to index
    %get3A_256 = arith.constant 0 : index
    %get3A_257 = tpu.vector_load %arg5[%get3A_254, %get3A_255, %get3A_256] {strides = array<i32>} : memref<2x4x64xi32, #tpu.memory_space<vmem>>, vector<1x1x16xi32>,
    %get3A_258 = vector.shape_cast %get3A_257 : vector<1x1x16xi32> to vector<16xi32>
    %and3A_259 = arith.constant 32767 : i32
    %and3A_260 = vector.broadcast %and3A_259 : i32 to vector<16xi32>
    %and3A_261 = arith.andi %get3A_258, %and3A_260 : vector<16xi32>
    %add3A_262 = vector.broadcast %mul3A_0 : i32 to vector<16xi32>
    %add3A_263 = arith.addi %and3A_261, %add3A_262 : vector<16xi32>
    %swap3A_264 = arith.constant 0 : i32
    %swap3A_265 = arith.constant 2 : i32
    %swap3A_266 = arith.index_cast %swap3A_264 : i32 to index
    %swap3A_267 = arith.index_cast %swap3A_265 : i32 to index
    %swap3A_268 = arith.constant 0 : index
    %swap3A_269 = tpu.vector_load %arg6[%swap3A_266, %swap3A_267, %swap3A_268] {strides = array<i32>} : memref<2x4x64xi32, #tpu.memory_space<vmem>>, vector<1x1x16xi32>,
    %swap3A_270 = vector.shape_cast %swap3A_269 : vector<1x1x16xi32> to vector<16xi32>
    %swap3A_271 = vector.shape_cast %add3A_263 : vector<16xi32> to vector<1x1x16xi32>
    tpu.vector_store %arg6[%swap3A_266, %swap3A_267, %swap3A_268], %swap3A_271 {strides = array<i32>} : memref<2x4x64xi32, #tpu.memory_space<vmem>>, vector<1x1x16xi32>,
    %shift_right_arithmetic3A_272 = arith.constant 15 : i32
    %shift_right_arithmetic3A_273 = vector.broadcast %shift_right_arithmetic3A_272 : i32 to vector<16xi32>
    %shift_right_arithmetic3A_274 = arith.shrsi %get3A_258, %shift_right_arithmetic3A_273 : vector<16xi32>
    %swap3A_275 = arith.constant 0 : i32
    %swap3A_276 = arith.constant 2 : i32
    %swap3A_277 = arith.index_cast %swap3A_275 : i32 to index
    %swap3A_278 = arith.index_cast %swap3A_276 : i32 to index
    %swap3A_279 = arith.constant 0 : index
    %swap3A_280 = tpu.vector_load %arg7[%swap3A_277, %swap3A_278, %swap3A_279] {strides = array<i32>} : memref<2x4x64xi32, #tpu.memory_space<vmem>>, vector<1x1x16xi32>,
    %swap3A_281 = vector.shape_cast %swap3A_280 : vector<1x1x16xi32> to vector<16xi32>
    %swap3A_282 = vector.shape_cast %shift_right_arithmetic3A_274 : vector<16xi32> to vector<1x1x16xi32>
    tpu.vector_store %arg7[%swap3A_277, %swap3A_278, %swap3A_279], %swap3A_282 {strides = array<i32>} : memref<2x4x64xi32, #tpu.memory_space<vmem>>, vector<1x1x16xi32>,
    %get3A_283 = arith.constant 0 : i32
    %get3A_284 = arith.constant 2 : i32
    %get3A_285 = arith.index_cast %get3A_283 : i32 to index
    %get3A_286 = arith.index_cast %get3A_284 : i32 to index
    %get3A_287 = arith.constant 16 : index
    %get3A_288 = tpu.vector_load %arg5[%get3A_285, %get3A_286, %get3A_287] {strides = array<i32>} : memref<2x4x64xi32, #tpu.memory_space<vmem>>, vector<1x1x16xi32>,
    %get3A_289 = vector.shape_cast %get3A_288 : vector<1x1x16xi32> to vector<16xi32>
    %and3A_290 = arith.constant 32767 : i32
    %and3A_291 = vector.broadcast %and3A_290 : i32 to vector<16xi32>
    %and3A_292 = arith.andi %get3A_289, %and3A_291 : vector<16xi32>
    %add3A_293 = vector.broadcast %mul3A_0 : i32 to vector<16xi32>
    %add3A_294 = arith.addi %and3A_292, %add3A_293 : vector<16xi32>
    %swap3A_295 = arith.constant 0 : i32
    %swap3A_296 = arith.constant 2 : i32
    %swap3A_297 = arith.index_cast %swap3A_295 : i32 to index
    %swap3A_298 = arith.index_cast %swap3A_296 : i32 to index
    %swap3A_299 = arith.constant 16 : index
    %swap3A_300 = tpu.vector_load %arg6[%swap3A_297, %swap3A_298, %swap3A_299] {strides = array<i32>} : memref<2x4x64xi32, #tpu.memory_space<vmem>>, vector<1x1x16xi32>,
    %swap3A_301 = vector.shape_cast %swap3A_300 : vector<1x1x16xi32> to vector<16xi32>
    %swap3A_302 = vector.shape_cast %add3A_294 : vector<16xi32> to vector<1x1x16xi32>
    tpu.vector_store %arg6[%swap3A_297, %swap3A_298, %swap3A_299], %swap3A_302 {strides = array<i32>} : memref<2x4x64xi32, #tpu.memory_space<vmem>>, vector<1x1x16xi32>,
    %shift_right_arithmetic3A_303 = arith.constant 15 : i32
    %shift_right_arithmetic3A_304 = vector.broadcast %shift_right_arithmetic3A_303 : i32 to vector<16xi32>
    %shift_right_arithmetic3A_305 = arith.shrsi %get3A_289, %shift_right_arithmetic3A_304 : vector<16xi32>
    %swap3A_306 = arith.constant 0 : i32
    %swap3A_307 = arith.constant 2 : i32
    %swap3A_308 = arith.index_cast %swap3A_306 : i32 to index
    %swap3A_309 = arith.index_cast %swap3A_307 : i32 to index
    %swap3A_310 = arith.constant 16 : index
    %swap3A_311 = tpu.vector_load %arg7[%swap3A_308, %swap3A_309, %swap3A_310] {strides = array<i32>} : memref<2x4x64xi32, #tpu.memory_space<vmem>>, vector<1x1x16xi32>,
    %swap3A_312 = vector.shape_cast %swap3A_311 : vector<1x1x16xi32> to vector<16xi32>
    %swap3A_313 = vector.shape_cast %shift_right_arithmetic3A_305 : vector<16xi32> to vector<1x1x16xi32>
    tpu.vector_store %arg7[%swap3A_308, %swap3A_309, %swap3A_310], %swap3A_313 {strides = array<i32>} : memref<2x4x64xi32, #tpu.memory_space<vmem>>, vector<1x1x16xi32>,
    %get3A_314 = arith.constant 0 : i32
    %get3A_315 = arith.constant 2 : i32
    %get3A_316 = arith.index_cast %get3A_314 : i32 to index
    %get3A_317 = arith.index_cast %get3A_315 : i32 to index
    %get3A_318 = arith.constant 32 : index
    %get3A_319 = tpu.vector_load %arg5[%get3A_316, %get3A_317, %get3A_318] {strides = array<i32>} : memref<2x4x64xi32, #tpu.memory_space<vmem>>, vector<1x1x16xi32>,
    %get3A_320 = vector.shape_cast %get3A_319 : vector<1x1x16xi32> to vector<16xi32>
    %and3A_321 = arith.constant 32767 : i32
    %and3A_322 = vector.broadcast %and3A_321 : i32 to vector<16xi32>
    %and3A_323 = arith.andi %get3A_320, %and3A_322 : vector<16xi32>
    %add3A_324 = vector.broadcast %mul3A_0 : i32 to vector<16xi32>
    %add3A_325 = arith.addi %and3A_323, %add3A_324 : vector<16xi32>
    %swap3A_326 = arith.constant 0 : i32
    %swap3A_327 = arith.constant 2 : i32
    %swap3A_328 = arith.index_cast %swap3A_326 : i32 to index
    %swap3A_329 = arith.index_cast %swap3A_327 : i32 to index
    %swap3A_330 = arith.constant 32 : index
    %swap3A_331 = tpu.vector_load %arg6[%swap3A_328, %swap3A_329, %swap3A_330] {strides = array<i32>} : memref<2x4x64xi32, #tpu.memory_space<vmem>>, vector<1x1x16xi32>,
    %swap3A_332 = vector.shape_cast %swap3A_331 : vector<1x1x16xi32> to vector<16xi32>
    %swap3A_333 = vector.shape_cast %add3A_325 : vector<16xi32> to vector<1x1x16xi32>
    tpu.vector_store %arg6[%swap3A_328, %swap3A_329, %swap3A_330], %swap3A_333 {strides = array<i32>} : memref<2x4x64xi32, #tpu.memory_space<vmem>>, vector<1x1x16xi32>,
    %shift_right_arithmetic3A_334 = arith.constant 15 : i32
    %shift_right_arithmetic3A_335 = vector.broadcast %shift_right_arithmetic3A_334 : i32 to vector<16xi32>
    %shift_right_arithmetic3A_336 = arith.shrsi %get3A_320, %shift_right_arithmetic3A_335 : vector<16xi32>
    %swap3A_337 = arith.constant 0 : i32
    %swap3A_338 = arith.constant 2 : i32
    %swap3A_339 = arith.index_cast %swap3A_337 : i32 to index
    %swap3A_340 = arith.index_cast %swap3A_338 : i32 to index
    %swap3A_341 = arith.constant 32 : index
    %swap3A_342 = tpu.vector_load %arg7[%swap3A_339, %swap3A_340, %swap3A_341] {strides = array<i32>} : memref<2x4x64xi32, #tpu.memory_space<vmem>>, vector<1x1x16xi32>,
    %swap3A_343 = vector.shape_cast %swap3A_342 : vector<1x1x16xi32> to vector<16xi32>
    %swap3A_344 = vector.shape_cast %shift_right_arithmetic3A_336 : vector<16xi32> to vector<1x1x16xi32>
    tpu.vector_store %arg7[%swap3A_339, %swap3A_340, %swap3A_341], %swap3A_344 {strides = array<i32>} : memref<2x4x64xi32, #tpu.memory_space<vmem>>, vector<1x1x16xi32>,
    %get3A_345 = arith.constant 0 : i32
    %get3A_346 = arith.constant 2 : i32
    %get3A_347 = arith.index_cast %get3A_345 : i32 to index
    %get3A_348 = arith.index_cast %get3A_346 : i32 to index
    %get3A_349 = arith.constant 48 : index
    %get3A_350 = tpu.vector_load %arg5[%get3A_347, %get3A_348, %get3A_349] {strides = array<i32>} : memref<2x4x64xi32, #tpu.memory_space<vmem>>, vector<1x1x16xi32>,
    %get3A_351 = vector.shape_cast %get3A_350 : vector<1x1x16xi32> to vector<16xi32>
    %and3A_352 = arith.constant 32767 : i32
    %and3A_353 = vector.broadcast %and3A_352 : i32 to vector<16xi32>
    %and3A_354 = arith.andi %get3A_351, %and3A_353 : vector<16xi32>
    %add3A_355 = vector.broadcast %mul3A_0 : i32 to vector<16xi32>
    %add3A_356 = arith.addi %and3A_354, %add3A_355 : vector<16xi32>
    %swap3A_357 = arith.constant 0 : i32
    %swap3A_358 = arith.constant 2 : i32
    %swap3A_359 = arith.index_cast %swap3A_357 : i32 to index
    %swap3A_360 = arith.index_cast %swap3A_358 : i32 to index
    %swap3A_361 = arith.constant 48 : index
    %swap3A_362 = tpu.vector_load %arg6[%swap3A_359, %swap3A_360, %swap3A_361] {strides = array<i32>} : memref<2x4x64xi32, #tpu.memory_space<vmem>>, vector<1x1x16xi32>,
    %swap3A_363 = vector.shape_cast %swap3A_362 : vector<1x1x16xi32> to vector<16xi32>
    %swap3A_364 = vector.shape_cast %add3A_356 : vector<16xi32> to vector<1x1x16xi32>
    tpu.vector_store %arg6[%swap3A_359, %swap3A_360, %swap3A_361], %swap3A_364 {strides = array<i32>} : memref<2x4x64xi32, #tpu.memory_space<vmem>>, vector<1x1x16xi32>,
    %shift_right_arithmetic3A_365 = arith.constant 15 : i32
    %shift_right_arithmetic3A_366 = vector.broadcast %shift_right_arithmetic3A_365 : i32 to vector<16xi32>
    %shift_right_arithmetic3A_367 = arith.shrsi %get3A_351, %shift_right_arithmetic3A_366 : vector<16xi32>
    %swap3A_368 = arith.constant 0 : i32
    %swap3A_369 = arith.constant 2 : i32
    %swap3A_370 = arith.index_cast %swap3A_368 : i32 to index
    %swap3A_371 = arith.index_cast %swap3A_369 : i32 to index
    %swap3A_372 = arith.constant 48 : index
    %swap3A_373 = tpu.vector_load %arg7[%swap3A_370, %swap3A_371, %swap3A_372] {strides = array<i32>} : memref<2x4x64xi32, #tpu.memory_space<vmem>>, vector<1x1x16xi32>,
    %swap3A_374 = vector.shape_cast %swap3A_373 : vector<1x1x16xi32> to vector<16xi32>
    %swap3A_375 = vector.shape_cast %shift_right_arithmetic3A_367 : vector<16xi32> to vector<1x1x16xi32>
    tpu.vector_store %arg7[%swap3A_370, %swap3A_371, %swap3A_372], %swap3A_375 {strides = array<i32>} : memref<2x4x64xi32, #tpu.memory_space<vmem>>, vector<1x1x16xi32>,
    %get3A_376 = arith.constant 0 : i32
    %get3A_377 = arith.constant 3 : i32
    %get3A_378 = arith.index_cast %get3A_376 : i32 to index
    %get3A_379 = arith.index_cast %get3A_377 : i32 to index
    %get3A_380 = arith.constant 0 : index
    %get3A_381 = tpu.vector_load %arg5[%get3A_378, %get3A_379, %get3A_380] {strides = array<i32>} : memref<2x4x64xi32, #tpu.memory_space<vmem>>, vector<1x1x16xi32>,
    %get3A_382 = vector.shape_cast %get3A_381 : vector<1x1x16xi32> to vector<16xi32>
    %and3A_383 = arith.constant 32767 : i32
    %and3A_384 = vector.broadcast %and3A_383 : i32 to vector<16xi32>
    %and3A_385 = arith.andi %get3A_382, %and3A_384 : vector<16xi32>
    %add3A_386 = vector.broadcast %mul3A_0 : i32 to vector<16xi32>
    %add3A_387 = arith.addi %and3A_385, %add3A_386 : vector<16xi32>
    %swap3A_388 = arith.constant 0 : i32
    %swap3A_389 = arith.constant 3 : i32
    %swap3A_390 = arith.index_cast %swap3A_388 : i32 to index
    %swap3A_391 = arith.index_cast %swap3A_389 : i32 to index
    %swap3A_392 = arith.constant 0 : index
    %swap3A_393 = tpu.vector_load %arg6[%swap3A_390, %swap3A_391, %swap3A_392] {strides = array<i32>} : memref<2x4x64xi32, #tpu.memory_space<vmem>>, vector<1x1x16xi32>,
    %swap3A_394 = vector.shape_cast %swap3A_393 : vector<1x1x16xi32> to vector<16xi32>
    %swap3A_395 = vector.shape_cast %add3A_387 : vector<16xi32> to vector<1x1x16xi32>
    tpu.vector_store %arg6[%swap3A_390, %swap3A_391, %swap3A_392], %swap3A_395 {strides = array<i32>} : memref<2x4x64xi32, #tpu.memory_space<vmem>>, vector<1x1x16xi32>,
    %shift_right_arithmetic3A_396 = arith.constant 15 : i32
    %shift_right_arithmetic3A_397 = vector.broadcast %shift_right_arithmetic3A_396 : i32 to vector<16xi32>
    %shift_right_arithmetic3A_398 = arith.shrsi %get3A_382, %shift_right_arithmetic3A_397 : vector<16xi32>
    %swap3A_399 = arith.constant 0 : i32
    %swap3A_400 = arith.constant 3 : i32
    %swap3A_401 = arith.index_cast %swap3A_399 : i32 to index
    %swap3A_402 = arith.index_cast %swap3A_400 : i32 to index
    %swap3A_403 = arith.constant 0 : index
    %swap3A_404 = tpu.vector_load %arg7[%swap3A_401, %swap3A_402, %swap3A_403] {strides = array<i32>} : memref<2x4x64xi32, #tpu.memory_space<vmem>>, vector<1x1x16xi32>,
    %swap3A_405 = vector.shape_cast %swap3A_404 : vector<1x1x16xi32> to vector<16xi32>
    %swap3A_406 = vector.shape_cast %shift_right_arithmetic3A_398 : vector<16xi32> to vector<1x1x16xi32>
    tpu.vector_store %arg7[%swap3A_401, %swap3A_402, %swap3A_403], %swap3A_406 {strides = array<i32>} : memref<2x4x64xi32, #tpu.memory_space<vmem>>, vector<1x1x16xi32>,
    %get3A_407 = arith.constant 0 : i32
    %get3A_408 = arith.constant 3 : i32
    %get3A_409 = arith.index_cast %get3A_407 : i32 to index
    %get3A_410 = arith.index_cast %get3A_408 : i32 to index
    %get3A_411 = arith.constant 16 : index
    %get3A_412 = tpu.vector_load %arg5[%get3A_409, %get3A_410, %get3A_411] {strides = array<i32>} : memref<2x4x64xi32, #tpu.memory_space<vmem>>, vector<1x1x16xi32>,
    %get3A_413 = vector.shape_cast %get3A_412 : vector<1x1x16xi32> to vector<16xi32>
    %and3A_414 = arith.constant 32767 : i32
    %and3A_415 = vector.broadcast %and3A_414 : i32 to vector<16xi32>
    %and3A_416 = arith.andi %get3A_413, %and3A_415 : vector<16xi32>
    %add3A_417 = vector.broadcast %mul3A_0 : i32 to vector<16xi32>
    %add3A_418 = arith.addi %and3A_416, %add3A_417 : vector<16xi32>
    %swap3A_419 = arith.constant 0 : i32
    %swap3A_420 = arith.constant 3 : i32
    %swap3A_421 = arith.index_cast %swap3A_419 : i32 to index
    %swap3A_422 = arith.index_cast %swap3A_420 : i32 to index
    %swap3A_423 = arith.constant 16 : index
    %swap3A_424 = tpu.vector_load %arg6[%swap3A_421, %swap3A_422, %swap3A_423] {strides = array<i32>} : memref<2x4x64xi32, #tpu.memory_space<vmem>>, vector<1x1x16xi32>,
    %swap3A_425 = vector.shape_cast %swap3A_424 : vector<1x1x16xi32> to vector<16xi32>
    %swap3A_426 = vector.shape_cast %add3A_418 : vector<16xi32> to vector<1x1x16xi32>
    tpu.vector_store %arg6[%swap3A_421, %swap3A_422, %swap3A_423], %swap3A_426 {strides = array<i32>} : memref<2x4x64xi32, #tpu.memory_space<vmem>>, vector<1x1x16xi32>,
    %shift_right_arithmetic3A_427 = arith.constant 15 : i32
    %shift_right_arithmetic3A_428 = vector.broadcast %shift_right_arithmetic3A_427 : i32 to vector<16xi32>
    %shift_right_arithmetic3A_429 = arith.shrsi %get3A_413, %shift_right_arithmetic3A_428 : vector<16xi32>
    %swap3A_430 = arith.constant 0 : i32
    %swap3A_431 = arith.constant 3 : i32
    %swap3A_432 = arith.index_cast %swap3A_430 : i32 to index
    %swap3A_433 = arith.index_cast %swap3A_431 : i32 to index
    %swap3A_434 = arith.constant 16 : index
    %swap3A_435 = tpu.vector_load %arg7[%swap3A_432, %swap3A_433, %swap3A_434] {strides = array<i32>} : memref<2x4x64xi32, #tpu.memory_space<vmem>>, vector<1x1x16xi32>,
    %swap3A_436 = vector.shape_cast %swap3A_435 : vector<1x1x16xi32> to vector<16xi32>
    %swap3A_437 = vector.shape_cast %shift_right_arithmetic3A_429 : vector<16xi32> to vector<1x1x16xi32>
    tpu.vector_store %arg7[%swap3A_432, %swap3A_433, %swap3A_434], %swap3A_437 {strides = array<i32>} : memref<2x4x64xi32, #tpu.memory_space<vmem>>, vector<1x1x16xi32>,
    %get3A_438 = arith.constant 0 : i32
    %get3A_439 = arith.constant 3 : i32
    %get3A_440 = arith.index_cast %get3A_438 : i32 to index
    %get3A_441 = arith.index_cast %get3A_439 : i32 to index
    %get3A_442 = arith.constant 32 : index
    %get3A_443 = tpu.vector_load %arg5[%get3A_440, %get3A_441, %get3A_442] {strides = array<i32>} : memref<2x4x64xi32, #tpu.memory_space<vmem>>, vector<1x1x16xi32>,
    %get3A_444 = vector.shape_cast %get3A_443 : vector<1x1x16xi32> to vector<16xi32>
    %and3A_445 = arith.constant 32767 : i32
    %and3A_446 = vector.broadcast %and3A_445 : i32 to vector<16xi32>
    %and3A_447 = arith.andi %get3A_444, %and3A_446 : vector<16xi32>
    %add3A_448 = vector.broadcast %mul3A_0 : i32 to vector<16xi32>
    %add3A_449 = arith.addi %and3A_447, %add3A_448 : vector<16xi32>
    %swap3A_450 = arith.constant 0 : i32
    %swap3A_451 = arith.constant 3 : i32
    %swap3A_452 = arith.index_cast %swap3A_450 : i32 to index
    %swap3A_453 = arith.index_cast %swap3A_451 : i32 to index
    %swap3A_454 = arith.constant 32 : index
    %swap3A_455 = tpu.vector_load %arg6[%swap3A_452, %swap3A_453, %swap3A_454] {strides = array<i32>} : memref<2x4x64xi32, #tpu.memory_space<vmem>>, vector<1x1x16xi32>,
    %swap3A_456 = vector.shape_cast %swap3A_455 : vector<1x1x16xi32> to vector<16xi32>
    %swap3A_457 = vector.shape_cast %add3A_449 : vector<16xi32> to vector<1x1x16xi32>
    tpu.vector_store %arg6[%swap3A_452, %swap3A_453, %swap3A_454], %swap3A_457 {strides = array<i32>} : memref<2x4x64xi32, #tpu.memory_space<vmem>>, vector<1x1x16xi32>,
    %shift_right_arithmetic3A_458 = arith.constant 15 : i32
    %shift_right_arithmetic3A_459 = vector.broadcast %shift_right_arithmetic3A_458 : i32 to vector<16xi32>
    %shift_right_arithmetic3A_460 = arith.shrsi %get3A_444, %shift_right_arithmetic3A_459 : vector<16xi32>
    %swap3A_461 = arith.constant 0 : i32
    %swap3A_462 = arith.constant 3 : i32
    %swap3A_463 = arith.index_cast %swap3A_461 : i32 to index
    %swap3A_464 = arith.index_cast %swap3A_462 : i32 to index
    %swap3A_465 = arith.constant 32 : index
    %swap3A_466 = tpu.vector_load %arg7[%swap3A_463, %swap3A_464, %swap3A_465] {strides = array<i32>} : memref<2x4x64xi32, #tpu.memory_space<vmem>>, vector<1x1x16xi32>,
    %swap3A_467 = vector.shape_cast %swap3A_466 : vector<1x1x16xi32> to vector<16xi32>
    %swap3A_468 = vector.shape_cast %shift_right_arithmetic3A_460 : vector<16xi32> to vector<1x1x16xi32>
    tpu.vector_store %arg7[%swap3A_463, %swap3A_464, %swap3A_465], %swap3A_468 {strides = array<i32>} : memref<2x4x64xi32, #tpu.memory_space<vmem>>, vector<1x1x16xi32>,
    %get3A_469 = arith.constant 0 : i32
    %get3A_470 = arith.constant 3 : i32
    %get3A_471 = arith.index_cast %get3A_469 : i32 to index
    %get3A_472 = arith.index_cast %get3A_470 : i32 to index
    %get3A_473 = arith.constant 48 : index
    %get3A_474 = tpu.vector_load %arg5[%get3A_471, %get3A_472, %get3A_473] {strides = array<i32>} : memref<2x4x64xi32, #tpu.memory_space<vmem>>, vector<1x1x16xi32>,
    %get3A_475 = vector.shape_cast %get3A_474 : vector<1x1x16xi32> to vector<16xi32>
    %and3A_476 = arith.constant 32767 : i32
    %and3A_477 = vector.broadcast %and3A_476 : i32 to vector<16xi32>
    %and3A_478 = arith.andi %get3A_475, %and3A_477 : vector<16xi32>
    %add3A_479 = vector.broadcast %mul3A_0 : i32 to vector<16xi32>
    %add3A_480 = arith.addi %and3A_478, %add3A_479 : vector<16xi32>
    %swap3A_481 = arith.constant 0 : i32
    %swap3A_482 = arith.constant 3 : i32
    %swap3A_483 = arith.index_cast %swap3A_481 : i32 to index
    %swap3A_484 = arith.index_cast %swap3A_482 : i32 to index
    %swap3A_485 = arith.constant 48 : index
    %swap3A_486 = tpu.vector_load %arg6[%swap3A_483, %swap3A_484, %swap3A_485] {strides = array<i32>} : memref<2x4x64xi32, #tpu.memory_space<vmem>>, vector<1x1x16xi32>,
    %swap3A_487 = vector.shape_cast %swap3A_486 : vector<1x1x16xi32> to vector<16xi32>
    %swap3A_488 = vector.shape_cast %add3A_480 : vector<16xi32> to vector<1x1x16xi32>
    tpu.vector_store %arg6[%swap3A_483, %swap3A_484, %swap3A_485], %swap3A_488 {strides = array<i32>} : memref<2x4x64xi32, #tpu.memory_space<vmem>>, vector<1x1x16xi32>,
    %shift_right_arithmetic3A_489 = arith.constant 15 : i32
    %shift_right_arithmetic3A_490 = vector.broadcast %shift_right_arithmetic3A_489 : i32 to vector<16xi32>
    %shift_right_arithmetic3A_491 = arith.shrsi %get3A_475, %shift_right_arithmetic3A_490 : vector<16xi32>
    %swap3A_492 = arith.constant 0 : i32
    %swap3A_493 = arith.constant 3 : i32
    %swap3A_494 = arith.index_cast %swap3A_492 : i32 to index
    %swap3A_495 = arith.index_cast %swap3A_493 : i32 to index
    %swap3A_496 = arith.constant 48 : index
    %swap3A_497 = tpu.vector_load %arg7[%swap3A_494, %swap3A_495, %swap3A_496] {strides = array<i32>} : memref<2x4x64xi32, #tpu.memory_space<vmem>>, vector<1x1x16xi32>,
    %swap3A_498 = vector.shape_cast %swap3A_497 : vector<1x1x16xi32> to vector<16xi32>
    %swap3A_499 = vector.shape_cast %shift_right_arithmetic3A_491 : vector<16xi32> to vector<1x1x16xi32>
    tpu.vector_store %arg7[%swap3A_494, %swap3A_495, %swap3A_496], %swap3A_499 {strides = array<i32>} : memref<2x4x64xi32, #tpu.memory_space<vmem>>, vector<1x1x16xi32>,
    %get3A_500 = arith.constant 1 : i32
    %get3A_501 = arith.constant 0 : i32
    %get3A_502 = arith.index_cast %get3A_500 : i32 to index
    %get3A_503 = arith.index_cast %get3A_501 : i32 to index
    %get3A_504 = arith.constant 0 : index
    %get3A_505 = tpu.vector_load %arg5[%get3A_502, %get3A_503, %get3A_504] {strides = array<i32>} : memref<2x4x64xi32, #tpu.memory_space<vmem>>, vector<1x1x16xi32>,
    %get3A_506 = vector.shape_cast %get3A_505 : vector<1x1x16xi32> to vector<16xi32>
    %and3A_507 = arith.constant 32767 : i32
    %and3A_508 = vector.broadcast %and3A_507 : i32 to vector<16xi32>
    %and3A_509 = arith.andi %get3A_506, %and3A_508 : vector<16xi32>
    %add3A_510 = vector.broadcast %mul3A_0 : i32 to vector<16xi32>
    %add3A_511 = arith.addi %and3A_509, %add3A_510 : vector<16xi32>
    %swap3A_512 = arith.constant 1 : i32
    %swap3A_513 = arith.constant 0 : i32
    %swap3A_514 = arith.index_cast %swap3A_512 : i32 to index
    %swap3A_515 = arith.index_cast %swap3A_513 : i32 to index
    %swap3A_516 = arith.constant 0 : index
    %swap3A_517 = tpu.vector_load %arg6[%swap3A_514, %swap3A_515, %swap3A_516] {strides = array<i32>} : memref<2x4x64xi32, #tpu.memory_space<vmem>>, vector<1x1x16xi32>,
    %swap3A_518 = vector.shape_cast %swap3A_517 : vector<1x1x16xi32> to vector<16xi32>
    %swap3A_519 = vector.shape_cast %add3A_511 : vector<16xi32> to vector<1x1x16xi32>
    tpu.vector_store %arg6[%swap3A_514, %swap3A_515, %swap3A_516], %swap3A_519 {strides = array<i32>} : memref<2x4x64xi32, #tpu.memory_space<vmem>>, vector<1x1x16xi32>,
    %shift_right_arithmetic3A_520 = arith.constant 15 : i32
    %shift_right_arithmetic3A_521 = vector.broadcast %shift_right_arithmetic3A_520 : i32 to vector<16xi32>
    %shift_right_arithmetic3A_522 = arith.shrsi %get3A_506, %shift_right_arithmetic3A_521 : vector<16xi32>
    %swap3A_523 = arith.constant 1 : i32
    %swap3A_524 = arith.constant 0 : i32
    %swap3A_525 = arith.index_cast %swap3A_523 : i32 to index
    %swap3A_526 = arith.index_cast %swap3A_524 : i32 to index
    %swap3A_527 = arith.constant 0 : index
    %swap3A_528 = tpu.vector_load %arg7[%swap3A_525, %swap3A_526, %swap3A_527] {strides = array<i32>} : memref<2x4x64xi32, #tpu.memory_space<vmem>>, vector<1x1x16xi32>,
    %swap3A_529 = vector.shape_cast %swap3A_528 : vector<1x1x16xi32> to vector<16xi32>
    %swap3A_530 = vector.shape_cast %shift_right_arithmetic3A_522 : vector<16xi32> to vector<1x1x16xi32>
    tpu.vector_store %arg7[%swap3A_525, %swap3A_526, %swap3A_527], %swap3A_530 {strides = array<i32>} : memref<2x4x64xi32, #tpu.memory_space<vmem>>, vector<1x1x16xi32>,
    %get3A_531 = arith.constant 1 : i32
    %get3A_532 = arith.constant 0 : i32
    %get3A_533 = arith.index_cast %get3A_531 : i32 to index
    %get3A_534 = arith.index_cast %get3A_532 : i32 to index
    %get3A_535 = arith.constant 16 : index
    %get3A_536 = tpu.vector_load %arg5[%get3A_533, %get3A_534, %get3A_535] {strides = array<i32>} : memref<2x4x64xi32, #tpu.memory_space<vmem>>, vector<1x1x16xi32>,
    %get3A_537 = vector.shape_cast %get3A_536 : vector<1x1x16xi32> to vector<16xi32>
    %and3A_538 = arith.constant 32767 : i32
    %and3A_539 = vector.broadcast %and3A_538 : i32 to vector<16xi32>
    %and3A_540 = arith.andi %get3A_537, %and3A_539 : vector<16xi32>
    %add3A_541 = vector.broadcast %mul3A_0 : i32 to vector<16xi32>
    %add3A_542 = arith.addi %and3A_540, %add3A_541 : vector<16xi32>
    %swap3A_543 = arith.constant 1 : i32
    %swap3A_544 = arith.constant 0 : i32
    %swap3A_545 = arith.index_cast %swap3A_543 : i32 to index
    %swap3A_546 = arith.index_cast %swap3A_544 : i32 to index
    %swap3A_547 = arith.constant 16 : index
    %swap3A_548 = tpu.vector_load %arg6[%swap3A_545, %swap3A_546, %swap3A_547] {strides = array<i32>} : memref<2x4x64xi32, #tpu.memory_space<vmem>>, vector<1x1x16xi32>,
    %swap3A_549 = vector.shape_cast %swap3A_548 : vector<1x1x16xi32> to vector<16xi32>
    %swap3A_550 = vector.shape_cast %add3A_542 : vector<16xi32> to vector<1x1x16xi32>
    tpu.vector_store %arg6[%swap3A_545, %swap3A_546, %swap3A_547], %swap3A_550 {strides = array<i32>} : memref<2x4x64xi32, #tpu.memory_space<vmem>>, vector<1x1x16xi32>,
    %shift_right_arithmetic3A_551 = arith.constant 15 : i32
    %shift_right_arithmetic3A_552 = vector.broadcast %shift_right_arithmetic3A_551 : i32 to vector<16xi32>
    %shift_right_arithmetic3A_553 = arith.shrsi %get3A_537, %shift_right_arithmetic3A_552 : vector<16xi32>
    %swap3A_554 = arith.constant 1 : i32
    %swap3A_555 = arith.constant 0 : i32
    %swap3A_556 = arith.index_cast %swap3A_554 : i32 to index
    %swap3A_557 = arith.index_cast %swap3A_555 : i32 to index
    %swap3A_558 = arith.constant 16 : index
    %swap3A_559 = tpu.vector_load %arg7[%swap3A_556, %swap3A_557, %swap3A_558] {strides = array<i32>} : memref<2x4x64xi32, #tpu.memory_space<vmem>>, vector<1x1x16xi32>,
    %swap3A_560 = vector.shape_cast %swap3A_559 : vector<1x1x16xi32> to vector<16xi32>
    %swap3A_561 = vector.shape_cast %shift_right_arithmetic3A_553 : vector<16xi32> to vector<1x1x16xi32>
    tpu.vector_store %arg7[%swap3A_556, %swap3A_557, %swap3A_558], %swap3A_561 {strides = array<i32>} : memref<2x4x64xi32, #tpu.memory_space<vmem>>, vector<1x1x16xi32>,
    %get3A_562 = arith.constant 1 : i32
    %get3A_563 = arith.constant 0 : i32
    %get3A_564 = arith.index_cast %get3A_562 : i32 to index
    %get3A_565 = arith.index_cast %get3A_563 : i32 to index
    %get3A_566 = arith.constant 32 : index
    %get3A_567 = tpu.vector_load %arg5[%get3A_564, %get3A_565, %get3A_566] {strides = array<i32>} : memref<2x4x64xi32, #tpu.memory_space<vmem>>, vector<1x1x16xi32>,
    %get3A_568 = vector.shape_cast %get3A_567 : vector<1x1x16xi32> to vector<16xi32>
    %and3A_569 = arith.constant 32767 : i32
    %and3A_570 = vector.broadcast %and3A_569 : i32 to vector<16xi32>
    %and3A_571 = arith.andi %get3A_568, %and3A_570 : vector<16xi32>
    %add3A_572 = vector.broadcast %mul3A_0 : i32 to vector<16xi32>
    %add3A_573 = arith.addi %and3A_571, %add3A_572 : vector<16xi32>
    %swap3A_574 = arith.constant 1 : i32
    %swap3A_575 = arith.constant 0 : i32
    %swap3A_576 = arith.index_cast %swap3A_574 : i32 to index
    %swap3A_577 = arith.index_cast %swap3A_575 : i32 to index
    %swap3A_578 = arith.constant 32 : index
    %swap3A_579 = tpu.vector_load %arg6[%swap3A_576, %swap3A_577, %swap3A_578] {strides = array<i32>} : memref<2x4x64xi32, #tpu.memory_space<vmem>>, vector<1x1x16xi32>,
    %swap3A_580 = vector.shape_cast %swap3A_579 : vector<1x1x16xi32> to vector<16xi32>
    %swap3A_581 = vector.shape_cast %add3A_573 : vector<16xi32> to vector<1x1x16xi32>
    tpu.vector_store %arg6[%swap3A_576, %swap3A_577, %swap3A_578], %swap3A_581 {strides = array<i32>} : memref<2x4x64xi32, #tpu.memory_space<vmem>>, vector<1x1x16xi32>,
    %shift_right_arithmetic3A_582 = arith.constant 15 : i32
    %shift_right_arithmetic3A_583 = vector.broadcast %shift_right_arithmetic3A_582 : i32 to vector<16xi32>
    %shift_right_arithmetic3A_584 = arith.shrsi %get3A_568, %shift_right_arithmetic3A_583 : vector<16xi32>
    %swap3A_585 = arith.constant 1 : i32
    %swap3A_586 = arith.constant 0 : i32
    %swap3A_587 = arith.index_cast %swap3A_585 : i32 to index
    %swap3A_588 = arith.index_cast %swap3A_586 : i32 to index
    %swap3A_589 = arith.constant 32 : index
    %swap3A_590 = tpu.vector_load %arg7[%swap3A_587, %swap3A_588, %swap3A_589] {strides = array<i32>} : memref<2x4x64xi32, #tpu.memory_space<vmem>>, vector<1x1x16xi32>,
    %swap3A_591 = vector.shape_cast %swap3A_590 : vector<1x1x16xi32> to vector<16xi32>
    %swap3A_592 = vector.shape_cast %shift_right_arithmetic3A_584 : vector<16xi32> to vector<1x1x16xi32>
    tpu.vector_store %arg7[%swap3A_587, %swap3A_588, %swap3A_589], %swap3A_592 {strides = array<i32>} : memref<2x4x64xi32, #tpu.memory_space<vmem>>, vector<1x1x16xi32>,
    %get3A_593 = arith.constant 1 : i32
    %get3A_594 = arith.constant 0 : i32
    %get3A_595 = arith.index_cast %get3A_593 : i32 to index
    %get3A_596 = arith.index_cast %get3A_594 : i32 to index
    %get3A_597 = arith.constant 48 : index
    %get3A_598 = tpu.vector_load %arg5[%get3A_595, %get3A_596, %get3A_597] {strides = array<i32>} : memref<2x4x64xi32, #tpu.memory_space<vmem>>, vector<1x1x16xi32>,
    %get3A_599 = vector.shape_cast %get3A_598 : vector<1x1x16xi32> to vector<16xi32>
    %and3A_600 = arith.constant 32767 : i32
    %and3A_601 = vector.broadcast %and3A_600 : i32 to vector<16xi32>
    %and3A_602 = arith.andi %get3A_599, %and3A_601 : vector<16xi32>
    %add3A_603 = vector.broadcast %mul3A_0 : i32 to vector<16xi32>
    %add3A_604 = arith.addi %and3A_602, %add3A_603 : vector<16xi32>
    %swap3A_605 = arith.constant 1 : i32
    %swap3A_606 = arith.constant 0 : i32
    %swap3A_607 = arith.index_cast %swap3A_605 : i32 to index
    %swap3A_608 = arith.index_cast %swap3A_606 : i32 to index
    %swap3A_609 = arith.constant 48 : index
    %swap3A_610 = tpu.vector_load %arg6[%swap3A_607, %swap3A_608, %swap3A_609] {strides = array<i32>} : memref<2x4x64xi32, #tpu.memory_space<vmem>>, vector<1x1x16xi32>,
    %swap3A_611 = vector.shape_cast %swap3A_610 : vector<1x1x16xi32> to vector<16xi32>
    %swap3A_612 = vector.shape_cast %add3A_604 : vector<16xi32> to vector<1x1x16xi32>
    tpu.vector_store %arg6[%swap3A_607, %swap3A_608, %swap3A_609], %swap3A_612 {strides = array<i32>} : memref<2x4x64xi32, #tpu.memory_space<vmem>>, vector<1x1x16xi32>,
    %shift_right_arithmetic3A_613 = arith.constant 15 : i32
    %shift_right_arithmetic3A_614 = vector.broadcast %shift_right_arithmetic3A_613 : i32 to vector<16xi32>
    %shift_right_arithmetic3A_615 = arith.shrsi %get3A_599, %shift_right_arithmetic3A_614 : vector<16xi32>
    %swap3A_616 = arith.constant 1 : i32
    %swap3A_617 = arith.constant 0 : i32
    %swap3A_618 = arith.index_cast %swap3A_616 : i32 to index
    %swap3A_619 = arith.index_cast %swap3A_617 : i32 to index
    %swap3A_620 = arith.constant 48 : index
    %swap3A_621 = tpu.vector_load %arg7[%swap3A_618, %swap3A_619, %swap3A_620] {strides = array<i32>} : memref<2x4x64xi32, #tpu.memory_space<vmem>>, vector<1x1x16xi32>,
    %swap3A_622 = vector.shape_cast %swap3A_621 : vector<1x1x16xi32> to vector<16xi32>
    %swap3A_623 = vector.shape_cast %shift_right_arithmetic3A_615 : vector<16xi32> to vector<1x1x16xi32>
    tpu.vector_store %arg7[%swap3A_618, %swap3A_619, %swap3A_620], %swap3A_623 {strides = array<i32>} : memref<2x4x64xi32, #tpu.memory_space<vmem>>, vector<1x1x16xi32>,
    %get3A_624 = arith.constant 1 : i32
    %get3A_625 = arith.constant 1 : i32
    %get3A_626 = arith.index_cast %get3A_624 : i32 to index
    %get3A_627 = arith.index_cast %get3A_625 : i32 to index
    %get3A_628 = arith.constant 0 : index
    %get3A_629 = tpu.vector_load %arg5[%get3A_626, %get3A_627, %get3A_628] {strides = array<i32>} : memref<2x4x64xi32, #tpu.memory_space<vmem>>, vector<1x1x16xi32>,
    %get3A_630 = vector.shape_cast %get3A_629 : vector<1x1x16xi32> to vector<16xi32>
    %and3A_631 = arith.constant 32767 : i32
    %and3A_632 = vector.broadcast %and3A_631 : i32 to vector<16xi32>
    %and3A_633 = arith.andi %get3A_630, %and3A_632 : vector<16xi32>
    %add3A_634 = vector.broadcast %mul3A_0 : i32 to vector<16xi32>
    %add3A_635 = arith.addi %and3A_633, %add3A_634 : vector<16xi32>
    %swap3A_636 = arith.constant 1 : i32
    %swap3A_637 = arith.constant 1 : i32
    %swap3A_638 = arith.index_cast %swap3A_636 : i32 to index
    %swap3A_639 = arith.index_cast %swap3A_637 : i32 to index
    %swap3A_640 = arith.constant 0 : index
    %swap3A_641 = tpu.vector_load %arg6[%swap3A_638, %swap3A_639, %swap3A_640] {strides = array<i32>} : memref<2x4x64xi32, #tpu.memory_space<vmem>>, vector<1x1x16xi32>,
    %swap3A_642 = vector.shape_cast %swap3A_641 : vector<1x1x16xi32> to vector<16xi32>
    %swap3A_643 = vector.shape_cast %add3A_635 : vector<16xi32> to vector<1x1x16xi32>
    tpu.vector_store %arg6[%swap3A_638, %swap3A_639, %swap3A_640], %swap3A_643 {strides = array<i32>} : memref<2x4x64xi32, #tpu.memory_space<vmem>>, vector<1x1x16xi32>,
    %shift_right_arithmetic3A_644 = arith.constant 15 : i32
    %shift_right_arithmetic3A_645 = vector.broadcast %shift_right_arithmetic3A_644 : i32 to vector<16xi32>
    %shift_right_arithmetic3A_646 = arith.shrsi %get3A_630, %shift_right_arithmetic3A_645 : vector<16xi32>
    %swap3A_647 = arith.constant 1 : i32
    %swap3A_648 = arith.constant 1 : i32
    %swap3A_649 = arith.index_cast %swap3A_647 : i32 to index
    %swap3A_650 = arith.index_cast %swap3A_648 : i32 to index
    %swap3A_651 = arith.constant 0 : index
    %swap3A_652 = tpu.vector_load %arg7[%swap3A_649, %swap3A_650, %swap3A_651] {strides = array<i32>} : memref<2x4x64xi32, #tpu.memory_space<vmem>>, vector<1x1x16xi32>,
    %swap3A_653 = vector.shape_cast %swap3A_652 : vector<1x1x16xi32> to vector<16xi32>
    %swap3A_654 = vector.shape_cast %shift_right_arithmetic3A_646 : vector<16xi32> to vector<1x1x16xi32>
    tpu.vector_store %arg7[%swap3A_649, %swap3A_650, %swap3A_651], %swap3A_654 {strides = array<i32>} : memref<2x4x64xi32, #tpu.memory_space<vmem>>, vector<1x1x16xi32>,
    %get3A_655 = arith.constant 1 : i32
    %get3A_656 = arith.constant 1 : i32
    %get3A_657 = arith.index_cast %get3A_655 : i32 to index
    %get3A_658 = arith.index_cast %get3A_656 : i32 to index
    %get3A_659 = arith.constant 16 : index
    %get3A_660 = tpu.vector_load %arg5[%get3A_657, %get3A_658, %get3A_659] {strides = array<i32>} : memref<2x4x64xi32, #tpu.memory_space<vmem>>, vector<1x1x16xi32>,
    %get3A_661 = vector.shape_cast %get3A_660 : vector<1x1x16xi32> to vector<16xi32>
    %and3A_662 = arith.constant 32767 : i32
    %and3A_663 = vector.broadcast %and3A_662 : i32 to vector<16xi32>
    %and3A_664 = arith.andi %get3A_661, %and3A_663 : vector<16xi32>
    %add3A_665 = vector.broadcast %mul3A_0 : i32 to vector<16xi32>
    %add3A_666 = arith.addi %and3A_664, %add3A_665 : vector<16xi32>
    %swap3A_667 = arith.constant 1 : i32
    %swap3A_668 = arith.constant 1 : i32
    %swap3A_669 = arith.index_cast %swap3A_667 : i32 to index
    %swap3A_670 = arith.index_cast %swap3A_668 : i32 to index
    %swap3A_671 = arith.constant 16 : index
    %swap3A_672 = tpu.vector_load %arg6[%swap3A_669, %swap3A_670, %swap3A_671] {strides = array<i32>} : memref<2x4x64xi32, #tpu.memory_space<vmem>>, vector<1x1x16xi32>,
    %swap3A_673 = vector.shape_cast %swap3A_672 : vector<1x1x16xi32> to vector<16xi32>
    %swap3A_674 = vector.shape_cast %add3A_666 : vector<16xi32> to vector<1x1x16xi32>
    tpu.vector_store %arg6[%swap3A_669, %swap3A_670, %swap3A_671], %swap3A_674 {strides = array<i32>} : memref<2x4x64xi32, #tpu.memory_space<vmem>>, vector<1x1x16xi32>,
    %shift_right_arithmetic3A_675 = arith.constant 15 : i32
    %shift_right_arithmetic3A_676 = vector.broadcast %shift_right_arithmetic3A_675 : i32 to vector<16xi32>
    %shift_right_arithmetic3A_677 = arith.shrsi %get3A_661, %shift_right_arithmetic3A_676 : vector<16xi32>
    %swap3A_678 = arith.constant 1 : i32
    %swap3A_679 = arith.constant 1 : i32
    %swap3A_680 = arith.index_cast %swap3A_678 : i32 to index
    %swap3A_681 = arith.index_cast %swap3A_679 : i32 to index
    %swap3A_682 = arith.constant 16 : index
    %swap3A_683 = tpu.vector_load %arg7[%swap3A_680, %swap3A_681, %swap3A_682] {strides = array<i32>} : memref<2x4x64xi32, #tpu.memory_space<vmem>>, vector<1x1x16xi32>,
    %swap3A_684 = vector.shape_cast %swap3A_683 : vector<1x1x16xi32> to vector<16xi32>
    %swap3A_685 = vector.shape_cast %shift_right_arithmetic3A_677 : vector<16xi32> to vector<1x1x16xi32>
    tpu.vector_store %arg7[%swap3A_680, %swap3A_681, %swap3A_682], %swap3A_685 {strides = array<i32>} : memref<2x4x64xi32, #tpu.memory_space<vmem>>, vector<1x1x16xi32>,
    %get3A_686 = arith.constant 1 : i32
    %get3A_687 = arith.constant 1 : i32
    %get3A_688 = arith.index_cast %get3A_686 : i32 to index
    %get3A_689 = arith.index_cast %get3A_687 : i32 to index
    %get3A_690 = arith.constant 32 : index
    %get3A_691 = tpu.vector_load %arg5[%get3A_688, %get3A_689, %get3A_690] {strides = array<i32>} : memref<2x4x64xi32, #tpu.memory_space<vmem>>, vector<1x1x16xi32>,
    %get3A_692 = vector.shape_cast %get3A_691 : vector<1x1x16xi32> to vector<16xi32>
    %and3A_693 = arith.constant 32767 : i32
    %and3A_694 = vector.broadcast %and3A_693 : i32 to vector<16xi32>
    %and3A_695 = arith.andi %get3A_692, %and3A_694 : vector<16xi32>
    %add3A_696 = vector.broadcast %mul3A_0 : i32 to vector<16xi32>
    %add3A_697 = arith.addi %and3A_695, %add3A_696 : vector<16xi32>
    %swap3A_698 = arith.constant 1 : i32
    %swap3A_699 = arith.constant 1 : i32
    %swap3A_700 = arith.index_cast %swap3A_698 : i32 to index
    %swap3A_701 = arith.index_cast %swap3A_699 : i32 to index
    %swap3A_702 = arith.constant 32 : index
    %swap3A_703 = tpu.vector_load %arg6[%swap3A_700, %swap3A_701, %swap3A_702] {strides = array<i32>} : memref<2x4x64xi32, #tpu.memory_space<vmem>>, vector<1x1x16xi32>,
    %swap3A_704 = vector.shape_cast %swap3A_703 : vector<1x1x16xi32> to vector<16xi32>
    %swap3A_705 = vector.shape_cast %add3A_697 : vector<16xi32> to vector<1x1x16xi32>
    tpu.vector_store %arg6[%swap3A_700, %swap3A_701, %swap3A_702], %swap3A_705 {strides = array<i32>} : memref<2x4x64xi32, #tpu.memory_space<vmem>>, vector<1x1x16xi32>,
    %shift_right_arithmetic3A_706 = arith.constant 15 : i32
    %shift_right_arithmetic3A_707 = vector.broadcast %shift_right_arithmetic3A_706 : i32 to vector<16xi32>
    %shift_right_arithmetic3A_708 = arith.shrsi %get3A_692, %shift_right_arithmetic3A_707 : vector<16xi32>
    %swap3A_709 = arith.constant 1 : i32
    %swap3A_710 = arith.constant 1 : i32
    %swap3A_711 = arith.index_cast %swap3A_709 : i32 to index
    %swap3A_712 = arith.index_cast %swap3A_710 : i32 to index
    %swap3A_713 = arith.constant 32 : index
    %swap3A_714 = tpu.vector_load %arg7[%swap3A_711, %swap3A_712, %swap3A_713] {strides = array<i32>} : memref<2x4x64xi32, #tpu.memory_space<vmem>>, vector<1x1x16xi32>,
    %swap3A_715 = vector.shape_cast %swap3A_714 : vector<1x1x16xi32> to vector<16xi32>
    %swap3A_716 = vector.shape_cast %shift_right_arithmetic3A_708 : vector<16xi32> to vector<1x1x16xi32>
    tpu.vector_store %arg7[%swap3A_711, %swap3A_712, %swap3A_713], %swap3A_716 {strides = array<i32>} : memref<2x4x64xi32, #tpu.memory_space<vmem>>, vector<1x1x16xi32>,
    %get3A_717 = arith.constant 1 : i32
    %get3A_718 = arith.constant 1 : i32
    %get3A_719 = arith.index_cast %get3A_717 : i32 to index
    %get3A_720 = arith.index_cast %get3A_718 : i32 to index
    %get3A_721 = arith.constant 48 : index
    %get3A_722 = tpu.vector_load %arg5[%get3A_719, %get3A_720, %get3A_721] {strides = array<i32>} : memref<2x4x64xi32, #tpu.memory_space<vmem>>, vector<1x1x16xi32>,
    %get3A_723 = vector.shape_cast %get3A_722 : vector<1x1x16xi32> to vector<16xi32>
    %and3A_724 = arith.constant 32767 : i32
    %and3A_725 = vector.broadcast %and3A_724 : i32 to vector<16xi32>
    %and3A_726 = arith.andi %get3A_723, %and3A_725 : vector<16xi32>
    %add3A_727 = vector.broadcast %mul3A_0 : i32 to vector<16xi32>
    %add3A_728 = arith.addi %and3A_726, %add3A_727 : vector<16xi32>
    %swap3A_729 = arith.constant 1 : i32
    %swap3A_730 = arith.constant 1 : i32
    %swap3A_731 = arith.index_cast %swap3A_729 : i32 to index
    %swap3A_732 = arith.index_cast %swap3A_730 : i32 to index
    %swap3A_733 = arith.constant 48 : index
    %swap3A_734 = tpu.vector_load %arg6[%swap3A_731, %swap3A_732, %swap3A_733] {strides = array<i32>} : memref<2x4x64xi32, #tpu.memory_space<vmem>>, vector<1x1x16xi32>,
    %swap3A_735 = vector.shape_cast %swap3A_734 : vector<1x1x16xi32> to vector<16xi32>
    %swap3A_736 = vector.shape_cast %add3A_728 : vector<16xi32> to vector<1x1x16xi32>
    tpu.vector_store %arg6[%swap3A_731, %swap3A_732, %swap3A_733], %swap3A_736 {strides = array<i32>} : memref<2x4x64xi32, #tpu.memory_space<vmem>>, vector<1x1x16xi32>,
    %shift_right_arithmetic3A_737 = arith.constant 15 : i32
    %shift_right_arithmetic3A_738 = vector.broadcast %shift_right_arithmetic3A_737 : i32 to vector<16xi32>
    %shift_right_arithmetic3A_739 = arith.shrsi %get3A_723, %shift_right_arithmetic3A_738 : vector<16xi32>
    %swap3A_740 = arith.constant 1 : i32
    %swap3A_741 = arith.constant 1 : i32
    %swap3A_742 = arith.index_cast %swap3A_740 : i32 to index
    %swap3A_743 = arith.index_cast %swap3A_741 : i32 to index
    %swap3A_744 = arith.constant 48 : index
    %swap3A_745 = tpu.vector_load %arg7[%swap3A_742, %swap3A_743, %swap3A_744] {strides = array<i32>} : memref<2x4x64xi32, #tpu.memory_space<vmem>>, vector<1x1x16xi32>,
    %swap3A_746 = vector.shape_cast %swap3A_745 : vector<1x1x16xi32> to vector<16xi32>
    %swap3A_747 = vector.shape_cast %shift_right_arithmetic3A_739 : vector<16xi32> to vector<1x1x16xi32>
    tpu.vector_store %arg7[%swap3A_742, %swap3A_743, %swap3A_744], %swap3A_747 {strides = array<i32>} : memref<2x4x64xi32, #tpu.memory_space<vmem>>, vector<1x1x16xi32>,
    %get3A_748 = arith.constant 1 : i32
    %get3A_749 = arith.constant 2 : i32
    %get3A_750 = arith.index_cast %get3A_748 : i32 to index
    %get3A_751 = arith.index_cast %get3A_749 : i32 to index
    %get3A_752 = arith.constant 0 : index
    %get3A_753 = tpu.vector_load %arg5[%get3A_750, %get3A_751, %get3A_752] {strides = array<i32>} : memref<2x4x64xi32, #tpu.memory_space<vmem>>, vector<1x1x16xi32>,
    %get3A_754 = vector.shape_cast %get3A_753 : vector<1x1x16xi32> to vector<16xi32>
    %and3A_755 = arith.constant 32767 : i32
    %and3A_756 = vector.broadcast %and3A_755 : i32 to vector<16xi32>
    %and3A_757 = arith.andi %get3A_754, %and3A_756 : vector<16xi32>
    %add3A_758 = vector.broadcast %mul3A_0 : i32 to vector<16xi32>
    %add3A_759 = arith.addi %and3A_757, %add3A_758 : vector<16xi32>
    %swap3A_760 = arith.constant 1 : i32
    %swap3A_761 = arith.constant 2 : i32
    %swap3A_762 = arith.index_cast %swap3A_760 : i32 to index
    %swap3A_763 = arith.index_cast %swap3A_761 : i32 to index
    %swap3A_764 = arith.constant 0 : index
    %swap3A_765 = tpu.vector_load %arg6[%swap3A_762, %swap3A_763, %swap3A_764] {strides = array<i32>} : memref<2x4x64xi32, #tpu.memory_space<vmem>>, vector<1x1x16xi32>,
    %swap3A_766 = vector.shape_cast %swap3A_765 : vector<1x1x16xi32> to vector<16xi32>
    %swap3A_767 = vector.shape_cast %add3A_759 : vector<16xi32> to vector<1x1x16xi32>
    tpu.vector_store %arg6[%swap3A_762, %swap3A_763, %swap3A_764], %swap3A_767 {strides = array<i32>} : memref<2x4x64xi32, #tpu.memory_space<vmem>>, vector<1x1x16xi32>,
    %shift_right_arithmetic3A_768 = arith.constant 15 : i32
    %shift_right_arithmetic3A_769 = vector.broadcast %shift_right_arithmetic3A_768 : i32 to vector<16xi32>
    %shift_right_arithmetic3A_770 = arith.shrsi %get3A_754, %shift_right_arithmetic3A_769 : vector<16xi32>
    %swap3A_771 = arith.constant 1 : i32
    %swap3A_772 = arith.constant 2 : i32
    %swap3A_773 = arith.index_cast %swap3A_771 : i32 to index
    %swap3A_774 = arith.index_cast %swap3A_772 : i32 to index
    %swap3A_775 = arith.constant 0 : index
    %swap3A_776 = tpu.vector_load %arg7[%swap3A_773, %swap3A_774, %swap3A_775] {strides = array<i32>} : memref<2x4x64xi32, #tpu.memory_space<vmem>>, vector<1x1x16xi32>,
    %swap3A_777 = vector.shape_cast %swap3A_776 : vector<1x1x16xi32> to vector<16xi32>
    %swap3A_778 = vector.shape_cast %shift_right_arithmetic3A_770 : vector<16xi32> to vector<1x1x16xi32>
    tpu.vector_store %arg7[%swap3A_773, %swap3A_774, %swap3A_775], %swap3A_778 {strides = array<i32>} : memref<2x4x64xi32, #tpu.memory_space<vmem>>, vector<1x1x16xi32>,
    %get3A_779 = arith.constant 1 : i32
    %get3A_780 = arith.constant 2 : i32
    %get3A_781 = arith.index_cast %get3A_779 : i32 to index
    %get3A_782 = arith.index_cast %get3A_780 : i32 to index
    %get3A_783 = arith.constant 16 : index
    %get3A_784 = tpu.vector_load %arg5[%get3A_781, %get3A_782, %get3A_783] {strides = array<i32>} : memref<2x4x64xi32, #tpu.memory_space<vmem>>, vector<1x1x16xi32>,
    %get3A_785 = vector.shape_cast %get3A_784 : vector<1x1x16xi32> to vector<16xi32>
    %and3A_786 = arith.constant 32767 : i32
    %and3A_787 = vector.broadcast %and3A_786 : i32 to vector<16xi32>
    %and3A_788 = arith.andi %get3A_785, %and3A_787 : vector<16xi32>
    %add3A_789 = vector.broadcast %mul3A_0 : i32 to vector<16xi32>
    %add3A_790 = arith.addi %and3A_788, %add3A_789 : vector<16xi32>
    %swap3A_791 = arith.constant 1 : i32
    %swap3A_792 = arith.constant 2 : i32
    %swap3A_793 = arith.index_cast %swap3A_791 : i32 to index
    %swap3A_794 = arith.index_cast %swap3A_792 : i32 to index
    %swap3A_795 = arith.constant 16 : index
    %swap3A_796 = tpu.vector_load %arg6[%swap3A_793, %swap3A_794, %swap3A_795] {strides = array<i32>} : memref<2x4x64xi32, #tpu.memory_space<vmem>>, vector<1x1x16xi32>,
    %swap3A_797 = vector.shape_cast %swap3A_796 : vector<1x1x16xi32> to vector<16xi32>
    %swap3A_798 = vector.shape_cast %add3A_790 : vector<16xi32> to vector<1x1x16xi32>
    tpu.vector_store %arg6[%swap3A_793, %swap3A_794, %swap3A_795], %swap3A_798 {strides = array<i32>} : memref<2x4x64xi32, #tpu.memory_space<vmem>>, vector<1x1x16xi32>,
    %shift_right_arithmetic3A_799 = arith.constant 15 : i32
    %shift_right_arithmetic3A_800 = vector.broadcast %shift_right_arithmetic3A_799 : i32 to vector<16xi32>
    %shift_right_arithmetic3A_801 = arith.shrsi %get3A_785, %shift_right_arithmetic3A_800 : vector<16xi32>
    %swap3A_802 = arith.constant 1 : i32
    %swap3A_803 = arith.constant 2 : i32
    %swap3A_804 = arith.index_cast %swap3A_802 : i32 to index
    %swap3A_805 = arith.index_cast %swap3A_803 : i32 to index
    %swap3A_806 = arith.constant 16 : index
    %swap3A_807 = tpu.vector_load %arg7[%swap3A_804, %swap3A_805, %swap3A_806] {strides = array<i32>} : memref<2x4x64xi32, #tpu.memory_space<vmem>>, vector<1x1x16xi32>,
    %swap3A_808 = vector.shape_cast %swap3A_807 : vector<1x1x16xi32> to vector<16xi32>
    %swap3A_809 = vector.shape_cast %shift_right_arithmetic3A_801 : vector<16xi32> to vector<1x1x16xi32>
    tpu.vector_store %arg7[%swap3A_804, %swap3A_805, %swap3A_806], %swap3A_809 {strides = array<i32>} : memref<2x4x64xi32, #tpu.memory_space<vmem>>, vector<1x1x16xi32>,
    %get3A_810 = arith.constant 1 : i32
    %get3A_811 = arith.constant 2 : i32
    %get3A_812 = arith.index_cast %get3A_810 : i32 to index
    %get3A_813 = arith.index_cast %get3A_811 : i32 to index
    %get3A_814 = arith.constant 32 : index
    %get3A_815 = tpu.vector_load %arg5[%get3A_812, %get3A_813, %get3A_814] {strides = array<i32>} : memref<2x4x64xi32, #tpu.memory_space<vmem>>, vector<1x1x16xi32>,
    %get3A_816 = vector.shape_cast %get3A_815 : vector<1x1x16xi32> to vector<16xi32>
    %and3A_817 = arith.constant 32767 : i32
    %and3A_818 = vector.broadcast %and3A_817 : i32 to vector<16xi32>
    %and3A_819 = arith.andi %get3A_816, %and3A_818 : vector<16xi32>
    %add3A_820 = vector.broadcast %mul3A_0 : i32 to vector<16xi32>
    %add3A_821 = arith.addi %and3A_819, %add3A_820 : vector<16xi32>
    %swap3A_822 = arith.constant 1 : i32
    %swap3A_823 = arith.constant 2 : i32
    %swap3A_824 = arith.index_cast %swap3A_822 : i32 to index
    %swap3A_825 = arith.index_cast %swap3A_823 : i32 to index
    %swap3A_826 = arith.constant 32 : index
    %swap3A_827 = tpu.vector_load %arg6[%swap3A_824, %swap3A_825, %swap3A_826] {strides = array<i32>} : memref<2x4x64xi32, #tpu.memory_space<vmem>>, vector<1x1x16xi32>,
    %swap3A_828 = vector.shape_cast %swap3A_827 : vector<1x1x16xi32> to vector<16xi32>
    %swap3A_829 = vector.shape_cast %add3A_821 : vector<16xi32> to vector<1x1x16xi32>
    tpu.vector_store %arg6[%swap3A_824, %swap3A_825, %swap3A_826], %swap3A_829 {strides = array<i32>} : memref<2x4x64xi32, #tpu.memory_space<vmem>>, vector<1x1x16xi32>,
    %shift_right_arithmetic3A_830 = arith.constant 15 : i32
    %shift_right_arithmetic3A_831 = vector.broadcast %shift_right_arithmetic3A_830 : i32 to vector<16xi32>
    %shift_right_arithmetic3A_832 = arith.shrsi %get3A_816, %shift_right_arithmetic3A_831 : vector<16xi32>
    %swap3A_833 = arith.constant 1 : i32
    %swap3A_834 = arith.constant 2 : i32
    %swap3A_835 = arith.index_cast %swap3A_833 : i32 to index
    %swap3A_836 = arith.index_cast %swap3A_834 : i32 to index
    %swap3A_837 = arith.constant 32 : index
    %swap3A_838 = tpu.vector_load %arg7[%swap3A_835, %swap3A_836, %swap3A_837] {strides = array<i32>} : memref<2x4x64xi32, #tpu.memory_space<vmem>>, vector<1x1x16xi32>,
    %swap3A_839 = vector.shape_cast %swap3A_838 : vector<1x1x16xi32> to vector<16xi32>
    %swap3A_840 = vector.shape_cast %shift_right_arithmetic3A_832 : vector<16xi32> to vector<1x1x16xi32>
    tpu.vector_store %arg7[%swap3A_835, %swap3A_836, %swap3A_837], %swap3A_840 {strides = array<i32>} : memref<2x4x64xi32, #tpu.memory_space<vmem>>, vector<1x1x16xi32>,
    %get3A_841 = arith.constant 1 : i32
    %get3A_842 = arith.constant 2 : i32
    %get3A_843 = arith.index_cast %get3A_841 : i32 to index
    %get3A_844 = arith.index_cast %get3A_842 : i32 to index
    %get3A_845 = arith.constant 48 : index
    %get3A_846 = tpu.vector_load %arg5[%get3A_843, %get3A_844, %get3A_845] {strides = array<i32>} : memref<2x4x64xi32, #tpu.memory_space<vmem>>, vector<1x1x16xi32>,
    %get3A_847 = vector.shape_cast %get3A_846 : vector<1x1x16xi32> to vector<16xi32>
    %and3A_848 = arith.constant 32767 : i32
    %and3A_849 = vector.broadcast %and3A_848 : i32 to vector<16xi32>
    %and3A_850 = arith.andi %get3A_847, %and3A_849 : vector<16xi32>
    %add3A_851 = vector.broadcast %mul3A_0 : i32 to vector<16xi32>
    %add3A_852 = arith.addi %and3A_850, %add3A_851 : vector<16xi32>
    %swap3A_853 = arith.constant 1 : i32
    %swap3A_854 = arith.constant 2 : i32
    %swap3A_855 = arith.index_cast %swap3A_853 : i32 to index
    %swap3A_856 = arith.index_cast %swap3A_854 : i32 to index
    %swap3A_857 = arith.constant 48 : index
    %swap3A_858 = tpu.vector_load %arg6[%swap3A_855, %swap3A_856, %swap3A_857] {strides = array<i32>} : memref<2x4x64xi32, #tpu.memory_space<vmem>>, vector<1x1x16xi32>,
    %swap3A_859 = vector.shape_cast %swap3A_858 : vector<1x1x16xi32> to vector<16xi32>
    %swap3A_860 = vector.shape_cast %add3A_852 : vector<16xi32> to vector<1x1x16xi32>
    tpu.vector_store %arg6[%swap3A_855, %swap3A_856, %swap3A_857], %swap3A_860 {strides = array<i32>} : memref<2x4x64xi32, #tpu.memory_space<vmem>>, vector<1x1x16xi32>,
    %shift_right_arithmetic3A_861 = arith.constant 15 : i32
    %shift_right_arithmetic3A_862 = vector.broadcast %shift_right_arithmetic3A_861 : i32 to vector<16xi32>
    %shift_right_arithmetic3A_863 = arith.shrsi %get3A_847, %shift_right_arithmetic3A_862 : vector<16xi32>
    %swap3A_864 = arith.constant 1 : i32
    %swap3A_865 = arith.constant 2 : i32
    %swap3A_866 = arith.index_cast %swap3A_864 : i32 to index
    %swap3A_867 = arith.index_cast %swap3A_865 : i32 to index
    %swap3A_868 = arith.constant 48 : index
    %swap3A_869 = tpu.vector_load %arg7[%swap3A_866, %swap3A_867, %swap3A_868] {strides = array<i32>} : memref<2x4x64xi32, #tpu.memory_space<vmem>>, vector<1x1x16xi32>,
    %swap3A_870 = vector.shape_cast %swap3A_869 : vector<1x1x16xi32> to vector<16xi32>
    %swap3A_871 = vector.shape_cast %shift_right_arithmetic3A_863 : vector<16xi32> to vector<1x1x16xi32>
    tpu.vector_store %arg7[%swap3A_866, %swap3A_867, %swap3A_868], %swap3A_871 {strides = array<i32>} : memref<2x4x64xi32, #tpu.memory_space<vmem>>, vector<1x1x16xi32>,
    %get3A_872 = arith.constant 1 : i32
    %get3A_873 = arith.constant 3 : i32
    %get3A_874 = arith.index_cast %get3A_872 : i32 to index
    %get3A_875 = arith.index_cast %get3A_873 : i32 to index
    %get3A_876 = arith.constant 0 : index
    %get3A_877 = tpu.vector_load %arg5[%get3A_874, %get3A_875, %get3A_876] {strides = array<i32>} : memref<2x4x64xi32, #tpu.memory_space<vmem>>, vector<1x1x16xi32>,
    %get3A_878 = vector.shape_cast %get3A_877 : vector<1x1x16xi32> to vector<16xi32>
    %and3A_879 = arith.constant 32767 : i32
    %and3A_880 = vector.broadcast %and3A_879 : i32 to vector<16xi32>
    %and3A_881 = arith.andi %get3A_878, %and3A_880 : vector<16xi32>
    %add3A_882 = vector.broadcast %mul3A_0 : i32 to vector<16xi32>
    %add3A_883 = arith.addi %and3A_881, %add3A_882 : vector<16xi32>
    %swap3A_884 = arith.constant 1 : i32
    %swap3A_885 = arith.constant 3 : i32
    %swap3A_886 = arith.index_cast %swap3A_884 : i32 to index
    %swap3A_887 = arith.index_cast %swap3A_885 : i32 to index
    %swap3A_888 = arith.constant 0 : index
    %swap3A_889 = tpu.vector_load %arg6[%swap3A_886, %swap3A_887, %swap3A_888] {strides = array<i32>} : memref<2x4x64xi32, #tpu.memory_space<vmem>>, vector<1x1x16xi32>,
    %swap3A_890 = vector.shape_cast %swap3A_889 : vector<1x1x16xi32> to vector<16xi32>
    %swap3A_891 = vector.shape_cast %add3A_883 : vector<16xi32> to vector<1x1x16xi32>
    tpu.vector_store %arg6[%swap3A_886, %swap3A_887, %swap3A_888], %swap3A_891 {strides = array<i32>} : memref<2x4x64xi32, #tpu.memory_space<vmem>>, vector<1x1x16xi32>,
    %shift_right_arithmetic3A_892 = arith.constant 15 : i32
    %shift_right_arithmetic3A_893 = vector.broadcast %shift_right_arithmetic3A_892 : i32 to vector<16xi32>
    %shift_right_arithmetic3A_894 = arith.shrsi %get3A_878, %shift_right_arithmetic3A_893 : vector<16xi32>
    %swap3A_895 = arith.constant 1 : i32
    %swap3A_896 = arith.constant 3 : i32
    %swap3A_897 = arith.index_cast %swap3A_895 : i32 to index
    %swap3A_898 = arith.index_cast %swap3A_896 : i32 to index
    %swap3A_899 = arith.constant 0 : index
    %swap3A_900 = tpu.vector_load %arg7[%swap3A_897, %swap3A_898, %swap3A_899] {strides = array<i32>} : memref<2x4x64xi32, #tpu.memory_space<vmem>>, vector<1x1x16xi32>,
    %swap3A_901 = vector.shape_cast %swap3A_900 : vector<1x1x16xi32> to vector<16xi32>
    %swap3A_902 = vector.shape_cast %shift_right_arithmetic3A_894 : vector<16xi32> to vector<1x1x16xi32>
    tpu.vector_store %arg7[%swap3A_897, %swap3A_898, %swap3A_899], %swap3A_902 {strides = array<i32>} : memref<2x4x64xi32, #tpu.memory_space<vmem>>, vector<1x1x16xi32>,
    %get3A_903 = arith.constant 1 : i32
    %get3A_904 = arith.constant 3 : i32
    %get3A_905 = arith.index_cast %get3A_903 : i32 to index
    %get3A_906 = arith.index_cast %get3A_904 : i32 to index
    %get3A_907 = arith.constant 16 : index
    %get3A_908 = tpu.vector_load %arg5[%get3A_905, %get3A_906, %get3A_907] {strides = array<i32>} : memref<2x4x64xi32, #tpu.memory_space<vmem>>, vector<1x1x16xi32>,
    %get3A_909 = vector.shape_cast %get3A_908 : vector<1x1x16xi32> to vector<16xi32>
    %and3A_910 = arith.constant 32767 : i32
    %and3A_911 = vector.broadcast %and3A_910 : i32 to vector<16xi32>
    %and3A_912 = arith.andi %get3A_909, %and3A_911 : vector<16xi32>
    %add3A_913 = vector.broadcast %mul3A_0 : i32 to vector<16xi32>
    %add3A_914 = arith.addi %and3A_912, %add3A_913 : vector<16xi32>
    %swap3A_915 = arith.constant 1 : i32
    %swap3A_916 = arith.constant 3 : i32
    %swap3A_917 = arith.index_cast %swap3A_915 : i32 to index
    %swap3A_918 = arith.index_cast %swap3A_916 : i32 to index
    %swap3A_919 = arith.constant 16 : index
    %swap3A_920 = tpu.vector_load %arg6[%swap3A_917, %swap3A_918, %swap3A_919] {strides = array<i32>} : memref<2x4x64xi32, #tpu.memory_space<vmem>>, vector<1x1x16xi32>,
    %swap3A_921 = vector.shape_cast %swap3A_920 : vector<1x1x16xi32> to vector<16xi32>
    %swap3A_922 = vector.shape_cast %add3A_914 : vector<16xi32> to vector<1x1x16xi32>
    tpu.vector_store %arg6[%swap3A_917, %swap3A_918, %swap3A_919], %swap3A_922 {strides = array<i32>} : memref<2x4x64xi32, #tpu.memory_space<vmem>>, vector<1x1x16xi32>,
    %shift_right_arithmetic3A_923 = arith.constant 15 : i32
    %shift_right_arithmetic3A_924 = vector.broadcast %shift_right_arithmetic3A_923 : i32 to vector<16xi32>
    %shift_right_arithmetic3A_925 = arith.shrsi %get3A_909, %shift_right_arithmetic3A_924 : vector<16xi32>
    %swap3A_926 = arith.constant 1 : i32
    %swap3A_927 = arith.constant 3 : i32
    %swap3A_928 = arith.index_cast %swap3A_926 : i32 to index
    %swap3A_929 = arith.index_cast %swap3A_927 : i32 to index
    %swap3A_930 = arith.constant 16 : index
    %swap3A_931 = tpu.vector_load %arg7[%swap3A_928, %swap3A_929, %swap3A_930] {strides = array<i32>} : memref<2x4x64xi32, #tpu.memory_space<vmem>>, vector<1x1x16xi32>,
    %swap3A_932 = vector.shape_cast %swap3A_931 : vector<1x1x16xi32> to vector<16xi32>
    %swap3A_933 = vector.shape_cast %shift_right_arithmetic3A_925 : vector<16xi32> to vector<1x1x16xi32>
    tpu.vector_store %arg7[%swap3A_928, %swap3A_929, %swap3A_930], %swap3A_933 {strides = array<i32>} : memref<2x4x64xi32, #tpu.memory_space<vmem>>, vector<1x1x16xi32>,
    %get3A_934 = arith.constant 1 : i32
    %get3A_935 = arith.constant 3 : i32
    %get3A_936 = arith.index_cast %get3A_934 : i32 to index
    %get3A_937 = arith.index_cast %get3A_935 : i32 to index
    %get3A_938 = arith.constant 32 : index
    %get3A_939 = tpu.vector_load %arg5[%get3A_936, %get3A_937, %get3A_938] {strides = array<i32>} : memref<2x4x64xi32, #tpu.memory_space<vmem>>, vector<1x1x16xi32>,
    %get3A_940 = vector.shape_cast %get3A_939 : vector<1x1x16xi32> to vector<16xi32>
    %and3A_941 = arith.constant 32767 : i32
    %and3A_942 = vector.broadcast %and3A_941 : i32 to vector<16xi32>
    %and3A_943 = arith.andi %get3A_940, %and3A_942 : vector<16xi32>
    %add3A_944 = vector.broadcast %mul3A_0 : i32 to vector<16xi32>
    %add3A_945 = arith.addi %and3A_943, %add3A_944 : vector<16xi32>
    %swap3A_946 = arith.constant 1 : i32
    %swap3A_947 = arith.constant 3 : i32
    %swap3A_948 = arith.index_cast %swap3A_946 : i32 to index
    %swap3A_949 = arith.index_cast %swap3A_947 : i32 to index
    %swap3A_950 = arith.constant 32 : index
    %swap3A_951 = tpu.vector_load %arg6[%swap3A_948, %swap3A_949, %swap3A_950] {strides = array<i32>} : memref<2x4x64xi32, #tpu.memory_space<vmem>>, vector<1x1x16xi32>,
    %swap3A_952 = vector.shape_cast %swap3A_951 : vector<1x1x16xi32> to vector<16xi32>
    %swap3A_953 = vector.shape_cast %add3A_945 : vector<16xi32> to vector<1x1x16xi32>
    tpu.vector_store %arg6[%swap3A_948, %swap3A_949, %swap3A_950], %swap3A_953 {strides = array<i32>} : memref<2x4x64xi32, #tpu.memory_space<vmem>>, vector<1x1x16xi32>,
    %shift_right_arithmetic3A_954 = arith.constant 15 : i32
    %shift_right_arithmetic3A_955 = vector.broadcast %shift_right_arithmetic3A_954 : i32 to vector<16xi32>
    %shift_right_arithmetic3A_956 = arith.shrsi %get3A_940, %shift_right_arithmetic3A_955 : vector<16xi32>
    %swap3A_957 = arith.constant 1 : i32
    %swap3A_958 = arith.constant 3 : i32
    %swap3A_959 = arith.index_cast %swap3A_957 : i32 to index
    %swap3A_960 = arith.index_cast %swap3A_958 : i32 to index
    %swap3A_961 = arith.constant 32 : index
    %swap3A_962 = tpu.vector_load %arg7[%swap3A_959, %swap3A_960, %swap3A_961] {strides = array<i32>} : memref<2x4x64xi32, #tpu.memory_space<vmem>>, vector<1x1x16xi32>,
    %swap3A_963 = vector.shape_cast %swap3A_962 : vector<1x1x16xi32> to vector<16xi32>
    %swap3A_964 = vector.shape_cast %shift_right_arithmetic3A_956 : vector<16xi32> to vector<1x1x16xi32>
    tpu.vector_store %arg7[%swap3A_959, %swap3A_960, %swap3A_961], %swap3A_964 {strides = array<i32>} : memref<2x4x64xi32, #tpu.memory_space<vmem>>, vector<1x1x16xi32>,
    %get3A_965 = arith.constant 1 : i32
    %get3A_966 = arith.constant 3 : i32
    %get3A_967 = arith.index_cast %get3A_965 : i32 to index
    %get3A_968 = arith.index_cast %get3A_966 : i32 to index
    %get3A_969 = arith.constant 48 : index
    %get3A_970 = tpu.vector_load %arg5[%get3A_967, %get3A_968, %get3A_969] {strides = array<i32>} : memref<2x4x64xi32, #tpu.memory_space<vmem>>, vector<1x1x16xi32>,
    %get3A_971 = vector.shape_cast %get3A_970 : vector<1x1x16xi32> to vector<16xi32>
    %and3A_972 = arith.constant 32767 : i32
    %and3A_973 = vector.broadcast %and3A_972 : i32 to vector<16xi32>
    %and3A_974 = arith.andi %get3A_971, %and3A_973 : vector<16xi32>
    %add3A_975 = vector.broadcast %mul3A_0 : i32 to vector<16xi32>
    %add3A_976 = arith.addi %and3A_974, %add3A_975 : vector<16xi32>
    %swap3A_977 = arith.constant 1 : i32
    %swap3A_978 = arith.constant 3 : i32
    %swap3A_979 = arith.index_cast %swap3A_977 : i32 to index
    %swap3A_980 = arith.index_cast %swap3A_978 : i32 to index
    %swap3A_981 = arith.constant 48 : index
    %swap3A_982 = tpu.vector_load %arg6[%swap3A_979, %swap3A_980, %swap3A_981] {strides = array<i32>} : memref<2x4x64xi32, #tpu.memory_space<vmem>>, vector<1x1x16xi32>,
    %swap3A_983 = vector.shape_cast %swap3A_982 : vector<1x1x16xi32> to vector<16xi32>
    %swap3A_984 = vector.shape_cast %add3A_976 : vector<16xi32> to vector<1x1x16xi32>
    tpu.vector_store %arg6[%swap3A_979, %swap3A_980, %swap3A_981], %swap3A_984 {strides = array<i32>} : memref<2x4x64xi32, #tpu.memory_space<vmem>>, vector<1x1x16xi32>,
    %shift_right_arithmetic3A_985 = arith.constant 15 : i32
    %shift_right_arithmetic3A_986 = vector.broadcast %shift_right_arithmetic3A_985 : i32 to vector<16xi32>
    %shift_right_arithmetic3A_987 = arith.shrsi %get3A_971, %shift_right_arithmetic3A_986 : vector<16xi32>
    %swap3A_988 = arith.constant 1 : i32
    %swap3A_989 = arith.constant 3 : i32
    %swap3A_990 = arith.index_cast %swap3A_988 : i32 to index
    %swap3A_991 = arith.index_cast %swap3A_989 : i32 to index
    %swap3A_992 = arith.constant 48 : index
    %swap3A_993 = tpu.vector_load %arg7[%swap3A_990, %swap3A_991, %swap3A_992] {strides = array<i32>} : memref<2x4x64xi32, #tpu.memory_space<vmem>>, vector<1x1x16xi32>,
    %swap3A_994 = vector.shape_cast %swap3A_993 : vector<1x1x16xi32> to vector<16xi32>
    %swap3A_995 = vector.shape_cast %shift_right_arithmetic3A_987 : vector<16xi32> to vector<1x1x16xi32>
    tpu.vector_store %arg7[%swap3A_990, %swap3A_991, %swap3A_992], %swap3A_995 {strides = array<i32>} : memref<2x4x64xi32, #tpu.memory_space<vmem>>, vector<1x1x16xi32>,
    %barrier3A = arith.constant 0 : index
    tpu.barrier barrier_id(%barrier3A)
    %dma_start3A = arith.constant 0 : i32
    %dma_start3A_996 = arith.constant 0 : i32
    %dma_start3A_997 = arith.constant 0 : i32
    %dma_start3A_998 = arith.constant 0 : i32
    %dma_start3A_999 = tpu.memref_slice %arg6[%dma_start3A, %dma_start3A_996, %dma_start3A_998] : memref<2x4x64xi32, #tpu.memory_space<vmem>> -> memref<1x1x64xi32, #tpu.memory_space<vmem>>
    %dma_start3A_1000 = tpu.memref_squeeze %dma_start3A_999 : memref<1x1x64xi32, #tpu.memory_space<vmem>> -> memref<64xi32, #tpu.memory_space<vmem>>
    %dma_start3A_1001 = arith.constant 0 : i32
    %dma_start3A_1002 = arith.constant 0 : i32
    %dma_start3A_1003 = tpu.memref_slice %arg2[%dma_start3A_1001, %dma_start3A_1002] : memref<20480x128xf32, #tpu.memory_space<hbm>> -> memref<20480x128xf32, #tpu.memory_space<hbm>>
    %dma_start3A_1004 = tpu.memref_slice %arg12[%dma_start3A_997] : memref<4x!tpu.dma_semaphore, #tpu.memory_space<semaphore_mem>> -> memref<1x!tpu.dma_semaphore, #tpu.memory_space<semaphore_mem>>
    %dma_start3A_1005 = tpu.memref_squeeze %dma_start3A_1004 : memref<1x!tpu.dma_semaphore, #tpu.memory_space<semaphore_mem>> -> memref<!tpu.dma_semaphore, #tpu.memory_space<semaphore_mem>>
    tpu.enqueue_indirect_dma source(%dma_start3A_1003 : memref<20480x128xf32, #tpu.memory_space<hbm>>) target(%arg8 : memref<64x128xf32, #tpu.memory_space<vmem>>) offsets(%dma_start3A_1000 : memref<64xi32, #tpu.memory_space<vmem>>) semaphore(%dma_start3A_1005 : memref<!tpu.dma_semaphore, #tpu.memory_space<semaphore_mem>>)
    %dma_start3A_1006 = arith.constant 0 : i32
    %dma_start3A_1007 = arith.constant 1 : i32
    %dma_start3A_1008 = arith.constant 1 : i32
    %dma_start3A_1009 = arith.constant 0 : i32
    %dma_start3A_1010 = tpu.memref_slice %arg6[%dma_start3A_1006, %dma_start3A_1007, %dma_start3A_1009] : memref<2x4x64xi32, #tpu.memory_space<vmem>> -> memref<1x1x64xi32, #tpu.memory_space<vmem>>
    %dma_start3A_1011 = tpu.memref_squeeze %dma_start3A_1010 : memref<1x1x64xi32, #tpu.memory_space<vmem>> -> memref<64xi32, #tpu.memory_space<vmem>>
    %dma_start3A_1012 = arith.constant 0 : i32
    %dma_start3A_1013 = arith.constant 0 : i32
    %dma_start3A_1014 = tpu.memref_slice %arg2[%dma_start3A_1012, %dma_start3A_1013] : memref<20480x128xf32, #tpu.memory_space<hbm>> -> memref<20480x128xf32, #tpu.memory_space<hbm>>
    %dma_start3A_1015 = tpu.memref_slice %arg12[%dma_start3A_1008] : memref<4x!tpu.dma_semaphore, #tpu.memory_space<semaphore_mem>> -> memref<1x!tpu.dma_semaphore, #tpu.memory_space<semaphore_mem>>
    %dma_start3A_1016 = tpu.memref_squeeze %dma_start3A_1015 : memref<1x!tpu.dma_semaphore, #tpu.memory_space<semaphore_mem>> -> memref<!tpu.dma_semaphore, #tpu.memory_space<semaphore_mem>>
    tpu.enqueue_indirect_dma source(%dma_start3A_1014 : memref<20480x128xf32, #tpu.memory_space<hbm>>) target(%arg9 : memref<64x128xf32, #tpu.memory_space<vmem>>) offsets(%dma_start3A_1011 : memref<64xi32, #tpu.memory_space<vmem>>) semaphore(%dma_start3A_1016 : memref<!tpu.dma_semaphore, #tpu.memory_space<semaphore_mem>>)
    %scan3A = arith.constant 0 : i32
    %scan3A_1017 = arith.constant 0 : i32
    %scan3A_1018 = arith.constant 40 : i32
    %scan3A_1019 = arith.addi %scan3A_1017, %scan3A_1018 : i32
    %scan3A_1020 = arith.constant 1 : i32
    scf.for %scan3A_1040 = %scan3A_1017 to %scan3A_1019 step %scan3A_1020  : i32 {
      %jit3A = arith.constant 2 : i32
      %eq3A = arith.constant 0 : i32
      %eq3A_1041 = arith.cmpi eq, %jit3A, %eq3A : i32
      %jit3A_1042 = arith.constant 1 : i32
      %select_n3A = arith.select %eq3A_1041, %jit3A_1042, %jit3A : i32
      %rem3A = arith.remsi %scan3A_1040, %select_n3A : i32
      %ne3A = arith.constant 0 : i32
      %ne3A_1043 = arith.cmpi ne, %rem3A, %ne3A : i32
      %lt3A = arith.constant 0 : i32
      %lt3A_1044 = arith.cmpi slt, %rem3A, %lt3A : i32
      %lt3A_1045 = arith.constant 0 : i32
      %lt3A_1046 = arith.cmpi slt, %select_n3A, %lt3A_1045 : i32
      %ne3A_1047 = arith.xori %lt3A_1044, %lt3A_1046 : i1
      %and3A_1048 = arith.andi %ne3A_1047, %ne3A_1043 : i1
      %add3A_1049 = arith.addi %rem3A, %select_n3A : i32
      %select_n3A_1050 = arith.select %and3A_1048, %add3A_1049, %rem3A : i32
      %add3A_1051 = arith.constant 1 : i32
      %add3A_1052 = arith.addi %scan3A_1040, %add3A_1051 : i32
      %jit3A_1053 = arith.constant 2 : i32
      %eq3A_1054 = arith.constant 0 : i32
      %eq3A_1055 = arith.cmpi eq, %jit3A_1053, %eq3A_1054 : i32
      %jit3A_1056 = arith.constant 1 : i32
      %select_n3A_1057 = arith.select %eq3A_1055, %jit3A_1056, %jit3A_1053 : i32
      %rem3A_1058 = arith.remsi %add3A_1052, %select_n3A_1057 : i32
      %ne3A_1059 = arith.constant 0 : i32
      %ne3A_1060 = arith.cmpi ne, %rem3A_1058, %ne3A_1059 : i32
      %lt3A_1061 = arith.constant 0 : i32
      %lt3A_1062 = arith.cmpi slt, %rem3A_1058, %lt3A_1061 : i32
      %lt3A_1063 = arith.constant 0 : i32
      %lt3A_1064 = arith.cmpi slt, %select_n3A_1057, %lt3A_1063 : i32
      %ne3A_1065 = arith.xori %lt3A_1062, %lt3A_1064 : i1
      %and3A_1066 = arith.andi %ne3A_1065, %ne3A_1060 : i1
      %add3A_1067 = arith.addi %rem3A_1058, %select_n3A_1057 : i32
      %select_n3A_1068 = arith.select %and3A_1066, %add3A_1067, %rem3A_1058 : i32
      %mul3A_1069 = arith.constant 4 : i32
      %mul3A_1070 = arith.muli %scan3A_1040, %mul3A_1069 : i32
      %add3A_1071 = arith.constant 0 : i32
      %add3A_1072 = arith.addi %mul3A_1070, %add3A_1071 : i32
      %add3A_1073 = arith.constant 2 : i32
      %add3A_1074 = arith.addi %scan3A_1040, %add3A_1073 : i32
      %lt3A_1075 = arith.constant 40 : i32
      %lt3A_1076 = arith.cmpi slt, %add3A_1074, %lt3A_1075 : i32
      %convert_element_type3A = arith.extui %lt3A_1076 : i1 to i32
      %cond3A = arith.constant 0 : i32
      %cond3A_1077 = arith.cmpi ne, %convert_element_type3A, %cond3A : i32
      scf.if %cond3A_1077 {
        %add3A_1230 = arith.constant 2 : i32
        %add3A_1231 = arith.addi %scan3A_1040, %add3A_1230 : i32
        %mul3A_1232 = arith.constant 4 : i32
        %mul3A_1233 = arith.muli %add3A_1231, %mul3A_1232 : i32
        %add3A_1234 = arith.addi %mul3A_4, %mul3A_1233 : i32
        %dma_start3A_1235 = arith.constant 0 : i32
        %dma_start3A_1236 = arith.constant 0 : i32
        %dma_start3A_1237 = tpu.memref_slice %arg5[%select_n3A_1050, %dma_start3A_1235, %dma_start3A_1236] : memref<2x4x64xi32, #tpu.memory_space<vmem>> -> memref<1x4x64xi32, #tpu.memory_space<vmem>>
        %dma_start3A_1238 = tpu.memref_squeeze %dma_start3A_1237 : memref<1x4x64xi32, #tpu.memory_space<vmem>> -> memref<4x64xi32, #tpu.memory_space<vmem>>
        %dma_start3A_1239 = arith.constant 0 : i32
        %dma_start3A_1240 = tpu.memref_slice %arg3[%add3A_1234, %dma_start3A_1239] : memref<2560x64xi32, #tpu.memory_space<hbm>> -> memref<4x64xi32, #tpu.memory_space<hbm>>
        %dma_start3A_1241 = tpu.memref_slice %arg14[%select_n3A_1050] : memref<2x!tpu.dma_semaphore, #tpu.memory_space<semaphore_mem>> -> memref<1x!tpu.dma_semaphore, #tpu.memory_space<semaphore_mem>>
        %dma_start3A_1242 = tpu.memref_squeeze %dma_start3A_1241 : memref<1x!tpu.dma_semaphore, #tpu.memory_space<semaphore_mem>> -> memref<!tpu.dma_semaphore, #tpu.memory_space<semaphore_mem>>
        %dma_start3A_1243 = arith.constant 0 : i32
        %dma_start3A_1244 = arith.constant 0 : i32
        %dma_start3A_1245 = tpu.memref_slice %arg5[%select_n3A_1050, %dma_start3A_1243, %dma_start3A_1244] : memref<2x4x64xi32, #tpu.memory_space<vmem>> -> memref<1x4x64xi32, #tpu.memory_space<vmem>>
        %dma_start3A_1246 = tpu.memref_squeeze %dma_start3A_1245 : memref<1x4x64xi32, #tpu.memory_space<vmem>> -> memref<4x64xi32, #tpu.memory_space<vmem>>
        %dma_start3A_1247 = arith.constant 0 : i32
        %dma_start3A_1248 = tpu.memref_slice %arg3[%add3A_1234, %dma_start3A_1247] : memref<2560x64xi32, #tpu.memory_space<hbm>> -> memref<4x64xi32, #tpu.memory_space<hbm>>
        tpu.enqueue_dma source(%dma_start3A_1248 : memref<4x64xi32, #tpu.memory_space<hbm>>) target(%dma_start3A_1246 : memref<4x64xi32, #tpu.memory_space<vmem>>) target_semaphore(%dma_start3A_1242 : memref<!tpu.dma_semaphore, #tpu.memory_space<semaphore_mem>>)
      } else {
      }
      %ge3A = arith.constant 2 : i32
      %ge3A_1078 = arith.cmpi sge, %add3A_1072, %ge3A : i32
      %convert_element_type3A_1079 = arith.extui %ge3A_1078 : i1 to i32
      %cond3A_1080 = arith.constant 0 : i32
      %cond3A_1081 = arith.cmpi ne, %convert_element_type3A_1079, %cond3A_1080 : i32
      scf.if %cond3A_1081 {
        %dma_wait3A_1230 = arith.constant 2 : i32
        %dma_wait3A_1231 = arith.constant 0 : i32
        %dma_wait3A_1232 = arith.constant 0 : i32
        %dma_wait3A_1233 = tpu.memref_slice %arg2[%dma_wait3A_1231, %dma_wait3A_1232] : memref<20480x128xf32, #tpu.memory_space<hbm>> -> memref<64x128xf32, #tpu.memory_space<hbm>>
        %dma_wait3A_1234 = tpu.memref_slice %arg13[%dma_wait3A_1230] : memref<4x!tpu.dma_semaphore, #tpu.memory_space<semaphore_mem>> -> memref<1x!tpu.dma_semaphore, #tpu.memory_space<semaphore_mem>>
        %dma_wait3A_1235 = tpu.memref_squeeze %dma_wait3A_1234 : memref<1x!tpu.dma_semaphore, #tpu.memory_space<semaphore_mem>> -> memref<!tpu.dma_semaphore, #tpu.memory_space<semaphore_mem>>
        %dma_wait3A_1236 = arith.constant 0 : i32
        %dma_wait3A_1237 = arith.constant 0 : i32
        %dma_wait3A_1238 = tpu.memref_slice %arg2[%dma_wait3A_1236, %dma_wait3A_1237] : memref<20480x128xf32, #tpu.memory_space<hbm>> -> memref<64x128xf32, #tpu.memory_space<hbm>>
        tpu.wait_dma2 semaphore(%dma_wait3A_1235 : memref<!tpu.dma_semaphore, #tpu.memory_space<semaphore_mem>>) src(%dma_wait3A_1238 : memref<64x128xf32, #tpu.memory_space<hbm>>) dst(%arg10 : memref<64x128xf32, #tpu.memory_space<vmem>>)
      } else {
      }
      %add3A_1082 = arith.constant 2 : i32
      %add3A_1083 = arith.addi %add3A_1072, %add3A_1082 : i32
      %lt3A_1084 = arith.constant 160 : i32
      %lt3A_1085 = arith.cmpi slt, %add3A_1083, %lt3A_1084 : i32
      %convert_element_type3A_1086 = arith.extui %lt3A_1085 : i1 to i32
      %cond3A_1087 = arith.constant 0 : i32
      %cond3A_1088 = arith.cmpi ne, %convert_element_type3A_1086, %cond3A_1087 : i32
      scf.if %cond3A_1088 {
        %dma_start3A_1230 = arith.constant 2 : i32
        %dma_start3A_1231 = arith.constant 2 : i32
        %dma_start3A_1232 = arith.constant 0 : i32
        %dma_start3A_1233 = tpu.memref_slice %arg6[%select_n3A_1050, %dma_start3A_1230, %dma_start3A_1232] : memref<2x4x64xi32, #tpu.memory_space<vmem>> -> memref<1x1x64xi32, #tpu.memory_space<vmem>>
        %dma_start3A_1234 = tpu.memref_squeeze %dma_start3A_1233 : memref<1x1x64xi32, #tpu.memory_space<vmem>> -> memref<64xi32, #tpu.memory_space<vmem>>
        %dma_start3A_1235 = arith.constant 0 : i32
        %dma_start3A_1236 = arith.constant 0 : i32
        %dma_start3A_1237 = tpu.memref_slice %arg2[%dma_start3A_1235, %dma_start3A_1236] : memref<20480x128xf32, #tpu.memory_space<hbm>> -> memref<20480x128xf32, #tpu.memory_space<hbm>>
        %dma_start3A_1238 = tpu.memref_slice %arg12[%dma_start3A_1231] : memref<4x!tpu.dma_semaphore, #tpu.memory_space<semaphore_mem>> -> memref<1x!tpu.dma_semaphore, #tpu.memory_space<semaphore_mem>>
        %dma_start3A_1239 = tpu.memref_squeeze %dma_start3A_1238 : memref<1x!tpu.dma_semaphore, #tpu.memory_space<semaphore_mem>> -> memref<!tpu.dma_semaphore, #tpu.memory_space<semaphore_mem>>
        tpu.enqueue_indirect_dma source(%dma_start3A_1237 : memref<20480x128xf32, #tpu.memory_space<hbm>>) target(%arg10 : memref<64x128xf32, #tpu.memory_space<vmem>>) offsets(%dma_start3A_1234 : memref<64xi32, #tpu.memory_space<vmem>>) semaphore(%dma_start3A_1239 : memref<!tpu.dma_semaphore, #tpu.memory_space<semaphore_mem>>)
      } else {
      }
      %dma_wait3A_1089 = arith.constant 0 : i32
      %dma_wait3A_1090 = arith.constant 0 : i32
      %dma_wait3A_1091 = arith.constant 0 : i32
      %dma_wait3A_1092 = tpu.memref_slice %arg2[%dma_wait3A_1090, %dma_wait3A_1091] : memref<20480x128xf32, #tpu.memory_space<hbm>> -> memref<64x128xf32, #tpu.memory_space<hbm>>
      %dma_wait3A_1093 = tpu.memref_slice %arg12[%dma_wait3A_1089] : memref<4x!tpu.dma_semaphore, #tpu.memory_space<semaphore_mem>> -> memref<1x!tpu.dma_semaphore, #tpu.memory_space<semaphore_mem>>
      %dma_wait3A_1094 = tpu.memref_squeeze %dma_wait3A_1093 : memref<1x!tpu.dma_semaphore, #tpu.memory_space<semaphore_mem>> -> memref<!tpu.dma_semaphore, #tpu.memory_space<semaphore_mem>>
      %dma_wait3A_1095 = arith.constant 0 : i32
      %dma_wait3A_1096 = arith.constant 0 : i32
      %dma_wait3A_1097 = tpu.memref_slice %arg2[%dma_wait3A_1095, %dma_wait3A_1096] : memref<20480x128xf32, #tpu.memory_space<hbm>> -> memref<64x128xf32, #tpu.memory_space<hbm>>
      tpu.wait_dma2 semaphore(%dma_wait3A_1094 : memref<!tpu.dma_semaphore, #tpu.memory_space<semaphore_mem>>) src(%dma_wait3A_1097 : memref<64x128xf32, #tpu.memory_space<hbm>>) dst(%arg8 : memref<64x128xf32, #tpu.memory_space<vmem>>)
      %dma_start3A_1098 = arith.constant 0 : i32
      %dma_start3A_1099 = arith.constant 0 : i32
      %dma_start3A_1100 = arith.constant 0 : i32
      %dma_start3A_1101 = tpu.memref_slice %arg7[%select_n3A_1050, %dma_start3A_1098, %dma_start3A_1100] : memref<2x4x64xi32, #tpu.memory_space<vmem>> -> memref<1x1x64xi32, #tpu.memory_space<vmem>>
      %dma_start3A_1102 = tpu.memref_squeeze %dma_start3A_1101 : memref<1x1x64xi32, #tpu.memory_space<vmem>> -> memref<64xi32, #tpu.memory_space<vmem>>
      %dma_start3A_1103 = arith.constant 0 : i32
      %dma_start3A_1104 = arith.constant 0 : i32
      %dma_start3A_1105 = tpu.memref_slice %arg15[%dma_start3A_1103, %dma_start3A_1104] : memref<10240x128xf32, #tpu.memory_space<vmem_shared>> -> memref<10240x128xf32, #tpu.memory_space<vmem_shared>>
      %dma_start3A_1106 = tpu.memref_slice %arg13[%dma_start3A_1099] : memref<4x!tpu.dma_semaphore, #tpu.memory_space<semaphore_mem>> -> memref<1x!tpu.dma_semaphore, #tpu.memory_space<semaphore_mem>>
      %dma_start3A_1107 = tpu.memref_squeeze %dma_start3A_1106 : memref<1x!tpu.dma_semaphore, #tpu.memory_space<semaphore_mem>> -> memref<!tpu.dma_semaphore, #tpu.memory_space<semaphore_mem>>
      tpu.enqueue_indirect_dma source(%arg8 : memref<64x128xf32, #tpu.memory_space<vmem>>) target(%dma_start3A_1105 : memref<10240x128xf32, #tpu.memory_space<vmem_shared>>) offsets(%dma_start3A_1102 : memref<64xi32, #tpu.memory_space<vmem>>) semaphore(%dma_start3A_1107 : memref<!tpu.dma_semaphore, #tpu.memory_space<semaphore_mem>>) {add = true}
      %mul3A_1108 = arith.constant 4 : i32
      %mul3A_1109 = arith.muli %scan3A_1040, %mul3A_1108 : i32
      %add3A_1110 = arith.constant 1 : i32
      %add3A_1111 = arith.addi %mul3A_1109, %add3A_1110 : i32
      %ge3A_1112 = arith.constant 2 : i32
      %ge3A_1113 = arith.cmpi sge, %add3A_1111, %ge3A_1112 : i32
      %convert_element_type3A_1114 = arith.extui %ge3A_1113 : i1 to i32
      %cond3A_1115 = arith.constant 0 : i32
      %cond3A_1116 = arith.cmpi ne, %convert_element_type3A_1114, %cond3A_1115 : i32
      scf.if %cond3A_1116 {
        %dma_wait3A_1230 = arith.constant 3 : i32
        %dma_wait3A_1231 = arith.constant 0 : i32
        %dma_wait3A_1232 = arith.constant 0 : i32
        %dma_wait3A_1233 = tpu.memref_slice %arg2[%dma_wait3A_1231, %dma_wait3A_1232] : memref<20480x128xf32, #tpu.memory_space<hbm>> -> memref<64x128xf32, #tpu.memory_space<hbm>>
        %dma_wait3A_1234 = tpu.memref_slice %arg13[%dma_wait3A_1230] : memref<4x!tpu.dma_semaphore, #tpu.memory_space<semaphore_mem>> -> memref<1x!tpu.dma_semaphore, #tpu.memory_space<semaphore_mem>>
        %dma_wait3A_1235 = tpu.memref_squeeze %dma_wait3A_1234 : memref<1x!tpu.dma_semaphore, #tpu.memory_space<semaphore_mem>> -> memref<!tpu.dma_semaphore, #tpu.memory_space<semaphore_mem>>
        %dma_wait3A_1236 = arith.constant 0 : i32
        %dma_wait3A_1237 = arith.constant 0 : i32
        %dma_wait3A_1238 = tpu.memref_slice %arg2[%dma_wait3A_1236, %dma_wait3A_1237] : memref<20480x128xf32, #tpu.memory_space<hbm>> -> memref<64x128xf32, #tpu.memory_space<hbm>>
        tpu.wait_dma2 semaphore(%dma_wait3A_1235 : memref<!tpu.dma_semaphore, #tpu.memory_space<semaphore_mem>>) src(%dma_wait3A_1238 : memref<64x128xf32, #tpu.memory_space<hbm>>) dst(%arg11 : memref<64x128xf32, #tpu.memory_space<vmem>>)
      } else {
      }
      %add3A_1117 = arith.constant 2 : i32
      %add3A_1118 = arith.addi %add3A_1111, %add3A_1117 : i32
      %lt3A_1119 = arith.constant 160 : i32
      %lt3A_1120 = arith.cmpi slt, %add3A_1118, %lt3A_1119 : i32
      %convert_element_type3A_1121 = arith.extui %lt3A_1120 : i1 to i32
      %cond3A_1122 = arith.constant 0 : i32
      %cond3A_1123 = arith.cmpi ne, %convert_element_type3A_1121, %cond3A_1122 : i32
      scf.if %cond3A_1123 {
        %dma_start3A_1230 = arith.constant 3 : i32
        %dma_start3A_1231 = arith.constant 3 : i32
        %dma_start3A_1232 = arith.constant 0 : i32
        %dma_start3A_1233 = tpu.memref_slice %arg6[%select_n3A_1050, %dma_start3A_1230, %dma_start3A_1232] : memref<2x4x64xi32, #tpu.memory_space<vmem>> -> memref<1x1x64xi32, #tpu.memory_space<vmem>>
        %dma_start3A_1234 = tpu.memref_squeeze %dma_start3A_1233 : memref<1x1x64xi32, #tpu.memory_space<vmem>> -> memref<64xi32, #tpu.memory_space<vmem>>
        %dma_start3A_1235 = arith.constant 0 : i32
        %dma_start3A_1236 = arith.constant 0 : i32
        %dma_start3A_1237 = tpu.memref_slice %arg2[%dma_start3A_1235, %dma_start3A_1236] : memref<20480x128xf32, #tpu.memory_space<hbm>> -> memref<20480x128xf32, #tpu.memory_space<hbm>>
        %dma_start3A_1238 = tpu.memref_slice %arg12[%dma_start3A_1231] : memref<4x!tpu.dma_semaphore, #tpu.memory_space<semaphore_mem>> -> memref<1x!tpu.dma_semaphore, #tpu.memory_space<semaphore_mem>>
        %dma_start3A_1239 = tpu.memref_squeeze %dma_start3A_1238 : memref<1x!tpu.dma_semaphore, #tpu.memory_space<semaphore_mem>> -> memref<!tpu.dma_semaphore, #tpu.memory_space<semaphore_mem>>
        tpu.enqueue_indirect_dma source(%dma_start3A_1237 : memref<20480x128xf32, #tpu.memory_space<hbm>>) target(%arg11 : memref<64x128xf32, #tpu.memory_space<vmem>>) offsets(%dma_start3A_1234 : memref<64xi32, #tpu.memory_space<vmem>>) semaphore(%dma_start3A_1239 : memref<!tpu.dma_semaphore, #tpu.memory_space<semaphore_mem>>)
      } else {
      }
      %dma_wait3A_1124 = arith.constant 1 : i32
      %dma_wait3A_1125 = arith.constant 0 : i32
      %dma_wait3A_1126 = arith.constant 0 : i32
      %dma_wait3A_1127 = tpu.memref_slice %arg2[%dma_wait3A_1125, %dma_wait3A_1126] : memref<20480x128xf32, #tpu.memory_space<hbm>> -> memref<64x128xf32, #tpu.memory_space<hbm>>
      %dma_wait3A_1128 = tpu.memref_slice %arg12[%dma_wait3A_1124] : memref<4x!tpu.dma_semaphore, #tpu.memory_space<semaphore_mem>> -> memref<1x!tpu.dma_semaphore, #tpu.memory_space<semaphore_mem>>
      %dma_wait3A_1129 = tpu.memref_squeeze %dma_wait3A_1128 : memref<1x!tpu.dma_semaphore, #tpu.memory_space<semaphore_mem>> -> memref<!tpu.dma_semaphore, #tpu.memory_space<semaphore_mem>>
      %dma_wait3A_1130 = arith.constant 0 : i32
      %dma_wait3A_1131 = arith.constant 0 : i32
      %dma_wait3A_1132 = tpu.memref_slice %arg2[%dma_wait3A_1130, %dma_wait3A_1131] : memref<20480x128xf32, #tpu.memory_space<hbm>> -> memref<64x128xf32, #tpu.memory_space<hbm>>
      tpu.wait_dma2 semaphore(%dma_wait3A_1129 : memref<!tpu.dma_semaphore, #tpu.memory_space<semaphore_mem>>) src(%dma_wait3A_1132 : memref<64x128xf32, #tpu.memory_space<hbm>>) dst(%arg9 : memref<64x128xf32, #tpu.memory_space<vmem>>)
      %dma_start3A_1133 = arith.constant 1 : i32
      %dma_start3A_1134 = arith.constant 1 : i32
      %dma_start3A_1135 = arith.constant 0 : i32
      %dma_start3A_1136 = tpu.memref_slice %arg7[%select_n3A_1050, %dma_start3A_1133, %dma_start3A_1135] : memref<2x4x64xi32, #tpu.memory_space<vmem>> -> memref<1x1x64xi32, #tpu.memory_space<vmem>>
      %dma_start3A_1137 = tpu.memref_squeeze %dma_start3A_1136 : memref<1x1x64xi32, #tpu.memory_space<vmem>> -> memref<64xi32, #tpu.memory_space<vmem>>
      %dma_start3A_1138 = arith.constant 0 : i32
      %dma_start3A_1139 = arith.constant 0 : i32
      %dma_start3A_1140 = tpu.memref_slice %arg15[%dma_start3A_1138, %dma_start3A_1139] : memref<10240x128xf32, #tpu.memory_space<vmem_shared>> -> memref<10240x128xf32, #tpu.memory_space<vmem_shared>>
      %dma_start3A_1141 = tpu.memref_slice %arg13[%dma_start3A_1134] : memref<4x!tpu.dma_semaphore, #tpu.memory_space<semaphore_mem>> -> memref<1x!tpu.dma_semaphore, #tpu.memory_space<semaphore_mem>>
      %dma_start3A_1142 = tpu.memref_squeeze %dma_start3A_1141 : memref<1x!tpu.dma_semaphore, #tpu.memory_space<semaphore_mem>> -> memref<!tpu.dma_semaphore, #tpu.memory_space<semaphore_mem>>
      tpu.enqueue_indirect_dma source(%arg9 : memref<64x128xf32, #tpu.memory_space<vmem>>) target(%dma_start3A_1140 : memref<10240x128xf32, #tpu.memory_space<vmem_shared>>) offsets(%dma_start3A_1137 : memref<64xi32, #tpu.memory_space<vmem>>) semaphore(%dma_start3A_1142 : memref<!tpu.dma_semaphore, #tpu.memory_space<semaphore_mem>>) {add = true}
      %mul3A_1143 = arith.constant 4 : i32
      %mul3A_1144 = arith.muli %scan3A_1040, %mul3A_1143 : i32
      %add3A_1145 = arith.constant 2 : i32
      %add3A_1146 = arith.addi %mul3A_1144, %add3A_1145 : i32
      %ge3A_1147 = arith.constant 1 : i32
      %ge3A_1148 = arith.cmpi sge, %scan3A_1040, %ge3A_1147 : i32
      %add3A_1149 = arith.constant 1 : i32
      %add3A_1150 = arith.addi %scan3A_1040, %add3A_1149 : i32
      %lt3A_1151 = arith.constant 40 : i32
      %lt3A_1152 = arith.cmpi slt, %add3A_1150, %lt3A_1151 : i32
      %and3A_1153 = arith.andi %ge3A_1148, %lt3A_1152 : i1
      %convert_element_type3A_1154 = arith.extui %and3A_1153 : i1 to i32
      %cond3A_1155 = arith.constant 0 : i32
      %cond3A_1156 = arith.cmpi ne, %convert_element_type3A_1154, %cond3A_1155 : i32
      scf.if %cond3A_1156 {
        %dma_wait3A_1230 = arith.constant 0 : i32
        %dma_wait3A_1231 = arith.constant 0 : i32
        %dma_wait3A_1232 = arith.constant 0 : i32
        %dma_wait3A_1233 = tpu.memref_slice %arg5[%dma_wait3A_1230, %dma_wait3A_1231, %dma_wait3A_1232] : memref<2x4x64xi32, #tpu.memory_space<vmem>> -> memref<1x4x64xi32, #tpu.memory_space<vmem>>
        %dma_wait3A_1234 = tpu.memref_squeeze %dma_wait3A_1233 : memref<1x4x64xi32, #tpu.memory_space<vmem>> -> memref<4x64xi32, #tpu.memory_space<vmem>>
        %dma_wait3A_1235 = arith.constant 0 : i32
        %dma_wait3A_1236 = arith.constant 0 : i32
        %dma_wait3A_1237 = tpu.memref_slice %arg3[%dma_wait3A_1235, %dma_wait3A_1236] : memref<2560x64xi32, #tpu.memory_space<hbm>> -> memref<4x64xi32, #tpu.memory_space<hbm>>
        %dma_wait3A_1238 = tpu.memref_slice %arg14[%select_n3A_1068] : memref<2x!tpu.dma_semaphore, #tpu.memory_space<semaphore_mem>> -> memref<1x!tpu.dma_semaphore, #tpu.memory_space<semaphore_mem>>
        %dma_wait3A_1239 = tpu.memref_squeeze %dma_wait3A_1238 : memref<1x!tpu.dma_semaphore, #tpu.memory_space<semaphore_mem>> -> memref<!tpu.dma_semaphore, #tpu.memory_space<semaphore_mem>>
        %dma_wait3A_1240 = arith.constant 0 : i32
        %dma_wait3A_1241 = arith.constant 0 : i32
        %dma_wait3A_1242 = tpu.memref_slice %arg5[%dma_wait3A_1230, %dma_wait3A_1240, %dma_wait3A_1241] : memref<2x4x64xi32, #tpu.memory_space<vmem>> -> memref<1x4x64xi32, #tpu.memory_space<vmem>>
        %dma_wait3A_1243 = tpu.memref_squeeze %dma_wait3A_1242 : memref<1x4x64xi32, #tpu.memory_space<vmem>> -> memref<4x64xi32, #tpu.memory_space<vmem>>
        %dma_wait3A_1244 = arith.constant 0 : i32
        %dma_wait3A_1245 = arith.constant 0 : i32
        %dma_wait3A_1246 = tpu.memref_slice %arg3[%dma_wait3A_1244, %dma_wait3A_1245] : memref<2560x64xi32, #tpu.memory_space<hbm>> -> memref<4x64xi32, #tpu.memory_space<hbm>>
        tpu.wait_dma2 semaphore(%dma_wait3A_1239 : memref<!tpu.dma_semaphore, #tpu.memory_space<semaphore_mem>>) src(%dma_wait3A_1246 : memref<4x64xi32, #tpu.memory_space<hbm>>) dst(%dma_wait3A_1243 : memref<4x64xi32, #tpu.memory_space<vmem>>)
      } else {
      }
      %add3A_1157 = arith.constant 1 : i32
      %add3A_1158 = arith.addi %scan3A_1040, %add3A_1157 : i32
      %lt3A_1159 = arith.constant 40 : i32
      %lt3A_1160 = arith.cmpi slt, %add3A_1158, %lt3A_1159 : i32
      %convert_element_type3A_1161 = arith.extui %lt3A_1160 : i1 to i32
      %cond3A_1162 = arith.constant 0 : i32
      %cond3A_1163 = arith.cmpi ne, %convert_element_type3A_1161, %cond3A_1162 : i32
      scf.if %cond3A_1163 {
        %add3A_1230 = arith.constant 1 : i32
        %add3A_1231 = arith.addi %scan3A_1040, %add3A_1230 : i32
        %jit3A_1232 = arith.constant 2 : i32
        %eq3A_1233 = arith.constant 0 : i32
        %eq3A_1234 = arith.cmpi eq, %jit3A_1232, %eq3A_1233 : i32
        %jit3A_1235 = arith.constant 1 : i32
        %select_n3A_1236 = arith.select %eq3A_1234, %jit3A_1235, %jit3A_1232 : i32
        %rem3A_1237 = arith.remsi %add3A_1231, %select_n3A_1236 : i32
        %ne3A_1238 = arith.constant 0 : i32
        %ne3A_1239 = arith.cmpi ne, %rem3A_1237, %ne3A_1238 : i32
        %lt3A_1240 = arith.constant 0 : i32
        %lt3A_1241 = arith.cmpi slt, %rem3A_1237, %lt3A_1240 : i32
        %lt3A_1242 = arith.constant 0 : i32
        %lt3A_1243 = arith.cmpi slt, %select_n3A_1236, %lt3A_1242 : i32
        %ne3A_1244 = arith.xori %lt3A_1241, %lt3A_1243 : i1
        %and3A_1245 = arith.andi %ne3A_1244, %ne3A_1239 : i1
        %add3A_1246 = arith.addi %rem3A_1237, %select_n3A_1236 : i32
        %select_n3A_1247 = arith.select %and3A_1245, %add3A_1246, %rem3A_1237 : i32
        %get3A_1248 = arith.constant 0 : i32
        %get3A_1249 = arith.index_cast %select_n3A_1247 : i32 to index
        %get3A_1250 = arith.index_cast %get3A_1248 : i32 to index
        %get3A_1251 = arith.constant 0 : index
        %get3A_1252 = tpu.vector_load %arg5[%get3A_1249, %get3A_1250, %get3A_1251] {strides = array<i32>} : memref<2x4x64xi32, #tpu.memory_space<vmem>>, vector<1x1x16xi32>,
        %get3A_1253 = vector.shape_cast %get3A_1252 : vector<1x1x16xi32> to vector<16xi32>
        %and3A_1254 = arith.constant 32767 : i32
        %and3A_1255 = vector.broadcast %and3A_1254 : i32 to vector<16xi32>
        %and3A_1256 = arith.andi %get3A_1253, %and3A_1255 : vector<16xi32>
        %add3A_1257 = vector.broadcast %mul3A_0 : i32 to vector<16xi32>
        %add3A_1258 = arith.addi %and3A_1256, %add3A_1257 : vector<16xi32>
        %swap3A_1259 = arith.constant 0 : i32
        %swap3A_1260 = arith.index_cast %select_n3A_1247 : i32 to index
        %swap3A_1261 = arith.index_cast %swap3A_1259 : i32 to index
        %swap3A_1262 = arith.constant 0 : index
        %swap3A_1263 = tpu.vector_load %arg6[%swap3A_1260, %swap3A_1261, %swap3A_1262] {strides = array<i32>} : memref<2x4x64xi32, #tpu.memory_space<vmem>>, vector<1x1x16xi32>,
        %swap3A_1264 = vector.shape_cast %swap3A_1263 : vector<1x1x16xi32> to vector<16xi32>
        %swap3A_1265 = vector.shape_cast %add3A_1258 : vector<16xi32> to vector<1x1x16xi32>
        tpu.vector_store %arg6[%swap3A_1260, %swap3A_1261, %swap3A_1262], %swap3A_1265 {strides = array<i32>} : memref<2x4x64xi32, #tpu.memory_space<vmem>>, vector<1x1x16xi32>,
        %shift_right_arithmetic3A_1266 = arith.constant 15 : i32
        %shift_right_arithmetic3A_1267 = vector.broadcast %shift_right_arithmetic3A_1266 : i32 to vector<16xi32>
        %shift_right_arithmetic3A_1268 = arith.shrsi %get3A_1253, %shift_right_arithmetic3A_1267 : vector<16xi32>
        %swap3A_1269 = arith.constant 0 : i32
        %swap3A_1270 = arith.index_cast %select_n3A_1247 : i32 to index
        %swap3A_1271 = arith.index_cast %swap3A_1269 : i32 to index
        %swap3A_1272 = arith.constant 0 : index
        %swap3A_1273 = tpu.vector_load %arg7[%swap3A_1270, %swap3A_1271, %swap3A_1272] {strides = array<i32>} : memref<2x4x64xi32, #tpu.memory_space<vmem>>, vector<1x1x16xi32>,
        %swap3A_1274 = vector.shape_cast %swap3A_1273 : vector<1x1x16xi32> to vector<16xi32>
        %swap3A_1275 = vector.shape_cast %shift_right_arithmetic3A_1268 : vector<16xi32> to vector<1x1x16xi32>
        tpu.vector_store %arg7[%swap3A_1270, %swap3A_1271, %swap3A_1272], %swap3A_1275 {strides = array<i32>} : memref<2x4x64xi32, #tpu.memory_space<vmem>>, vector<1x1x16xi32>,
        %get3A_1276 = arith.constant 0 : i32
        %get3A_1277 = arith.index_cast %select_n3A_1247 : i32 to index
        %get3A_1278 = arith.index_cast %get3A_1276 : i32 to index
        %get3A_1279 = arith.constant 16 : index
        %get3A_1280 = tpu.vector_load %arg5[%get3A_1277, %get3A_1278, %get3A_1279] {strides = array<i32>} : memref<2x4x64xi32, #tpu.memory_space<vmem>>, vector<1x1x16xi32>,
        %get3A_1281 = vector.shape_cast %get3A_1280 : vector<1x1x16xi32> to vector<16xi32>
        %and3A_1282 = arith.constant 32767 : i32
        %and3A_1283 = vector.broadcast %and3A_1282 : i32 to vector<16xi32>
        %and3A_1284 = arith.andi %get3A_1281, %and3A_1283 : vector<16xi32>
        %add3A_1285 = vector.broadcast %mul3A_0 : i32 to vector<16xi32>
        %add3A_1286 = arith.addi %and3A_1284, %add3A_1285 : vector<16xi32>
        %swap3A_1287 = arith.constant 0 : i32
        %swap3A_1288 = arith.index_cast %select_n3A_1247 : i32 to index
        %swap3A_1289 = arith.index_cast %swap3A_1287 : i32 to index
        %swap3A_1290 = arith.constant 16 : index
        %swap3A_1291 = tpu.vector_load %arg6[%swap3A_1288, %swap3A_1289, %swap3A_1290] {strides = array<i32>} : memref<2x4x64xi32, #tpu.memory_space<vmem>>, vector<1x1x16xi32>,
        %swap3A_1292 = vector.shape_cast %swap3A_1291 : vector<1x1x16xi32> to vector<16xi32>
        %swap3A_1293 = vector.shape_cast %add3A_1286 : vector<16xi32> to vector<1x1x16xi32>
        tpu.vector_store %arg6[%swap3A_1288, %swap3A_1289, %swap3A_1290], %swap3A_1293 {strides = array<i32>} : memref<2x4x64xi32, #tpu.memory_space<vmem>>, vector<1x1x16xi32>,
        %shift_right_arithmetic3A_1294 = arith.constant 15 : i32
        %shift_right_arithmetic3A_1295 = vector.broadcast %shift_right_arithmetic3A_1294 : i32 to vector<16xi32>
        %shift_right_arithmetic3A_1296 = arith.shrsi %get3A_1281, %shift_right_arithmetic3A_1295 : vector<16xi32>
        %swap3A_1297 = arith.constant 0 : i32
        %swap3A_1298 = arith.index_cast %select_n3A_1247 : i32 to index
        %swap3A_1299 = arith.index_cast %swap3A_1297 : i32 to index
        %swap3A_1300 = arith.constant 16 : index
        %swap3A_1301 = tpu.vector_load %arg7[%swap3A_1298, %swap3A_1299, %swap3A_1300] {strides = array<i32>} : memref<2x4x64xi32, #tpu.memory_space<vmem>>, vector<1x1x16xi32>,
        %swap3A_1302 = vector.shape_cast %swap3A_1301 : vector<1x1x16xi32> to vector<16xi32>
        %swap3A_1303 = vector.shape_cast %shift_right_arithmetic3A_1296 : vector<16xi32> to vector<1x1x16xi32>
        tpu.vector_store %arg7[%swap3A_1298, %swap3A_1299, %swap3A_1300], %swap3A_1303 {strides = array<i32>} : memref<2x4x64xi32, #tpu.memory_space<vmem>>, vector<1x1x16xi32>,
        %get3A_1304 = arith.constant 0 : i32
        %get3A_1305 = arith.index_cast %select_n3A_1247 : i32 to index
        %get3A_1306 = arith.index_cast %get3A_1304 : i32 to index
        %get3A_1307 = arith.constant 32 : index
        %get3A_1308 = tpu.vector_load %arg5[%get3A_1305, %get3A_1306, %get3A_1307] {strides = array<i32>} : memref<2x4x64xi32, #tpu.memory_space<vmem>>, vector<1x1x16xi32>,
        %get3A_1309 = vector.shape_cast %get3A_1308 : vector<1x1x16xi32> to vector<16xi32>
        %and3A_1310 = arith.constant 32767 : i32
        %and3A_1311 = vector.broadcast %and3A_1310 : i32 to vector<16xi32>
        %and3A_1312 = arith.andi %get3A_1309, %and3A_1311 : vector<16xi32>
        %add3A_1313 = vector.broadcast %mul3A_0 : i32 to vector<16xi32>
        %add3A_1314 = arith.addi %and3A_1312, %add3A_1313 : vector<16xi32>
        %swap3A_1315 = arith.constant 0 : i32
        %swap3A_1316 = arith.index_cast %select_n3A_1247 : i32 to index
        %swap3A_1317 = arith.index_cast %swap3A_1315 : i32 to index
        %swap3A_1318 = arith.constant 32 : index
        %swap3A_1319 = tpu.vector_load %arg6[%swap3A_1316, %swap3A_1317, %swap3A_1318] {strides = array<i32>} : memref<2x4x64xi32, #tpu.memory_space<vmem>>, vector<1x1x16xi32>,
        %swap3A_1320 = vector.shape_cast %swap3A_1319 : vector<1x1x16xi32> to vector<16xi32>
        %swap3A_1321 = vector.shape_cast %add3A_1314 : vector<16xi32> to vector<1x1x16xi32>
        tpu.vector_store %arg6[%swap3A_1316, %swap3A_1317, %swap3A_1318], %swap3A_1321 {strides = array<i32>} : memref<2x4x64xi32, #tpu.memory_space<vmem>>, vector<1x1x16xi32>,
        %shift_right_arithmetic3A_1322 = arith.constant 15 : i32
        %shift_right_arithmetic3A_1323 = vector.broadcast %shift_right_arithmetic3A_1322 : i32 to vector<16xi32>
        %shift_right_arithmetic3A_1324 = arith.shrsi %get3A_1309, %shift_right_arithmetic3A_1323 : vector<16xi32>
        %swap3A_1325 = arith.constant 0 : i32
        %swap3A_1326 = arith.index_cast %select_n3A_1247 : i32 to index
        %swap3A_1327 = arith.index_cast %swap3A_1325 : i32 to index
        %swap3A_1328 = arith.constant 32 : index
        %swap3A_1329 = tpu.vector_load %arg7[%swap3A_1326, %swap3A_1327, %swap3A_1328] {strides = array<i32>} : memref<2x4x64xi32, #tpu.memory_space<vmem>>, vector<1x1x16xi32>,
        %swap3A_1330 = vector.shape_cast %swap3A_1329 : vector<1x1x16xi32> to vector<16xi32>
        %swap3A_1331 = vector.shape_cast %shift_right_arithmetic3A_1324 : vector<16xi32> to vector<1x1x16xi32>
        tpu.vector_store %arg7[%swap3A_1326, %swap3A_1327, %swap3A_1328], %swap3A_1331 {strides = array<i32>} : memref<2x4x64xi32, #tpu.memory_space<vmem>>, vector<1x1x16xi32>,
        %get3A_1332 = arith.constant 0 : i32
        %get3A_1333 = arith.index_cast %select_n3A_1247 : i32 to index
        %get3A_1334 = arith.index_cast %get3A_1332 : i32 to index
        %get3A_1335 = arith.constant 48 : index
        %get3A_1336 = tpu.vector_load %arg5[%get3A_1333, %get3A_1334, %get3A_1335] {strides = array<i32>} : memref<2x4x64xi32, #tpu.memory_space<vmem>>, vector<1x1x16xi32>,
        %get3A_1337 = vector.shape_cast %get3A_1336 : vector<1x1x16xi32> to vector<16xi32>
        %and3A_1338 = arith.constant 32767 : i32
        %and3A_1339 = vector.broadcast %and3A_1338 : i32 to vector<16xi32>
        %and3A_1340 = arith.andi %get3A_1337, %and3A_1339 : vector<16xi32>
        %add3A_1341 = vector.broadcast %mul3A_0 : i32 to vector<16xi32>
        %add3A_1342 = arith.addi %and3A_1340, %add3A_1341 : vector<16xi32>
        %swap3A_1343 = arith.constant 0 : i32
        %swap3A_1344 = arith.index_cast %select_n3A_1247 : i32 to index
        %swap3A_1345 = arith.index_cast %swap3A_1343 : i32 to index
        %swap3A_1346 = arith.constant 48 : index
        %swap3A_1347 = tpu.vector_load %arg6[%swap3A_1344, %swap3A_1345, %swap3A_1346] {strides = array<i32>} : memref<2x4x64xi32, #tpu.memory_space<vmem>>, vector<1x1x16xi32>,
        %swap3A_1348 = vector.shape_cast %swap3A_1347 : vector<1x1x16xi32> to vector<16xi32>
        %swap3A_1349 = vector.shape_cast %add3A_1342 : vector<16xi32> to vector<1x1x16xi32>
        tpu.vector_store %arg6[%swap3A_1344, %swap3A_1345, %swap3A_1346], %swap3A_1349 {strides = array<i32>} : memref<2x4x64xi32, #tpu.memory_space<vmem>>, vector<1x1x16xi32>,
        %shift_right_arithmetic3A_1350 = arith.constant 15 : i32
        %shift_right_arithmetic3A_1351 = vector.broadcast %shift_right_arithmetic3A_1350 : i32 to vector<16xi32>
        %shift_right_arithmetic3A_1352 = arith.shrsi %get3A_1337, %shift_right_arithmetic3A_1351 : vector<16xi32>
        %swap3A_1353 = arith.constant 0 : i32
        %swap3A_1354 = arith.index_cast %select_n3A_1247 : i32 to index
        %swap3A_1355 = arith.index_cast %swap3A_1353 : i32 to index
        %swap3A_1356 = arith.constant 48 : index
        %swap3A_1357 = tpu.vector_load %arg7[%swap3A_1354, %swap3A_1355, %swap3A_1356] {strides = array<i32>} : memref<2x4x64xi32, #tpu.memory_space<vmem>>, vector<1x1x16xi32>,
        %swap3A_1358 = vector.shape_cast %swap3A_1357 : vector<1x1x16xi32> to vector<16xi32>
        %swap3A_1359 = vector.shape_cast %shift_right_arithmetic3A_1352 : vector<16xi32> to vector<1x1x16xi32>
        tpu.vector_store %arg7[%swap3A_1354, %swap3A_1355, %swap3A_1356], %swap3A_1359 {strides = array<i32>} : memref<2x4x64xi32, #tpu.memory_space<vmem>>, vector<1x1x16xi32>,
        %get3A_1360 = arith.constant 1 : i32
        %get3A_1361 = arith.index_cast %select_n3A_1247 : i32 to index
        %get3A_1362 = arith.index_cast %get3A_1360 : i32 to index
        %get3A_1363 = arith.constant 0 : index
        %get3A_1364 = tpu.vector_load %arg5[%get3A_1361, %get3A_1362, %get3A_1363] {strides = array<i32>} : memref<2x4x64xi32, #tpu.memory_space<vmem>>, vector<1x1x16xi32>,
        %get3A_1365 = vector.shape_cast %get3A_1364 : vector<1x1x16xi32> to vector<16xi32>
        %and3A_1366 = arith.constant 32767 : i32
        %and3A_1367 = vector.broadcast %and3A_1366 : i32 to vector<16xi32>
        %and3A_1368 = arith.andi %get3A_1365, %and3A_1367 : vector<16xi32>
        %add3A_1369 = vector.broadcast %mul3A_0 : i32 to vector<16xi32>
        %add3A_1370 = arith.addi %and3A_1368, %add3A_1369 : vector<16xi32>
        %swap3A_1371 = arith.constant 1 : i32
        %swap3A_1372 = arith.index_cast %select_n3A_1247 : i32 to index
        %swap3A_1373 = arith.index_cast %swap3A_1371 : i32 to index
        %swap3A_1374 = arith.constant 0 : index
        %swap3A_1375 = tpu.vector_load %arg6[%swap3A_1372, %swap3A_1373, %swap3A_1374] {strides = array<i32>} : memref<2x4x64xi32, #tpu.memory_space<vmem>>, vector<1x1x16xi32>,
        %swap3A_1376 = vector.shape_cast %swap3A_1375 : vector<1x1x16xi32> to vector<16xi32>
        %swap3A_1377 = vector.shape_cast %add3A_1370 : vector<16xi32> to vector<1x1x16xi32>
        tpu.vector_store %arg6[%swap3A_1372, %swap3A_1373, %swap3A_1374], %swap3A_1377 {strides = array<i32>} : memref<2x4x64xi32, #tpu.memory_space<vmem>>, vector<1x1x16xi32>,
        %shift_right_arithmetic3A_1378 = arith.constant 15 : i32
        %shift_right_arithmetic3A_1379 = vector.broadcast %shift_right_arithmetic3A_1378 : i32 to vector<16xi32>
        %shift_right_arithmetic3A_1380 = arith.shrsi %get3A_1365, %shift_right_arithmetic3A_1379 : vector<16xi32>
        %swap3A_1381 = arith.constant 1 : i32
        %swap3A_1382 = arith.index_cast %select_n3A_1247 : i32 to index
        %swap3A_1383 = arith.index_cast %swap3A_1381 : i32 to index
        %swap3A_1384 = arith.constant 0 : index
        %swap3A_1385 = tpu.vector_load %arg7[%swap3A_1382, %swap3A_1383, %swap3A_1384] {strides = array<i32>} : memref<2x4x64xi32, #tpu.memory_space<vmem>>, vector<1x1x16xi32>,
        %swap3A_1386 = vector.shape_cast %swap3A_1385 : vector<1x1x16xi32> to vector<16xi32>
        %swap3A_1387 = vector.shape_cast %shift_right_arithmetic3A_1380 : vector<16xi32> to vector<1x1x16xi32>
        tpu.vector_store %arg7[%swap3A_1382, %swap3A_1383, %swap3A_1384], %swap3A_1387 {strides = array<i32>} : memref<2x4x64xi32, #tpu.memory_space<vmem>>, vector<1x1x16xi32>,
        %get3A_1388 = arith.constant 1 : i32
        %get3A_1389 = arith.index_cast %select_n3A_1247 : i32 to index
        %get3A_1390 = arith.index_cast %get3A_1388 : i32 to index
        %get3A_1391 = arith.constant 16 : index
        %get3A_1392 = tpu.vector_load %arg5[%get3A_1389, %get3A_1390, %get3A_1391] {strides = array<i32>} : memref<2x4x64xi32, #tpu.memory_space<vmem>>, vector<1x1x16xi32>,
        %get3A_1393 = vector.shape_cast %get3A_1392 : vector<1x1x16xi32> to vector<16xi32>
        %and3A_1394 = arith.constant 32767 : i32
        %and3A_1395 = vector.broadcast %and3A_1394 : i32 to vector<16xi32>
        %and3A_1396 = arith.andi %get3A_1393, %and3A_1395 : vector<16xi32>
        %add3A_1397 = vector.broadcast %mul3A_0 : i32 to vector<16xi32>
        %add3A_1398 = arith.addi %and3A_1396, %add3A_1397 : vector<16xi32>
        %swap3A_1399 = arith.constant 1 : i32
        %swap3A_1400 = arith.index_cast %select_n3A_1247 : i32 to index
        %swap3A_1401 = arith.index_cast %swap3A_1399 : i32 to index
        %swap3A_1402 = arith.constant 16 : index
        %swap3A_1403 = tpu.vector_load %arg6[%swap3A_1400, %swap3A_1401, %swap3A_1402] {strides = array<i32>} : memref<2x4x64xi32, #tpu.memory_space<vmem>>, vector<1x1x16xi32>,
        %swap3A_1404 = vector.shape_cast %swap3A_1403 : vector<1x1x16xi32> to vector<16xi32>
        %swap3A_1405 = vector.shape_cast %add3A_1398 : vector<16xi32> to vector<1x1x16xi32>
        tpu.vector_store %arg6[%swap3A_1400, %swap3A_1401, %swap3A_1402], %swap3A_1405 {strides = array<i32>} : memref<2x4x64xi32, #tpu.memory_space<vmem>>, vector<1x1x16xi32>,
        %shift_right_arithmetic3A_1406 = arith.constant 15 : i32
        %shift_right_arithmetic3A_1407 = vector.broadcast %shift_right_arithmetic3A_1406 : i32 to vector<16xi32>
        %shift_right_arithmetic3A_1408 = arith.shrsi %get3A_1393, %shift_right_arithmetic3A_1407 : vector<16xi32>
        %swap3A_1409 = arith.constant 1 : i32
        %swap3A_1410 = arith.index_cast %select_n3A_1247 : i32 to index
        %swap3A_1411 = arith.index_cast %swap3A_1409 : i32 to index
        %swap3A_1412 = arith.constant 16 : index
        %swap3A_1413 = tpu.vector_load %arg7[%swap3A_1410, %swap3A_1411, %swap3A_1412] {strides = array<i32>} : memref<2x4x64xi32, #tpu.memory_space<vmem>>, vector<1x1x16xi32>,
        %swap3A_1414 = vector.shape_cast %swap3A_1413 : vector<1x1x16xi32> to vector<16xi32>
        %swap3A_1415 = vector.shape_cast %shift_right_arithmetic3A_1408 : vector<16xi32> to vector<1x1x16xi32>
        tpu.vector_store %arg7[%swap3A_1410, %swap3A_1411, %swap3A_1412], %swap3A_1415 {strides = array<i32>} : memref<2x4x64xi32, #tpu.memory_space<vmem>>, vector<1x1x16xi32>,
        %get3A_1416 = arith.constant 1 : i32
        %get3A_1417 = arith.index_cast %select_n3A_1247 : i32 to index
        %get3A_1418 = arith.index_cast %get3A_1416 : i32 to index
        %get3A_1419 = arith.constant 32 : index
        %get3A_1420 = tpu.vector_load %arg5[%get3A_1417, %get3A_1418, %get3A_1419] {strides = array<i32>} : memref<2x4x64xi32, #tpu.memory_space<vmem>>, vector<1x1x16xi32>,
        %get3A_1421 = vector.shape_cast %get3A_1420 : vector<1x1x16xi32> to vector<16xi32>
        %and3A_1422 = arith.constant 32767 : i32
        %and3A_1423 = vector.broadcast %and3A_1422 : i32 to vector<16xi32>
        %and3A_1424 = arith.andi %get3A_1421, %and3A_1423 : vector<16xi32>
        %add3A_1425 = vector.broadcast %mul3A_0 : i32 to vector<16xi32>
        %add3A_1426 = arith.addi %and3A_1424, %add3A_1425 : vector<16xi32>
        %swap3A_1427 = arith.constant 1 : i32
        %swap3A_1428 = arith.index_cast %select_n3A_1247 : i32 to index
        %swap3A_1429 = arith.index_cast %swap3A_1427 : i32 to index
        %swap3A_1430 = arith.constant 32 : index
        %swap3A_1431 = tpu.vector_load %arg6[%swap3A_1428, %swap3A_1429, %swap3A_1430] {strides = array<i32>} : memref<2x4x64xi32, #tpu.memory_space<vmem>>, vector<1x1x16xi32>,
        %swap3A_1432 = vector.shape_cast %swap3A_1431 : vector<1x1x16xi32> to vector<16xi32>
        %swap3A_1433 = vector.shape_cast %add3A_1426 : vector<16xi32> to vector<1x1x16xi32>
        tpu.vector_store %arg6[%swap3A_1428, %swap3A_1429, %swap3A_1430], %swap3A_1433 {strides = array<i32>} : memref<2x4x64xi32, #tpu.memory_space<vmem>>, vector<1x1x16xi32>,
        %shift_right_arithmetic3A_1434 = arith.constant 15 : i32
        %shift_right_arithmetic3A_1435 = vector.broadcast %shift_right_arithmetic3A_1434 : i32 to vector<16xi32>
        %shift_right_arithmetic3A_1436 = arith.shrsi %get3A_1421, %shift_right_arithmetic3A_1435 : vector<16xi32>
        %swap3A_1437 = arith.constant 1 : i32
        %swap3A_1438 = arith.index_cast %select_n3A_1247 : i32 to index
        %swap3A_1439 = arith.index_cast %swap3A_1437 : i32 to index
        %swap3A_1440 = arith.constant 32 : index
        %swap3A_1441 = tpu.vector_load %arg7[%swap3A_1438, %swap3A_1439, %swap3A_1440] {strides = array<i32>} : memref<2x4x64xi32, #tpu.memory_space<vmem>>, vector<1x1x16xi32>,
        %swap3A_1442 = vector.shape_cast %swap3A_1441 : vector<1x1x16xi32> to vector<16xi32>
        %swap3A_1443 = vector.shape_cast %shift_right_arithmetic3A_1436 : vector<16xi32> to vector<1x1x16xi32>
        tpu.vector_store %arg7[%swap3A_1438, %swap3A_1439, %swap3A_1440], %swap3A_1443 {strides = array<i32>} : memref<2x4x64xi32, #tpu.memory_space<vmem>>, vector<1x1x16xi32>,
        %get3A_1444 = arith.constant 1 : i32
        %get3A_1445 = arith.index_cast %select_n3A_1247 : i32 to index
        %get3A_1446 = arith.index_cast %get3A_1444 : i32 to index
        %get3A_1447 = arith.constant 48 : index
        %get3A_1448 = tpu.vector_load %arg5[%get3A_1445, %get3A_1446, %get3A_1447] {strides = array<i32>} : memref<2x4x64xi32, #tpu.memory_space<vmem>>, vector<1x1x16xi32>,
        %get3A_1449 = vector.shape_cast %get3A_1448 : vector<1x1x16xi32> to vector<16xi32>
        %and3A_1450 = arith.constant 32767 : i32
        %and3A_1451 = vector.broadcast %and3A_1450 : i32 to vector<16xi32>
        %and3A_1452 = arith.andi %get3A_1449, %and3A_1451 : vector<16xi32>
        %add3A_1453 = vector.broadcast %mul3A_0 : i32 to vector<16xi32>
        %add3A_1454 = arith.addi %and3A_1452, %add3A_1453 : vector<16xi32>
        %swap3A_1455 = arith.constant 1 : i32
        %swap3A_1456 = arith.index_cast %select_n3A_1247 : i32 to index
        %swap3A_1457 = arith.index_cast %swap3A_1455 : i32 to index
        %swap3A_1458 = arith.constant 48 : index
        %swap3A_1459 = tpu.vector_load %arg6[%swap3A_1456, %swap3A_1457, %swap3A_1458] {strides = array<i32>} : memref<2x4x64xi32, #tpu.memory_space<vmem>>, vector<1x1x16xi32>,
        %swap3A_1460 = vector.shape_cast %swap3A_1459 : vector<1x1x16xi32> to vector<16xi32>
        %swap3A_1461 = vector.shape_cast %add3A_1454 : vector<16xi32> to vector<1x1x16xi32>
        tpu.vector_store %arg6[%swap3A_1456, %swap3A_1457, %swap3A_1458], %swap3A_1461 {strides = array<i32>} : memref<2x4x64xi32, #tpu.memory_space<vmem>>, vector<1x1x16xi32>,
        %shift_right_arithmetic3A_1462 = arith.constant 15 : i32
        %shift_right_arithmetic3A_1463 = vector.broadcast %shift_right_arithmetic3A_1462 : i32 to vector<16xi32>
        %shift_right_arithmetic3A_1464 = arith.shrsi %get3A_1449, %shift_right_arithmetic3A_1463 : vector<16xi32>
        %swap3A_1465 = arith.constant 1 : i32
        %swap3A_1466 = arith.index_cast %select_n3A_1247 : i32 to index
        %swap3A_1467 = arith.index_cast %swap3A_1465 : i32 to index
        %swap3A_1468 = arith.constant 48 : index
        %swap3A_1469 = tpu.vector_load %arg7[%swap3A_1466, %swap3A_1467, %swap3A_1468] {strides = array<i32>} : memref<2x4x64xi32, #tpu.memory_space<vmem>>, vector<1x1x16xi32>,
        %swap3A_1470 = vector.shape_cast %swap3A_1469 : vector<1x1x16xi32> to vector<16xi32>
        %swap3A_1471 = vector.shape_cast %shift_right_arithmetic3A_1464 : vector<16xi32> to vector<1x1x16xi32>
        tpu.vector_store %arg7[%swap3A_1466, %swap3A_1467, %swap3A_1468], %swap3A_1471 {strides = array<i32>} : memref<2x4x64xi32, #tpu.memory_space<vmem>>, vector<1x1x16xi32>,
        %get3A_1472 = arith.constant 2 : i32
        %get3A_1473 = arith.index_cast %select_n3A_1247 : i32 to index
        %get3A_1474 = arith.index_cast %get3A_1472 : i32 to index
        %get3A_1475 = arith.constant 0 : index
        %get3A_1476 = tpu.vector_load %arg5[%get3A_1473, %get3A_1474, %get3A_1475] {strides = array<i32>} : memref<2x4x64xi32, #tpu.memory_space<vmem>>, vector<1x1x16xi32>,
        %get3A_1477 = vector.shape_cast %get3A_1476 : vector<1x1x16xi32> to vector<16xi32>
        %and3A_1478 = arith.constant 32767 : i32
        %and3A_1479 = vector.broadcast %and3A_1478 : i32 to vector<16xi32>
        %and3A_1480 = arith.andi %get3A_1477, %and3A_1479 : vector<16xi32>
        %add3A_1481 = vector.broadcast %mul3A_0 : i32 to vector<16xi32>
        %add3A_1482 = arith.addi %and3A_1480, %add3A_1481 : vector<16xi32>
        %swap3A_1483 = arith.constant 2 : i32
        %swap3A_1484 = arith.index_cast %select_n3A_1247 : i32 to index
        %swap3A_1485 = arith.index_cast %swap3A_1483 : i32 to index
        %swap3A_1486 = arith.constant 0 : index
        %swap3A_1487 = tpu.vector_load %arg6[%swap3A_1484, %swap3A_1485, %swap3A_1486] {strides = array<i32>} : memref<2x4x64xi32, #tpu.memory_space<vmem>>, vector<1x1x16xi32>,
        %swap3A_1488 = vector.shape_cast %swap3A_1487 : vector<1x1x16xi32> to vector<16xi32>
        %swap3A_1489 = vector.shape_cast %add3A_1482 : vector<16xi32> to vector<1x1x16xi32>
        tpu.vector_store %arg6[%swap3A_1484, %swap3A_1485, %swap3A_1486], %swap3A_1489 {strides = array<i32>} : memref<2x4x64xi32, #tpu.memory_space<vmem>>, vector<1x1x16xi32>,
        %shift_right_arithmetic3A_1490 = arith.constant 15 : i32
        %shift_right_arithmetic3A_1491 = vector.broadcast %shift_right_arithmetic3A_1490 : i32 to vector<16xi32>
        %shift_right_arithmetic3A_1492 = arith.shrsi %get3A_1477, %shift_right_arithmetic3A_1491 : vector<16xi32>
        %swap3A_1493 = arith.constant 2 : i32
        %swap3A_1494 = arith.index_cast %select_n3A_1247 : i32 to index
        %swap3A_1495 = arith.index_cast %swap3A_1493 : i32 to index
        %swap3A_1496 = arith.constant 0 : index
        %swap3A_1497 = tpu.vector_load %arg7[%swap3A_1494, %swap3A_1495, %swap3A_1496] {strides = array<i32>} : memref<2x4x64xi32, #tpu.memory_space<vmem>>, vector<1x1x16xi32>,
        %swap3A_1498 = vector.shape_cast %swap3A_1497 : vector<1x1x16xi32> to vector<16xi32>
        %swap3A_1499 = vector.shape_cast %shift_right_arithmetic3A_1492 : vector<16xi32> to vector<1x1x16xi32>
        tpu.vector_store %arg7[%swap3A_1494, %swap3A_1495, %swap3A_1496], %swap3A_1499 {strides = array<i32>} : memref<2x4x64xi32, #tpu.memory_space<vmem>>, vector<1x1x16xi32>,
        %get3A_1500 = arith.constant 2 : i32
        %get3A_1501 = arith.index_cast %select_n3A_1247 : i32 to index
        %get3A_1502 = arith.index_cast %get3A_1500 : i32 to index
        %get3A_1503 = arith.constant 16 : index
        %get3A_1504 = tpu.vector_load %arg5[%get3A_1501, %get3A_1502, %get3A_1503] {strides = array<i32>} : memref<2x4x64xi32, #tpu.memory_space<vmem>>, vector<1x1x16xi32>,
        %get3A_1505 = vector.shape_cast %get3A_1504 : vector<1x1x16xi32> to vector<16xi32>
        %and3A_1506 = arith.constant 32767 : i32
        %and3A_1507 = vector.broadcast %and3A_1506 : i32 to vector<16xi32>
        %and3A_1508 = arith.andi %get3A_1505, %and3A_1507 : vector<16xi32>
        %add3A_1509 = vector.broadcast %mul3A_0 : i32 to vector<16xi32>
        %add3A_1510 = arith.addi %and3A_1508, %add3A_1509 : vector<16xi32>
        %swap3A_1511 = arith.constant 2 : i32
        %swap3A_1512 = arith.index_cast %select_n3A_1247 : i32 to index
        %swap3A_1513 = arith.index_cast %swap3A_1511 : i32 to index
        %swap3A_1514 = arith.constant 16 : index
        %swap3A_1515 = tpu.vector_load %arg6[%swap3A_1512, %swap3A_1513, %swap3A_1514] {strides = array<i32>} : memref<2x4x64xi32, #tpu.memory_space<vmem>>, vector<1x1x16xi32>,
        %swap3A_1516 = vector.shape_cast %swap3A_1515 : vector<1x1x16xi32> to vector<16xi32>
        %swap3A_1517 = vector.shape_cast %add3A_1510 : vector<16xi32> to vector<1x1x16xi32>
        tpu.vector_store %arg6[%swap3A_1512, %swap3A_1513, %swap3A_1514], %swap3A_1517 {strides = array<i32>} : memref<2x4x64xi32, #tpu.memory_space<vmem>>, vector<1x1x16xi32>,
        %shift_right_arithmetic3A_1518 = arith.constant 15 : i32
        %shift_right_arithmetic3A_1519 = vector.broadcast %shift_right_arithmetic3A_1518 : i32 to vector<16xi32>
        %shift_right_arithmetic3A_1520 = arith.shrsi %get3A_1505, %shift_right_arithmetic3A_1519 : vector<16xi32>
        %swap3A_1521 = arith.constant 2 : i32
        %swap3A_1522 = arith.index_cast %select_n3A_1247 : i32 to index
        %swap3A_1523 = arith.index_cast %swap3A_1521 : i32 to index
        %swap3A_1524 = arith.constant 16 : index
        %swap3A_1525 = tpu.vector_load %arg7[%swap3A_1522, %swap3A_1523, %swap3A_1524] {strides = array<i32>} : memref<2x4x64xi32, #tpu.memory_space<vmem>>, vector<1x1x16xi32>,
        %swap3A_1526 = vector.shape_cast %swap3A_1525 : vector<1x1x16xi32> to vector<16xi32>
        %swap3A_1527 = vector.shape_cast %shift_right_arithmetic3A_1520 : vector<16xi32> to vector<1x1x16xi32>
        tpu.vector_store %arg7[%swap3A_1522, %swap3A_1523, %swap3A_1524], %swap3A_1527 {strides = array<i32>} : memref<2x4x64xi32, #tpu.memory_space<vmem>>, vector<1x1x16xi32>,
        %get3A_1528 = arith.constant 2 : i32
        %get3A_1529 = arith.index_cast %select_n3A_1247 : i32 to index
        %get3A_1530 = arith.index_cast %get3A_1528 : i32 to index
        %get3A_1531 = arith.constant 32 : index
        %get3A_1532 = tpu.vector_load %arg5[%get3A_1529, %get3A_1530, %get3A_1531] {strides = array<i32>} : memref<2x4x64xi32, #tpu.memory_space<vmem>>, vector<1x1x16xi32>,
        %get3A_1533 = vector.shape_cast %get3A_1532 : vector<1x1x16xi32> to vector<16xi32>
        %and3A_1534 = arith.constant 32767 : i32
        %and3A_1535 = vector.broadcast %and3A_1534 : i32 to vector<16xi32>
        %and3A_1536 = arith.andi %get3A_1533, %and3A_1535 : vector<16xi32>
        %add3A_1537 = vector.broadcast %mul3A_0 : i32 to vector<16xi32>
        %add3A_1538 = arith.addi %and3A_1536, %add3A_1537 : vector<16xi32>
        %swap3A_1539 = arith.constant 2 : i32
        %swap3A_1540 = arith.index_cast %select_n3A_1247 : i32 to index
        %swap3A_1541 = arith.index_cast %swap3A_1539 : i32 to index
        %swap3A_1542 = arith.constant 32 : index
        %swap3A_1543 = tpu.vector_load %arg6[%swap3A_1540, %swap3A_1541, %swap3A_1542] {strides = array<i32>} : memref<2x4x64xi32, #tpu.memory_space<vmem>>, vector<1x1x16xi32>,
        %swap3A_1544 = vector.shape_cast %swap3A_1543 : vector<1x1x16xi32> to vector<16xi32>
        %swap3A_1545 = vector.shape_cast %add3A_1538 : vector<16xi32> to vector<1x1x16xi32>
        tpu.vector_store %arg6[%swap3A_1540, %swap3A_1541, %swap3A_1542], %swap3A_1545 {strides = array<i32>} : memref<2x4x64xi32, #tpu.memory_space<vmem>>, vector<1x1x16xi32>,
        %shift_right_arithmetic3A_1546 = arith.constant 15 : i32
        %shift_right_arithmetic3A_1547 = vector.broadcast %shift_right_arithmetic3A_1546 : i32 to vector<16xi32>
        %shift_right_arithmetic3A_1548 = arith.shrsi %get3A_1533, %shift_right_arithmetic3A_1547 : vector<16xi32>
        %swap3A_1549 = arith.constant 2 : i32
        %swap3A_1550 = arith.index_cast %select_n3A_1247 : i32 to index
        %swap3A_1551 = arith.index_cast %swap3A_1549 : i32 to index
        %swap3A_1552 = arith.constant 32 : index
        %swap3A_1553 = tpu.vector_load %arg7[%swap3A_1550, %swap3A_1551, %swap3A_1552] {strides = array<i32>} : memref<2x4x64xi32, #tpu.memory_space<vmem>>, vector<1x1x16xi32>,
        %swap3A_1554 = vector.shape_cast %swap3A_1553 : vector<1x1x16xi32> to vector<16xi32>
        %swap3A_1555 = vector.shape_cast %shift_right_arithmetic3A_1548 : vector<16xi32> to vector<1x1x16xi32>
        tpu.vector_store %arg7[%swap3A_1550, %swap3A_1551, %swap3A_1552], %swap3A_1555 {strides = array<i32>} : memref<2x4x64xi32, #tpu.memory_space<vmem>>, vector<1x1x16xi32>,
        %get3A_1556 = arith.constant 2 : i32
        %get3A_1557 = arith.index_cast %select_n3A_1247 : i32 to index
        %get3A_1558 = arith.index_cast %get3A_1556 : i32 to index
        %get3A_1559 = arith.constant 48 : index
        %get3A_1560 = tpu.vector_load %arg5[%get3A_1557, %get3A_1558, %get3A_1559] {strides = array<i32>} : memref<2x4x64xi32, #tpu.memory_space<vmem>>, vector<1x1x16xi32>,
        %get3A_1561 = vector.shape_cast %get3A_1560 : vector<1x1x16xi32> to vector<16xi32>
        %and3A_1562 = arith.constant 32767 : i32
        %and3A_1563 = vector.broadcast %and3A_1562 : i32 to vector<16xi32>
        %and3A_1564 = arith.andi %get3A_1561, %and3A_1563 : vector<16xi32>
        %add3A_1565 = vector.broadcast %mul3A_0 : i32 to vector<16xi32>
        %add3A_1566 = arith.addi %and3A_1564, %add3A_1565 : vector<16xi32>
        %swap3A_1567 = arith.constant 2 : i32
        %swap3A_1568 = arith.index_cast %select_n3A_1247 : i32 to index
        %swap3A_1569 = arith.index_cast %swap3A_1567 : i32 to index
        %swap3A_1570 = arith.constant 48 : index
        %swap3A_1571 = tpu.vector_load %arg6[%swap3A_1568, %swap3A_1569, %swap3A_1570] {strides = array<i32>} : memref<2x4x64xi32, #tpu.memory_space<vmem>>, vector<1x1x16xi32>,
        %swap3A_1572 = vector.shape_cast %swap3A_1571 : vector<1x1x16xi32> to vector<16xi32>
        %swap3A_1573 = vector.shape_cast %add3A_1566 : vector<16xi32> to vector<1x1x16xi32>
        tpu.vector_store %arg6[%swap3A_1568, %swap3A_1569, %swap3A_1570], %swap3A_1573 {strides = array<i32>} : memref<2x4x64xi32, #tpu.memory_space<vmem>>, vector<1x1x16xi32>,
        %shift_right_arithmetic3A_1574 = arith.constant 15 : i32
        %shift_right_arithmetic3A_1575 = vector.broadcast %shift_right_arithmetic3A_1574 : i32 to vector<16xi32>
        %shift_right_arithmetic3A_1576 = arith.shrsi %get3A_1561, %shift_right_arithmetic3A_1575 : vector<16xi32>
        %swap3A_1577 = arith.constant 2 : i32
        %swap3A_1578 = arith.index_cast %select_n3A_1247 : i32 to index
        %swap3A_1579 = arith.index_cast %swap3A_1577 : i32 to index
        %swap3A_1580 = arith.constant 48 : index
        %swap3A_1581 = tpu.vector_load %arg7[%swap3A_1578, %swap3A_1579, %swap3A_1580] {strides = array<i32>} : memref<2x4x64xi32, #tpu.memory_space<vmem>>, vector<1x1x16xi32>,
        %swap3A_1582 = vector.shape_cast %swap3A_1581 : vector<1x1x16xi32> to vector<16xi32>
        %swap3A_1583 = vector.shape_cast %shift_right_arithmetic3A_1576 : vector<16xi32> to vector<1x1x16xi32>
        tpu.vector_store %arg7[%swap3A_1578, %swap3A_1579, %swap3A_1580], %swap3A_1583 {strides = array<i32>} : memref<2x4x64xi32, #tpu.memory_space<vmem>>, vector<1x1x16xi32>,
        %get3A_1584 = arith.constant 3 : i32
        %get3A_1585 = arith.index_cast %select_n3A_1247 : i32 to index
        %get3A_1586 = arith.index_cast %get3A_1584 : i32 to index
        %get3A_1587 = arith.constant 0 : index
        %get3A_1588 = tpu.vector_load %arg5[%get3A_1585, %get3A_1586, %get3A_1587] {strides = array<i32>} : memref<2x4x64xi32, #tpu.memory_space<vmem>>, vector<1x1x16xi32>,
        %get3A_1589 = vector.shape_cast %get3A_1588 : vector<1x1x16xi32> to vector<16xi32>
        %and3A_1590 = arith.constant 32767 : i32
        %and3A_1591 = vector.broadcast %and3A_1590 : i32 to vector<16xi32>
        %and3A_1592 = arith.andi %get3A_1589, %and3A_1591 : vector<16xi32>
        %add3A_1593 = vector.broadcast %mul3A_0 : i32 to vector<16xi32>
        %add3A_1594 = arith.addi %and3A_1592, %add3A_1593 : vector<16xi32>
        %swap3A_1595 = arith.constant 3 : i32
        %swap3A_1596 = arith.index_cast %select_n3A_1247 : i32 to index
        %swap3A_1597 = arith.index_cast %swap3A_1595 : i32 to index
        %swap3A_1598 = arith.constant 0 : index
        %swap3A_1599 = tpu.vector_load %arg6[%swap3A_1596, %swap3A_1597, %swap3A_1598] {strides = array<i32>} : memref<2x4x64xi32, #tpu.memory_space<vmem>>, vector<1x1x16xi32>,
        %swap3A_1600 = vector.shape_cast %swap3A_1599 : vector<1x1x16xi32> to vector<16xi32>
        %swap3A_1601 = vector.shape_cast %add3A_1594 : vector<16xi32> to vector<1x1x16xi32>
        tpu.vector_store %arg6[%swap3A_1596, %swap3A_1597, %swap3A_1598], %swap3A_1601 {strides = array<i32>} : memref<2x4x64xi32, #tpu.memory_space<vmem>>, vector<1x1x16xi32>,
        %shift_right_arithmetic3A_1602 = arith.constant 15 : i32
        %shift_right_arithmetic3A_1603 = vector.broadcast %shift_right_arithmetic3A_1602 : i32 to vector<16xi32>
        %shift_right_arithmetic3A_1604 = arith.shrsi %get3A_1589, %shift_right_arithmetic3A_1603 : vector<16xi32>
        %swap3A_1605 = arith.constant 3 : i32
        %swap3A_1606 = arith.index_cast %select_n3A_1247 : i32 to index
        %swap3A_1607 = arith.index_cast %swap3A_1605 : i32 to index
        %swap3A_1608 = arith.constant 0 : index
        %swap3A_1609 = tpu.vector_load %arg7[%swap3A_1606, %swap3A_1607, %swap3A_1608] {strides = array<i32>} : memref<2x4x64xi32, #tpu.memory_space<vmem>>, vector<1x1x16xi32>,
        %swap3A_1610 = vector.shape_cast %swap3A_1609 : vector<1x1x16xi32> to vector<16xi32>
        %swap3A_1611 = vector.shape_cast %shift_right_arithmetic3A_1604 : vector<16xi32> to vector<1x1x16xi32>
        tpu.vector_store %arg7[%swap3A_1606, %swap3A_1607, %swap3A_1608], %swap3A_1611 {strides = array<i32>} : memref<2x4x64xi32, #tpu.memory_space<vmem>>, vector<1x1x16xi32>,
        %get3A_1612 = arith.constant 3 : i32
        %get3A_1613 = arith.index_cast %select_n3A_1247 : i32 to index
        %get3A_1614 = arith.index_cast %get3A_1612 : i32 to index
        %get3A_1615 = arith.constant 16 : index
        %get3A_1616 = tpu.vector_load %arg5[%get3A_1613, %get3A_1614, %get3A_1615] {strides = array<i32>} : memref<2x4x64xi32, #tpu.memory_space<vmem>>, vector<1x1x16xi32>,
        %get3A_1617 = vector.shape_cast %get3A_1616 : vector<1x1x16xi32> to vector<16xi32>
        %and3A_1618 = arith.constant 32767 : i32
        %and3A_1619 = vector.broadcast %and3A_1618 : i32 to vector<16xi32>
        %and3A_1620 = arith.andi %get3A_1617, %and3A_1619 : vector<16xi32>
        %add3A_1621 = vector.broadcast %mul3A_0 : i32 to vector<16xi32>
        %add3A_1622 = arith.addi %and3A_1620, %add3A_1621 : vector<16xi32>
        %swap3A_1623 = arith.constant 3 : i32
        %swap3A_1624 = arith.index_cast %select_n3A_1247 : i32 to index
        %swap3A_1625 = arith.index_cast %swap3A_1623 : i32 to index
        %swap3A_1626 = arith.constant 16 : index
        %swap3A_1627 = tpu.vector_load %arg6[%swap3A_1624, %swap3A_1625, %swap3A_1626] {strides = array<i32>} : memref<2x4x64xi32, #tpu.memory_space<vmem>>, vector<1x1x16xi32>,
        %swap3A_1628 = vector.shape_cast %swap3A_1627 : vector<1x1x16xi32> to vector<16xi32>
        %swap3A_1629 = vector.shape_cast %add3A_1622 : vector<16xi32> to vector<1x1x16xi32>
        tpu.vector_store %arg6[%swap3A_1624, %swap3A_1625, %swap3A_1626], %swap3A_1629 {strides = array<i32>} : memref<2x4x64xi32, #tpu.memory_space<vmem>>, vector<1x1x16xi32>,
        %shift_right_arithmetic3A_1630 = arith.constant 15 : i32
        %shift_right_arithmetic3A_1631 = vector.broadcast %shift_right_arithmetic3A_1630 : i32 to vector<16xi32>
        %shift_right_arithmetic3A_1632 = arith.shrsi %get3A_1617, %shift_right_arithmetic3A_1631 : vector<16xi32>
        %swap3A_1633 = arith.constant 3 : i32
        %swap3A_1634 = arith.index_cast %select_n3A_1247 : i32 to index
        %swap3A_1635 = arith.index_cast %swap3A_1633 : i32 to index
        %swap3A_1636 = arith.constant 16 : index
        %swap3A_1637 = tpu.vector_load %arg7[%swap3A_1634, %swap3A_1635, %swap3A_1636] {strides = array<i32>} : memref<2x4x64xi32, #tpu.memory_space<vmem>>, vector<1x1x16xi32>,
        %swap3A_1638 = vector.shape_cast %swap3A_1637 : vector<1x1x16xi32> to vector<16xi32>
        %swap3A_1639 = vector.shape_cast %shift_right_arithmetic3A_1632 : vector<16xi32> to vector<1x1x16xi32>
        tpu.vector_store %arg7[%swap3A_1634, %swap3A_1635, %swap3A_1636], %swap3A_1639 {strides = array<i32>} : memref<2x4x64xi32, #tpu.memory_space<vmem>>, vector<1x1x16xi32>,
        %get3A_1640 = arith.constant 3 : i32
        %get3A_1641 = arith.index_cast %select_n3A_1247 : i32 to index
        %get3A_1642 = arith.index_cast %get3A_1640 : i32 to index
        %get3A_1643 = arith.constant 32 : index
        %get3A_1644 = tpu.vector_load %arg5[%get3A_1641, %get3A_1642, %get3A_1643] {strides = array<i32>} : memref<2x4x64xi32, #tpu.memory_space<vmem>>, vector<1x1x16xi32>,
        %get3A_1645 = vector.shape_cast %get3A_1644 : vector<1x1x16xi32> to vector<16xi32>
        %and3A_1646 = arith.constant 32767 : i32
        %and3A_1647 = vector.broadcast %and3A_1646 : i32 to vector<16xi32>
        %and3A_1648 = arith.andi %get3A_1645, %and3A_1647 : vector<16xi32>
        %add3A_1649 = vector.broadcast %mul3A_0 : i32 to vector<16xi32>
        %add3A_1650 = arith.addi %and3A_1648, %add3A_1649 : vector<16xi32>
        %swap3A_1651 = arith.constant 3 : i32
        %swap3A_1652 = arith.index_cast %select_n3A_1247 : i32 to index
        %swap3A_1653 = arith.index_cast %swap3A_1651 : i32 to index
        %swap3A_1654 = arith.constant 32 : index
        %swap3A_1655 = tpu.vector_load %arg6[%swap3A_1652, %swap3A_1653, %swap3A_1654] {strides = array<i32>} : memref<2x4x64xi32, #tpu.memory_space<vmem>>, vector<1x1x16xi32>,
        %swap3A_1656 = vector.shape_cast %swap3A_1655 : vector<1x1x16xi32> to vector<16xi32>
        %swap3A_1657 = vector.shape_cast %add3A_1650 : vector<16xi32> to vector<1x1x16xi32>
        tpu.vector_store %arg6[%swap3A_1652, %swap3A_1653, %swap3A_1654], %swap3A_1657 {strides = array<i32>} : memref<2x4x64xi32, #tpu.memory_space<vmem>>, vector<1x1x16xi32>,
        %shift_right_arithmetic3A_1658 = arith.constant 15 : i32
        %shift_right_arithmetic3A_1659 = vector.broadcast %shift_right_arithmetic3A_1658 : i32 to vector<16xi32>
        %shift_right_arithmetic3A_1660 = arith.shrsi %get3A_1645, %shift_right_arithmetic3A_1659 : vector<16xi32>
        %swap3A_1661 = arith.constant 3 : i32
        %swap3A_1662 = arith.index_cast %select_n3A_1247 : i32 to index
        %swap3A_1663 = arith.index_cast %swap3A_1661 : i32 to index
        %swap3A_1664 = arith.constant 32 : index
        %swap3A_1665 = tpu.vector_load %arg7[%swap3A_1662, %swap3A_1663, %swap3A_1664] {strides = array<i32>} : memref<2x4x64xi32, #tpu.memory_space<vmem>>, vector<1x1x16xi32>,
        %swap3A_1666 = vector.shape_cast %swap3A_1665 : vector<1x1x16xi32> to vector<16xi32>
        %swap3A_1667 = vector.shape_cast %shift_right_arithmetic3A_1660 : vector<16xi32> to vector<1x1x16xi32>
        tpu.vector_store %arg7[%swap3A_1662, %swap3A_1663, %swap3A_1664], %swap3A_1667 {strides = array<i32>} : memref<2x4x64xi32, #tpu.memory_space<vmem>>, vector<1x1x16xi32>,
        %get3A_1668 = arith.constant 3 : i32
        %get3A_1669 = arith.index_cast %select_n3A_1247 : i32 to index
        %get3A_1670 = arith.index_cast %get3A_1668 : i32 to index
        %get3A_1671 = arith.constant 48 : index
        %get3A_1672 = tpu.vector_load %arg5[%get3A_1669, %get3A_1670, %get3A_1671] {strides = array<i32>} : memref<2x4x64xi32, #tpu.memory_space<vmem>>, vector<1x1x16xi32>,
        %get3A_1673 = vector.shape_cast %get3A_1672 : vector<1x1x16xi32> to vector<16xi32>
        %and3A_1674 = arith.constant 32767 : i32
        %and3A_1675 = vector.broadcast %and3A_1674 : i32 to vector<16xi32>
        %and3A_1676 = arith.andi %get3A_1673, %and3A_1675 : vector<16xi32>
        %add3A_1677 = vector.broadcast %mul3A_0 : i32 to vector<16xi32>
        %add3A_1678 = arith.addi %and3A_1676, %add3A_1677 : vector<16xi32>
        %swap3A_1679 = arith.constant 3 : i32
        %swap3A_1680 = arith.index_cast %select_n3A_1247 : i32 to index
        %swap3A_1681 = arith.index_cast %swap3A_1679 : i32 to index
        %swap3A_1682 = arith.constant 48 : index
        %swap3A_1683 = tpu.vector_load %arg6[%swap3A_1680, %swap3A_1681, %swap3A_1682] {strides = array<i32>} : memref<2x4x64xi32, #tpu.memory_space<vmem>>, vector<1x1x16xi32>,
        %swap3A_1684 = vector.shape_cast %swap3A_1683 : vector<1x1x16xi32> to vector<16xi32>
        %swap3A_1685 = vector.shape_cast %add3A_1678 : vector<16xi32> to vector<1x1x16xi32>
        tpu.vector_store %arg6[%swap3A_1680, %swap3A_1681, %swap3A_1682], %swap3A_1685 {strides = array<i32>} : memref<2x4x64xi32, #tpu.memory_space<vmem>>, vector<1x1x16xi32>,
        %shift_right_arithmetic3A_1686 = arith.constant 15 : i32
        %shift_right_arithmetic3A_1687 = vector.broadcast %shift_right_arithmetic3A_1686 : i32 to vector<16xi32>
        %shift_right_arithmetic3A_1688 = arith.shrsi %get3A_1673, %shift_right_arithmetic3A_1687 : vector<16xi32>
        %swap3A_1689 = arith.constant 3 : i32
        %swap3A_1690 = arith.index_cast %select_n3A_1247 : i32 to index
        %swap3A_1691 = arith.index_cast %swap3A_1689 : i32 to index
        %swap3A_1692 = arith.constant 48 : index
        %swap3A_1693 = tpu.vector_load %arg7[%swap3A_1690, %swap3A_1691, %swap3A_1692] {strides = array<i32>} : memref<2x4x64xi32, #tpu.memory_space<vmem>>, vector<1x1x16xi32>,
        %swap3A_1694 = vector.shape_cast %swap3A_1693 : vector<1x1x16xi32> to vector<16xi32>
        %swap3A_1695 = vector.shape_cast %shift_right_arithmetic3A_1688 : vector<16xi32> to vector<1x1x16xi32>
        tpu.vector_store %arg7[%swap3A_1690, %swap3A_1691, %swap3A_1692], %swap3A_1695 {strides = array<i32>} : memref<2x4x64xi32, #tpu.memory_space<vmem>>, vector<1x1x16xi32>,
      } else {
      }
      %ge3A_1164 = arith.constant 2 : i32
      %ge3A_1165 = arith.cmpi sge, %add3A_1146, %ge3A_1164 : i32
      %convert_element_type3A_1166 = arith.extui %ge3A_1165 : i1 to i32
      %cond3A_1167 = arith.constant 0 : i32
      %cond3A_1168 = arith.cmpi ne, %convert_element_type3A_1166, %cond3A_1167 : i32
      scf.if %cond3A_1168 {
        %dma_wait3A_1230 = arith.constant 0 : i32
        %dma_wait3A_1231 = arith.constant 0 : i32
        %dma_wait3A_1232 = arith.constant 0 : i32
        %dma_wait3A_1233 = tpu.memref_slice %arg2[%dma_wait3A_1231, %dma_wait3A_1232] : memref<20480x128xf32, #tpu.memory_space<hbm>> -> memref<64x128xf32, #tpu.memory_space<hbm>>
        %dma_wait3A_1234 = tpu.memref_slice %arg13[%dma_wait3A_1230] : memref<4x!tpu.dma_semaphore, #tpu.memory_space<semaphore_mem>> -> memref<1x!tpu.dma_semaphore, #tpu.memory_space<semaphore_mem>>
        %dma_wait3A_1235 = tpu.memref_squeeze %dma_wait3A_1234 : memref<1x!tpu.dma_semaphore, #tpu.memory_space<semaphore_mem>> -> memref<!tpu.dma_semaphore, #tpu.memory_space<semaphore_mem>>
        %dma_wait3A_1236 = arith.constant 0 : i32
        %dma_wait3A_1237 = arith.constant 0 : i32
        %dma_wait3A_1238 = tpu.memref_slice %arg2[%dma_wait3A_1236, %dma_wait3A_1237] : memref<20480x128xf32, #tpu.memory_space<hbm>> -> memref<64x128xf32, #tpu.memory_space<hbm>>
        tpu.wait_dma2 semaphore(%dma_wait3A_1235 : memref<!tpu.dma_semaphore, #tpu.memory_space<semaphore_mem>>) src(%dma_wait3A_1238 : memref<64x128xf32, #tpu.memory_space<hbm>>) dst(%arg8 : memref<64x128xf32, #tpu.memory_space<vmem>>)
      } else {
      }
      %add3A_1169 = arith.constant 2 : i32
      %add3A_1170 = arith.addi %add3A_1146, %add3A_1169 : i32
      %lt3A_1171 = arith.constant 160 : i32
      %lt3A_1172 = arith.cmpi slt, %add3A_1170, %lt3A_1171 : i32
      %convert_element_type3A_1173 = arith.extui %lt3A_1172 : i1 to i32
      %cond3A_1174 = arith.constant 0 : i32
      %cond3A_1175 = arith.cmpi ne, %convert_element_type3A_1173, %cond3A_1174 : i32
      scf.if %cond3A_1175 {
        %dma_start3A_1230 = arith.constant 0 : i32
        %dma_start3A_1231 = arith.constant 0 : i32
        %dma_start3A_1232 = arith.constant 0 : i32
        %dma_start3A_1233 = tpu.memref_slice %arg6[%select_n3A_1068, %dma_start3A_1230, %dma_start3A_1232] : memref<2x4x64xi32, #tpu.memory_space<vmem>> -> memref<1x1x64xi32, #tpu.memory_space<vmem>>
        %dma_start3A_1234 = tpu.memref_squeeze %dma_start3A_1233 : memref<1x1x64xi32, #tpu.memory_space<vmem>> -> memref<64xi32, #tpu.memory_space<vmem>>
        %dma_start3A_1235 = arith.constant 0 : i32
        %dma_start3A_1236 = arith.constant 0 : i32
        %dma_start3A_1237 = tpu.memref_slice %arg2[%dma_start3A_1235, %dma_start3A_1236] : memref<20480x128xf32, #tpu.memory_space<hbm>> -> memref<20480x128xf32, #tpu.memory_space<hbm>>
        %dma_start3A_1238 = tpu.memref_slice %arg12[%dma_start3A_1231] : memref<4x!tpu.dma_semaphore, #tpu.memory_space<semaphore_mem>> -> memref<1x!tpu.dma_semaphore, #tpu.memory_space<semaphore_mem>>
        %dma_start3A_1239 = tpu.memref_squeeze %dma_start3A_1238 : memref<1x!tpu.dma_semaphore, #tpu.memory_space<semaphore_mem>> -> memref<!tpu.dma_semaphore, #tpu.memory_space<semaphore_mem>>
        tpu.enqueue_indirect_dma source(%dma_start3A_1237 : memref<20480x128xf32, #tpu.memory_space<hbm>>) target(%arg8 : memref<64x128xf32, #tpu.memory_space<vmem>>) offsets(%dma_start3A_1234 : memref<64xi32, #tpu.memory_space<vmem>>) semaphore(%dma_start3A_1239 : memref<!tpu.dma_semaphore, #tpu.memory_space<semaphore_mem>>)
      } else {
      }
      %dma_wait3A_1176 = arith.constant 2 : i32
      %dma_wait3A_1177 = arith.constant 0 : i32
      %dma_wait3A_1178 = arith.constant 0 : i32
      %dma_wait3A_1179 = tpu.memref_slice %arg2[%dma_wait3A_1177, %dma_wait3A_1178] : memref<20480x128xf32, #tpu.memory_space<hbm>> -> memref<64x128xf32, #tpu.memory_space<hbm>>
      %dma_wait3A_1180 = tpu.memref_slice %arg12[%dma_wait3A_1176] : memref<4x!tpu.dma_semaphore, #tpu.memory_space<semaphore_mem>> -> memref<1x!tpu.dma_semaphore, #tpu.memory_space<semaphore_mem>>
      %dma_wait3A_1181 = tpu.memref_squeeze %dma_wait3A_1180 : memref<1x!tpu.dma_semaphore, #tpu.memory_space<semaphore_mem>> -> memref<!tpu.dma_semaphore, #tpu.memory_space<semaphore_mem>>
      %dma_wait3A_1182 = arith.constant 0 : i32
      %dma_wait3A_1183 = arith.constant 0 : i32
      %dma_wait3A_1184 = tpu.memref_slice %arg2[%dma_wait3A_1182, %dma_wait3A_1183] : memref<20480x128xf32, #tpu.memory_space<hbm>> -> memref<64x128xf32, #tpu.memory_space<hbm>>
      tpu.wait_dma2 semaphore(%dma_wait3A_1181 : memref<!tpu.dma_semaphore, #tpu.memory_space<semaphore_mem>>) src(%dma_wait3A_1184 : memref<64x128xf32, #tpu.memory_space<hbm>>) dst(%arg10 : memref<64x128xf32, #tpu.memory_space<vmem>>)
      %dma_start3A_1185 = arith.constant 2 : i32
      %dma_start3A_1186 = arith.constant 2 : i32
      %dma_start3A_1187 = arith.constant 0 : i32
      %dma_start3A_1188 = tpu.memref_slice %arg7[%select_n3A_1050, %dma_start3A_1185, %dma_start3A_1187] : memref<2x4x64xi32, #tpu.memory_space<vmem>> -> memref<1x1x64xi32, #tpu.memory_space<vmem>>
      %dma_start3A_1189 = tpu.memref_squeeze %dma_start3A_1188 : memref<1x1x64xi32, #tpu.memory_space<vmem>> -> memref<64xi32, #tpu.memory_space<vmem>>
      %dma_start3A_1190 = arith.constant 0 : i32
      %dma_start3A_1191 = arith.constant 0 : i32
      %dma_start3A_1192 = tpu.memref_slice %arg15[%dma_start3A_1190, %dma_start3A_1191] : memref<10240x128xf32, #tpu.memory_space<vmem_shared>> -> memref<10240x128xf32, #tpu.memory_space<vmem_shared>>
      %dma_start3A_1193 = tpu.memref_slice %arg13[%dma_start3A_1186] : memref<4x!tpu.dma_semaphore, #tpu.memory_space<semaphore_mem>> -> memref<1x!tpu.dma_semaphore, #tpu.memory_space<semaphore_mem>>
      %dma_start3A_1194 = tpu.memref_squeeze %dma_start3A_1193 : memref<1x!tpu.dma_semaphore, #tpu.memory_space<semaphore_mem>> -> memref<!tpu.dma_semaphore, #tpu.memory_space<semaphore_mem>>
      tpu.enqueue_indirect_dma source(%arg10 : memref<64x128xf32, #tpu.memory_space<vmem>>) target(%dma_start3A_1192 : memref<10240x128xf32, #tpu.memory_space<vmem_shared>>) offsets(%dma_start3A_1189 : memref<64xi32, #tpu.memory_space<vmem>>) semaphore(%dma_start3A_1194 : memref<!tpu.dma_semaphore, #tpu.memory_space<semaphore_mem>>) {add = true}
      %mul3A_1195 = arith.constant 4 : i32
      %mul3A_1196 = arith.muli %scan3A_1040, %mul3A_1195 : i32
      %add3A_1197 = arith.constant 3 : i32
      %add3A_1198 = arith.addi %mul3A_1196, %add3A_1197 : i32
      %ge3A_1199 = arith.constant 2 : i32
      %ge3A_1200 = arith.cmpi sge, %add3A_1198, %ge3A_1199 : i32
      %convert_element_type3A_1201 = arith.extui %ge3A_1200 : i1 to i32
      %cond3A_1202 = arith.constant 0 : i32
      %cond3A_1203 = arith.cmpi ne, %convert_element_type3A_1201, %cond3A_1202 : i32
      scf.if %cond3A_1203 {
        %dma_wait3A_1230 = arith.constant 1 : i32
        %dma_wait3A_1231 = arith.constant 0 : i32
        %dma_wait3A_1232 = arith.constant 0 : i32
        %dma_wait3A_1233 = tpu.memref_slice %arg2[%dma_wait3A_1231, %dma_wait3A_1232] : memref<20480x128xf32, #tpu.memory_space<hbm>> -> memref<64x128xf32, #tpu.memory_space<hbm>>
        %dma_wait3A_1234 = tpu.memref_slice %arg13[%dma_wait3A_1230] : memref<4x!tpu.dma_semaphore, #tpu.memory_space<semaphore_mem>> -> memref<1x!tpu.dma_semaphore, #tpu.memory_space<semaphore_mem>>
        %dma_wait3A_1235 = tpu.memref_squeeze %dma_wait3A_1234 : memref<1x!tpu.dma_semaphore, #tpu.memory_space<semaphore_mem>> -> memref<!tpu.dma_semaphore, #tpu.memory_space<semaphore_mem>>
        %dma_wait3A_1236 = arith.constant 0 : i32
        %dma_wait3A_1237 = arith.constant 0 : i32
        %dma_wait3A_1238 = tpu.memref_slice %arg2[%dma_wait3A_1236, %dma_wait3A_1237] : memref<20480x128xf32, #tpu.memory_space<hbm>> -> memref<64x128xf32, #tpu.memory_space<hbm>>
        tpu.wait_dma2 semaphore(%dma_wait3A_1235 : memref<!tpu.dma_semaphore, #tpu.memory_space<semaphore_mem>>) src(%dma_wait3A_1238 : memref<64x128xf32, #tpu.memory_space<hbm>>) dst(%arg9 : memref<64x128xf32, #tpu.memory_space<vmem>>)
      } else {
      }
      %add3A_1204 = arith.constant 2 : i32
      %add3A_1205 = arith.addi %add3A_1198, %add3A_1204 : i32
      %lt3A_1206 = arith.constant 160 : i32
      %lt3A_1207 = arith.cmpi slt, %add3A_1205, %lt3A_1206 : i32
      %convert_element_type3A_1208 = arith.extui %lt3A_1207 : i1 to i32
      %cond3A_1209 = arith.constant 0 : i32
      %cond3A_1210 = arith.cmpi ne, %convert_element_type3A_1208, %cond3A_1209 : i32
      scf.if %cond3A_1210 {
        %dma_start3A_1230 = arith.constant 1 : i32
        %dma_start3A_1231 = arith.constant 1 : i32
        %dma_start3A_1232 = arith.constant 0 : i32
        %dma_start3A_1233 = tpu.memref_slice %arg6[%select_n3A_1068, %dma_start3A_1230, %dma_start3A_1232] : memref<2x4x64xi32, #tpu.memory_space<vmem>> -> memref<1x1x64xi32, #tpu.memory_space<vmem>>
        %dma_start3A_1234 = tpu.memref_squeeze %dma_start3A_1233 : memref<1x1x64xi32, #tpu.memory_space<vmem>> -> memref<64xi32, #tpu.memory_space<vmem>>
        %dma_start3A_1235 = arith.constant 0 : i32
        %dma_start3A_1236 = arith.constant 0 : i32
        %dma_start3A_1237 = tpu.memref_slice %arg2[%dma_start3A_1235, %dma_start3A_1236] : memref<20480x128xf32, #tpu.memory_space<hbm>> -> memref<20480x128xf32, #tpu.memory_space<hbm>>
        %dma_start3A_1238 = tpu.memref_slice %arg12[%dma_start3A_1231] : memref<4x!tpu.dma_semaphore, #tpu.memory_space<semaphore_mem>> -> memref<1x!tpu.dma_semaphore, #tpu.memory_space<semaphore_mem>>
        %dma_start3A_1239 = tpu.memref_squeeze %dma_start3A_1238 : memref<1x!tpu.dma_semaphore, #tpu.memory_space<semaphore_mem>> -> memref<!tpu.dma_semaphore, #tpu.memory_space<semaphore_mem>>
        tpu.enqueue_indirect_dma source(%dma_start3A_1237 : memref<20480x128xf32, #tpu.memory_space<hbm>>) target(%arg9 : memref<64x128xf32, #tpu.memory_space<vmem>>) offsets(%dma_start3A_1234 : memref<64xi32, #tpu.memory_space<vmem>>) semaphore(%dma_start3A_1239 : memref<!tpu.dma_semaphore, #tpu.memory_space<semaphore_mem>>)
      } else {
      }
      %dma_wait3A_1211 = arith.constant 3 : i32
      %dma_wait3A_1212 = arith.constant 0 : i32
      %dma_wait3A_1213 = arith.constant 0 : i32
      %dma_wait3A_1214 = tpu.memref_slice %arg2[%dma_wait3A_1212, %dma_wait3A_1213] : memref<20480x128xf32, #tpu.memory_space<hbm>> -> memref<64x128xf32, #tpu.memory_space<hbm>>
      %dma_wait3A_1215 = tpu.memref_slice %arg12[%dma_wait3A_1211] : memref<4x!tpu.dma_semaphore, #tpu.memory_space<semaphore_mem>> -> memref<1x!tpu.dma_semaphore, #tpu.memory_space<semaphore_mem>>
      %dma_wait3A_1216 = tpu.memref_squeeze %dma_wait3A_1215 : memref<1x!tpu.dma_semaphore, #tpu.memory_space<semaphore_mem>> -> memref<!tpu.dma_semaphore, #tpu.memory_space<semaphore_mem>>
      %dma_wait3A_1217 = arith.constant 0 : i32
      %dma_wait3A_1218 = arith.constant 0 : i32
      %dma_wait3A_1219 = tpu.memref_slice %arg2[%dma_wait3A_1217, %dma_wait3A_1218] : memref<20480x128xf32, #tpu.memory_space<hbm>> -> memref<64x128xf32, #tpu.memory_space<hbm>>
      tpu.wait_dma2 semaphore(%dma_wait3A_1216 : memref<!tpu.dma_semaphore, #tpu.memory_space<semaphore_mem>>) src(%dma_wait3A_1219 : memref<64x128xf32, #tpu.memory_space<hbm>>) dst(%arg11 : memref<64x128xf32, #tpu.memory_space<vmem>>)
      %dma_start3A_1220 = arith.constant 3 : i32
      %dma_start3A_1221 = arith.constant 3 : i32
      %dma_start3A_1222 = arith.constant 0 : i32
      %dma_start3A_1223 = tpu.memref_slice %arg7[%select_n3A_1050, %dma_start3A_1220, %dma_start3A_1222] : memref<2x4x64xi32, #tpu.memory_space<vmem>> -> memref<1x1x64xi32, #tpu.memory_space<vmem>>
      %dma_start3A_1224 = tpu.memref_squeeze %dma_start3A_1223 : memref<1x1x64xi32, #tpu.memory_space<vmem>> -> memref<64xi32, #tpu.memory_space<vmem>>
      %dma_start3A_1225 = arith.constant 0 : i32
      %dma_start3A_1226 = arith.constant 0 : i32
      %dma_start3A_1227 = tpu.memref_slice %arg15[%dma_start3A_1225, %dma_start3A_1226] : memref<10240x128xf32, #tpu.memory_space<vmem_shared>> -> memref<10240x128xf32, #tpu.memory_space<vmem_shared>>
      %dma_start3A_1228 = tpu.memref_slice %arg13[%dma_start3A_1221] : memref<4x!tpu.dma_semaphore, #tpu.memory_space<semaphore_mem>> -> memref<1x!tpu.dma_semaphore, #tpu.memory_space<semaphore_mem>>
      %dma_start3A_1229 = tpu.memref_squeeze %dma_start3A_1228 : memref<1x!tpu.dma_semaphore, #tpu.memory_space<semaphore_mem>> -> memref<!tpu.dma_semaphore, #tpu.memory_space<semaphore_mem>>
      tpu.enqueue_indirect_dma source(%arg11 : memref<64x128xf32, #tpu.memory_space<vmem>>) target(%dma_start3A_1227 : memref<10240x128xf32, #tpu.memory_space<vmem_shared>>) offsets(%dma_start3A_1224 : memref<64xi32, #tpu.memory_space<vmem>>) semaphore(%dma_start3A_1229 : memref<!tpu.dma_semaphore, #tpu.memory_space<semaphore_mem>>) {add = true}
    }
    %scan3A_1021 = arith.constant 40 : i32
    %dma_wait3A = arith.constant 2 : i32
    %dma_wait3A_1022 = arith.constant 0 : i32
    %dma_wait3A_1023 = arith.constant 0 : i32
    %dma_wait3A_1024 = tpu.memref_slice %arg2[%dma_wait3A_1022, %dma_wait3A_1023] : memref<20480x128xf32, #tpu.memory_space<hbm>> -> memref<64x128xf32, #tpu.memory_space<hbm>>
    %dma_wait3A_1025 = tpu.memref_slice %arg13[%dma_wait3A] : memref<4x!tpu.dma_semaphore, #tpu.memory_space<semaphore_mem>> -> memref<1x!tpu.dma_semaphore, #tpu.memory_space<semaphore_mem>>
    %dma_wait3A_1026 = tpu.memref_squeeze %dma_wait3A_1025 : memref<1x!tpu.dma_semaphore, #tpu.memory_space<semaphore_mem>> -> memref<!tpu.dma_semaphore, #tpu.memory_space<semaphore_mem>>
    %dma_wait3A_1027 = arith.constant 0 : i32
    %dma_wait3A_1028 = arith.constant 0 : i32
    %dma_wait3A_1029 = tpu.memref_slice %arg2[%dma_wait3A_1027, %dma_wait3A_1028] : memref<20480x128xf32, #tpu.memory_space<hbm>> -> memref<64x128xf32, #tpu.memory_space<hbm>>
    tpu.wait_dma2 semaphore(%dma_wait3A_1026 : memref<!tpu.dma_semaphore, #tpu.memory_space<semaphore_mem>>) src(%dma_wait3A_1029 : memref<64x128xf32, #tpu.memory_space<hbm>>) dst(%arg10 : memref<64x128xf32, #tpu.memory_space<vmem>>)
    %dma_wait3A_1030 = arith.constant 3 : i32
    %dma_wait3A_1031 = arith.constant 0 : i32
    %dma_wait3A_1032 = arith.constant 0 : i32
    %dma_wait3A_1033 = tpu.memref_slice %arg2[%dma_wait3A_1031, %dma_wait3A_1032] : memref<20480x128xf32, #tpu.memory_space<hbm>> -> memref<64x128xf32, #tpu.memory_space<hbm>>
    %dma_wait3A_1034 = tpu.memref_slice %arg13[%dma_wait3A_1030] : memref<4x!tpu.dma_semaphore, #tpu.memory_space<semaphore_mem>> -> memref<1x!tpu.dma_semaphore, #tpu.memory_space<semaphore_mem>>
    %dma_wait3A_1035 = tpu.memref_squeeze %dma_wait3A_1034 : memref<1x!tpu.dma_semaphore, #tpu.memory_space<semaphore_mem>> -> memref<!tpu.dma_semaphore, #tpu.memory_space<semaphore_mem>>
    %dma_wait3A_1036 = arith.constant 0 : i32
    %dma_wait3A_1037 = arith.constant 0 : i32
    %dma_wait3A_1038 = tpu.memref_slice %arg2[%dma_wait3A_1036, %dma_wait3A_1037] : memref<20480x128xf32, #tpu.memory_space<hbm>> -> memref<64x128xf32, #tpu.memory_space<hbm>>
    tpu.wait_dma2 semaphore(%dma_wait3A_1035 : memref<!tpu.dma_semaphore, #tpu.memory_space<semaphore_mem>>) src(%dma_wait3A_1038 : memref<64x128xf32, #tpu.memory_space<hbm>>) dst(%arg11 : memref<64x128xf32, #tpu.memory_space<vmem>>)
    %barrier3A_1039 = arith.constant 0 : index
    tpu.barrier barrier_id(%barrier3A_1039)
    "tpu.region"() ({
      %run_scoped3A_1040 = tpu.sem_alloc : memref<!tpu.dma_semaphore, #tpu.memory_space<semaphore_mem>>
      %dma_start3A_1041 = arith.constant 0 : i32
      %dma_start3A_1042 = tpu.memref_slice %arg4[%arg0, %mul3A_2, %dma_start3A_1041] : memref<2x10240x128xf32, #tpu.memory_space<hbm>> -> memref<1x640x128xf32, #tpu.memory_space<hbm>>
      %dma_start3A_1043 = tpu.memref_squeeze %dma_start3A_1042 : memref<1x640x128xf32, #tpu.memory_space<hbm>> -> memref<640x128xf32, #tpu.memory_space<hbm>>
      %dma_start3A_1044 = arith.constant 0 : i32
      %dma_start3A_1045 = tpu.memref_slice %arg15[%mul3A_2, %dma_start3A_1044] : memref<10240x128xf32, #tpu.memory_space<vmem_shared>> -> memref<640x128xf32, #tpu.memory_space<vmem_shared>>
      tpu.enqueue_dma source(%dma_start3A_1045 : memref<640x128xf32, #tpu.memory_space<vmem_shared>>) target(%dma_start3A_1043 : memref<640x128xf32, #tpu.memory_space<hbm>>) target_semaphore(%run_scoped3A_1040 : memref<!tpu.dma_semaphore, #tpu.memory_space<semaphore_mem>>)
      %dma_wait3A_1046 = arith.constant 0 : i32
      %dma_wait3A_1047 = tpu.memref_slice %arg4[%arg0, %mul3A_2, %dma_wait3A_1046] : memref<2x10240x128xf32, #tpu.memory_space<hbm>> -> memref<1x640x128xf32, #tpu.memory_space<hbm>>
      %dma_wait3A_1048 = tpu.memref_squeeze %dma_wait3A_1047 : memref<1x640x128xf32, #tpu.memory_space<hbm>> -> memref<640x128xf32, #tpu.memory_space<hbm>>
      %dma_wait3A_1049 = arith.constant 0 : i32
      %dma_wait3A_1050 = tpu.memref_slice %arg15[%mul3A_2, %dma_wait3A_1049] : memref<10240x128xf32, #tpu.memory_space<vmem_shared>> -> memref<640x128xf32, #tpu.memory_space<vmem_shared>>
      tpu.wait_dma2 semaphore(%run_scoped3A_1040 : memref<!tpu.dma_semaphore, #tpu.memory_space<semaphore_mem>>) src(%dma_wait3A_1050 : memref<640x128xf32, #tpu.memory_space<vmem_shared>>) dst(%dma_wait3A_1048 : memref<640x128xf32, #tpu.memory_space<hbm>>)
      tpu.yield
    }) : () -> ()
    return
  }
}

module attributes {stable_mosaic.version = 14 : i64} {
  func.func @_mm_body(%arg0: i32, %arg1: memref<1280x256xf32, #tpu.memory_space<vmem>>, %arg2: memref<256x256xf32, #tpu.memory_space<vmem>>, %arg3: memref<2x1280x128xf32, #tpu.memory_space<vmem>>, %arg4: memref<2x1280x128xf32, #tpu.memory_space<vmem>>) attributes {dimension_semantics = [#tpu.dimension_semantics<arbitrary>], iteration_bounds = array<i64: 8>, scalar_prefetch = 0 : i64, scratch_operands = 0 : i64, tpu.core_type = #tpu.core_type<tc>, window_params = [{transform_indices = @transform_0, window_bounds = array<i64: 1280, 256>}, {pipeline_mode = #tpu.pipeline_mode<synchronous>, transform_indices = @transform_1, window_bounds = array<i64: 256, 256>}, {transform_indices = @transform_2, window_bounds = array<i64: 2, 1280, 128>}, {transform_indices = @transform_3, window_bounds = array<i64: 2, 1280, 128>}]} {
    %get3A = arith.constant 0 : index
    %get3A_0 = arith.constant 0 : index
    %get3A_1 = vector.load %arg1[%get3A, %get3A_0] : memref<1280x256xf32, #tpu.memory_space<vmem>>, vector<1280x256xf32>
    %get3A_2 = arith.constant 0 : index
    %get3A_3 = arith.constant 0 : index
    %get3A_4 = vector.load %arg2[%get3A_2, %get3A_3] : memref<256x256xf32, #tpu.memory_space<vmem>>, vector<256x256xf32>
    %dot_general3A = arith.constant dense<0.000000e+00> : vector<1280x256xf32>
    %dot_general3A_5 = tpu.matmul %get3A_1, %get3A_4, %dot_general3A {dimension_numbers = #tpu.dot_dimension_numbers<[1], [0], [0], [1], [0, 0, 1, 1], [], []>, transpose_lhs_hint = false} : vector<1280x256xf32>, vector<256x256xf32>, vector<1280x256xf32> -> vector<1280x256xf32>
    %get3A_6 = arith.constant 0 : index
    %get3A_7 = arith.constant 0 : index
    %get3A_8 = arith.constant 0 : index
    %get3A_9 = vector.load %arg3[%get3A_6, %get3A_7, %get3A_8] : memref<2x1280x128xf32, #tpu.memory_space<vmem>>, vector<1x1280x1xf32>
    %get3A_10 = vector.shape_cast %get3A_9 : vector<1x1280x1xf32> to vector<1280xf32>
    %get3A_11 = arith.constant 1 : index
    %get3A_12 = arith.constant 0 : index
    %get3A_13 = arith.constant 0 : index
    %get3A_14 = vector.load %arg3[%get3A_11, %get3A_12, %get3A_13] : memref<2x1280x128xf32, #tpu.memory_space<vmem>>, vector<1x1280x1xf32>
    %get3A_15 = vector.shape_cast %get3A_14 : vector<1x1280x1xf32> to vector<1280xf32>
    %add3A = arith.addf %get3A_10, %get3A_15 : vector<1280xf32>
    %add3A_16 = arith.constant 1.000000e+00 : f32
    %add3A_17 = vector.broadcast %add3A_16 : f32 to vector<1280xf32>
    %add3A_18 = arith.addf %add3A, %add3A_17 : vector<1280xf32>
    %rsqrt3A = math.rsqrt %add3A_18 : vector<1280xf32>
    %broadcast_in_dim3A = vector.shape_cast %rsqrt3A : vector<1280xf32> to vector<1280x1xf32>
    %mul3A = vector.broadcast %broadcast_in_dim3A : vector<1280x1xf32> to vector<1280x256xf32>
    %mul3A_19 = arith.mulf %dot_general3A_5, %mul3A : vector<1280x256xf32>
    %slice3A = vector.extract_strided_slice %mul3A_19 {offsets = [0, 0], sizes = [1280, 128], strides = [1, 1]} : vector<1280x256xf32> to vector<1280x128xf32>
    %swap3A = arith.constant 0 : index
    %swap3A_20 = arith.constant 0 : index
    %swap3A_21 = arith.constant 0 : index
    %swap3A_22 = vector.load %arg4[%swap3A, %swap3A_20, %swap3A_21] : memref<2x1280x128xf32, #tpu.memory_space<vmem>>, vector<1x1280x128xf32>
    %swap3A_23 = vector.shape_cast %swap3A_22 : vector<1x1280x128xf32> to vector<1280x128xf32>
    %swap3A_24 = vector.shape_cast %slice3A : vector<1280x128xf32> to vector<1x1280x128xf32>
    tpu.vector_store %arg4[%swap3A, %swap3A_20, %swap3A_21], %swap3A_24 {strides = array<i32>} : memref<2x1280x128xf32, #tpu.memory_space<vmem>>, vector<1x1280x128xf32>,
    %slice3A_25 = vector.extract_strided_slice %mul3A_19 {offsets = [0, 128], sizes = [1280, 128], strides = [1, 1]} : vector<1280x256xf32> to vector<1280x128xf32>
    %swap3A_26 = arith.constant 1 : index
    %swap3A_27 = arith.constant 0 : index
    %swap3A_28 = arith.constant 0 : index
    %swap3A_29 = vector.load %arg4[%swap3A_26, %swap3A_27, %swap3A_28] : memref<2x1280x128xf32, #tpu.memory_space<vmem>>, vector<1x1280x128xf32>
    %swap3A_30 = vector.shape_cast %swap3A_29 : vector<1x1280x128xf32> to vector<1280x128xf32>
    %swap3A_31 = vector.shape_cast %slice3A_25 : vector<1280x128xf32> to vector<1x1280x128xf32>
    tpu.vector_store %arg4[%swap3A_26, %swap3A_27, %swap3A_28], %swap3A_31 {strides = array<i32>} : memref<2x1280x128xf32, #tpu.memory_space<vmem>>, vector<1x1280x128xf32>,
    return
  }
  func.func @transform_0(%arg0: i32) -> (i32, i32) {
    %c0_i32 = arith.constant 0 : i32
    %c0_i32_0 = arith.constant 0 : i32
    return %arg0, %c0_i32 : i32, i32
  }
  func.func @transform_1(%arg0: i32) -> (i32, i32) {
    %c0_i32 = arith.constant 0 : i32
    %c0_i32_0 = arith.constant 0 : i32
    %c0_i32_1 = arith.constant 0 : i32
    return %c0_i32, %c0_i32_0 : i32, i32
  }
  func.func @transform_2(%arg0: i32) -> (i32, i32, i32) {
    %c0_i32 = arith.constant 0 : i32
    %c0_i32_0 = arith.constant 0 : i32
    %c0_i32_1 = arith.constant 0 : i32
    return %c0_i32, %arg0, %c0_i32_0 : i32, i32, i32
  }
  func.func @transform_3(%arg0: i32) -> (i32, i32, i32) {
    %c0_i32 = arith.constant 0 : i32
    %c0_i32_0 = arith.constant 0 : i32
    %c0_i32_1 = arith.constant 0 : i32
    return %c0_i32, %arg0, %c0_i32_0 : i32, i32, i32
  }
}

module attributes {stable_mosaic.version = 14 : i64} {
  func.func @_epi_body(%arg0: i32, %arg1: memref<2x1280x128xf32, #tpu.memory_space<vmem>>, %arg2: memref<2x1280x128xf32, #tpu.memory_space<vmem>>, %arg3: memref<1x256xf32, #tpu.memory_space<vmem>>, %arg4: memref<1280x256xf32, #tpu.memory_space<vmem>>) attributes {dimension_semantics = [#tpu.dimension_semantics<arbitrary>], iteration_bounds = array<i64: 8>, scalar_prefetch = 0 : i64, scratch_operands = 0 : i64, tpu.core_type = #tpu.core_type<tc>, window_params = [{transform_indices = @transform_0, window_bounds = array<i64: 2, 1280, 128>}, {transform_indices = @transform_1, window_bounds = array<i64: 2, 1280, 128>}, {pipeline_mode = #tpu.pipeline_mode<synchronous>, transform_indices = @transform_2, window_bounds = array<i64: 1, 256>}, {transform_indices = @transform_3, window_bounds = array<i64: 1280, 256>}]} {
    %get3A = arith.constant 0 : index
    %get3A_0 = arith.constant 0 : index
    %get3A_1 = arith.constant 0 : index
    %get3A_2 = vector.load %arg2[%get3A, %get3A_0, %get3A_1] : memref<2x1280x128xf32, #tpu.memory_space<vmem>>, vector<1x1280x1xf32>
    %get3A_3 = vector.shape_cast %get3A_2 : vector<1x1280x1xf32> to vector<1280xf32>
    %get3A_4 = arith.constant 1 : index
    %get3A_5 = arith.constant 0 : index
    %get3A_6 = arith.constant 0 : index
    %get3A_7 = vector.load %arg2[%get3A_4, %get3A_5, %get3A_6] : memref<2x1280x128xf32, #tpu.memory_space<vmem>>, vector<1x1280x1xf32>
    %get3A_8 = vector.shape_cast %get3A_7 : vector<1x1280x1xf32> to vector<1280xf32>
    %add3A = arith.addf %get3A_3, %get3A_8 : vector<1280xf32>
    %add3A_9 = arith.constant 1.000000e+00 : f32
    %add3A_10 = vector.broadcast %add3A_9 : f32 to vector<1280xf32>
    %add3A_11 = arith.addf %add3A, %add3A_10 : vector<1280xf32>
    %rsqrt3A = math.rsqrt %add3A_11 : vector<1280xf32>
    %get3A_12 = arith.constant 0 : index
    %get3A_13 = arith.constant 0 : index
    %get3A_14 = arith.constant 0 : index
    %get3A_15 = vector.load %arg1[%get3A_12, %get3A_13, %get3A_14] : memref<2x1280x128xf32, #tpu.memory_space<vmem>>, vector<1x1280x128xf32>
    %get3A_16 = vector.shape_cast %get3A_15 : vector<1x1280x128xf32> to vector<1280x128xf32>
    %get3A_17 = arith.constant 1 : index
    %get3A_18 = arith.constant 0 : index
    %get3A_19 = arith.constant 0 : index
    %get3A_20 = vector.load %arg1[%get3A_17, %get3A_18, %get3A_19] : memref<2x1280x128xf32, #tpu.memory_space<vmem>>, vector<1x1280x128xf32>
    %get3A_21 = vector.shape_cast %get3A_20 : vector<1x1280x128xf32> to vector<1280x128xf32>
    %concatenate3A = tpu.concatenate %get3A_16, %get3A_21 in 1 : vector<1280x128xf32>, vector<1280x128xf32> -> vector<1280x256xf32>
    %broadcast_in_dim3A = vector.shape_cast %rsqrt3A : vector<1280xf32> to vector<1280x1xf32>
    %mul3A = vector.broadcast %broadcast_in_dim3A : vector<1280x1xf32> to vector<1280x256xf32>
    %mul3A_22 = arith.mulf %concatenate3A, %mul3A : vector<1280x256xf32>
    %get3A_23 = arith.constant 0 : index
    %get3A_24 = arith.constant 0 : index
    %get3A_25 = vector.load %arg3[%get3A_23, %get3A_24] : memref<1x256xf32, #tpu.memory_space<vmem>>, vector<1x256xf32>
    %get3A_26 = vector.shape_cast %get3A_25 : vector<1x256xf32> to vector<256xf32>
    %broadcast_in_dim3A_27 = vector.shape_cast %get3A_26 : vector<256xf32> to vector<1x256xf32>
    %add3A_28 = vector.broadcast %broadcast_in_dim3A_27 : vector<1x256xf32> to vector<1280x256xf32>
    %add3A_29 = arith.addf %mul3A_22, %add3A_28 : vector<1280x256xf32>
    %reduce_max3A = arith.constant dense<0xFF800000> : vector<1280xf32>
    %reduce_max3A_30 = vector.multi_reduction <maximumf>, %add3A_29, %reduce_max3A [1] : vector<1280x256xf32> to vector<1280xf32>
    %broadcast_in_dim3A_31 = vector.shape_cast %reduce_max3A_30 : vector<1280xf32> to vector<1280x1xf32>
    %sub3A = vector.broadcast %broadcast_in_dim3A_31 : vector<1280x1xf32> to vector<1280x256xf32>
    %sub3A_32 = arith.subf %add3A_29, %sub3A : vector<1280x256xf32>
    %exp3A = math.exp %sub3A_32 : vector<1280x256xf32>
    %reduce_sum3A = arith.constant dense<0.000000e+00> : vector<1280xf32>
    %reduce_sum3A_33 = vector.multi_reduction <add>, %exp3A, %reduce_sum3A [1] : vector<1280x256xf32> to vector<1280xf32>
    %broadcast_in_dim3A_34 = vector.shape_cast %reduce_sum3A_33 : vector<1280xf32> to vector<1280x1xf32>
    %log3A = math.log %broadcast_in_dim3A_34 : vector<1280x1xf32>
    %add3A_35 = arith.addf %log3A, %broadcast_in_dim3A_31 : vector<1280x1xf32>
    %sub3A_36 = vector.broadcast %add3A_35 : vector<1280x1xf32> to vector<1280x256xf32>
    %sub3A_37 = arith.subf %add3A_29, %sub3A_36 : vector<1280x256xf32>
    %swap3A = arith.constant 0 : index
    %swap3A_38 = arith.constant 0 : index
    %swap3A_39 = vector.load %arg4[%swap3A, %swap3A_38] : memref<1280x256xf32, #tpu.memory_space<vmem>>, vector<1280x256xf32>
    tpu.vector_store %arg4[%swap3A, %swap3A_38], %sub3A_37 {strides = array<i32>} : memref<1280x256xf32, #tpu.memory_space<vmem>>, vector<1280x256xf32>,
    return
  }
  func.func @transform_0(%arg0: i32) -> (i32, i32, i32) {
    %c0_i32 = arith.constant 0 : i32
    %c0_i32_0 = arith.constant 0 : i32
    %c0_i32_1 = arith.constant 0 : i32
    return %c0_i32, %arg0, %c0_i32_0 : i32, i32, i32
  }
  func.func @transform_1(%arg0: i32) -> (i32, i32, i32) {
    %c0_i32 = arith.constant 0 : i32
    %c0_i32_0 = arith.constant 0 : i32
    %c0_i32_1 = arith.constant 0 : i32
    return %c0_i32, %arg0, %c0_i32_0 : i32, i32, i32
  }
  func.func @transform_2(%arg0: i32) -> (i32, i32) {
    %c0_i32 = arith.constant 0 : i32
    %c0_i32_0 = arith.constant 0 : i32
    %c0_i32_1 = arith.constant 0 : i32
    return %c0_i32, %c0_i32_0 : i32, i32
  }
  func.func @transform_3(%arg0: i32) -> (i32, i32) {
    %c0_i32 = arith.constant 0 : i32
    %c0_i32_0 = arith.constant 0 : i32
    return %arg0, %c0_i32 : i32, i32
  }
}

</mosaic_0001>

<sc_bundles>
// kernel: kernel.6.cloned.1.call-start
scs
__scs_entry_jumppad:
0x0: {  	(pc) =	sbr.rel $0x88, $3  }
0x1: {  	(tag) =	ssettag $0x0;
	lr =	simm.s32 $0x1  }
0x2: {  	[smem:$0x3F9D] =	sst lr;
	_ =	strace $0xD0000000  }
0x3: {  	_ = 	snop  }
0x4: {  	_ = 	snop  }
0x5: {  	_ = 	snop  }
0x6: {  	_ = 	snop  }
0x7: {  	_ = 	snop  }
__scs_overlays_trampoline_lowered:
0x8: {  	[smem:$0x3FAC] =	sst s0  }
0x9: {  	[smem:$0x3FAD] =	sst s1  }
0xa: {  	[smem:$0x3FAE] =	sst s2  }
0xb: {  	[smem:$0x3FAF] =	sst s3  }
0xc: {  	[smem:$0x3FB0] =	sst s4  }
0xd: {  	[smem:$0x3FB1] =	sst s5  }
0xe: {  	[smem:$0x3FB2] =	sst s6  }
0xf: {  	[smem:$0x3FB3] =	sst s7  }
0x10: {  	[smem:$0x3FB4] =	sst s8  }
0x11: {  	[smem:$0x3FB5] =	sst s9;
	s0 =	simm.s32 @!p0 $0x0  }
0x12: {  	s1 =	sld [smem:$0x3F9B];
	s0 =	simm.s32 @p0 $0x1  }
0x13: {  	[smem:$0x3FB6] =	sst s0;
	s0 =	simm.s32 @!p1 $0x0  }
0x14: {  	s2 =	sld [smem:$0x3F9A];
	s0 =	simm.s32 @p1 $0x1  }
0x15: {  	[smem:$0x3FB7] =	sst s0;
	s0 =	simm.s32 @!p2 $0x0  }
0x16: {  	s3 =	sld [smem:$0x3FDB];
	s0 =	simm.s32 @p2 $0x1  }
0x17: {  	s4 =	simm.s32 $0x1BF5;
	[smem:$0x3FB9] =	sst s0  }
0x18: {  	s0 =	sld [smem:$0x3F9C];
	_ =	swait.ge [sflag:s4], $0x0  }
0x19: {  	s7 =	sld [smem:$0x3F9D]  }
0x1a: {  	s8 =	sadd.s32 $0xFFFFE003, lr  }
0x1b: {  	s9 =	sadd.s32 $0xFFFFFEF7, lr;
	s5 =	simm.s32 $0xFFFFFFFF;
	p2 =	slt.u32 s8, $0xFFFFF086  }
0x1c: {  	p1 =	slt.u32 s9, $0xF7A;
	s5 =	simm.s32 @!p2 $0x0  }
0x1d: {  	s5 =	simm.s32 @p1 $0x1;
	p0 =	seq.s32 s7, s2  }
0x1e: {  	s7 =	smul.u32 @!p0 $0xF7A, s2;
	p2 =	seq.s32 @!p0 s5, $0x0  }
0x1f: {  	s9 =	smul.u32 $0xF7A, s1;
	s8 =	simm.s32 @!p0 $0x1BF5;
	p2 =	por !p2, p0  }
0x20: {  	[sflag:s8] =	ssyncset.s32 @!p0 $0xFFFFF086;
	s6 =	sadd.s32 @!p0 s3, s7;
	s7 =	simm.s32 @!p0 $0x108  }
0x21: {  	s3 =	sadd.s32 s3, s9;
	s6 =	sadd.s32 @!p0 $0x88, s6;
	s7 =	simm.s32 @p2 $0x1082  }
0x22: {  	[simem:s7], [sflag:s8] =	dma.local @!p0 [hbm:s6], $0xF7A  }
0x23: {  	s9 =	sor.u32 $0xD0000000, s2;
	s6 =	simm.s32 $0x108;
	_ =	swait.ge @!p0 [sflag:s8], $0x0  }
0x24: {  	s3 =	sadd.s32 $0x88, s3;
	s6 =	simm.s32 @!p1 $0x1082;
	[sflag:s4] =	ssyncset.s32 $0xFFFFF086  }
0x25: {  	[simem:s6], [sflag:s4] =	dma.local [hbm:s3], $0xF7A  }
0x26: {  	[smem:$0x3F9D] =	sst s1;
	(tag) =	ssettag s2;
	_ =	strace s9  }
0x27: {  	s1 =	sld [smem:$0x3FAD]  }
0x28: {  	s2 =	sld [smem:$0x3FAE]  }
0x29: {  	s4 =	sld [smem:$0x3FB0]  }
0x2a: {  	p0 =	seq.s32 s5, $0x0;
	s5 =	sld [smem:$0x3FB1]  }
0x2b: {  	s6 =	sld [smem:$0x3FB2]  }
0x2c: {  	s7 =	sld [smem:$0x3FB3]  }
0x2d: {  	s3 =	simm.s32 $0x108;
	s8 =	sld [smem:$0x3FB4]  }
0x2e: {  	s3 =	simm.s32 @!p0 $0x1082;
	s9 =	sld [smem:$0x3FB5]  }
0x2f: {  	lr =	sadd.s32 s0, s3;
	s0 =	sld [smem:$0x3FAC]  }
0x30: {  	s3 =	sld [smem:$0x3FAF]  }
0x31: {  	[smem:$0x3FB8] =	sst s10  }
0x32: {  	s10 =	sld [smem:$0x3FB6];
	_ =	sdelay $0x3  }
0x33: {  	p0 =	seq.s32 s10, $0x1;
	s10 =	sld [smem:$0x3FB8];
	_ =	sdelay $0x3  }
0x34: {  	[smem:$0x3FB8] =	sst s10  }
0x35: {  	s10 =	sld [smem:$0x3FB7];
	_ =	sdelay $0x3  }
0x36: {  	p1 =	seq.s32 s10, $0x1;
	s10 =	sld [smem:$0x3FB8];
	_ =	sdelay $0x3  }
0x37: {  	[smem:$0x3FB8] =	sst s10  }
0x38: {  	s10 =	sld [smem:$0x3FB9]  }
0x39: {  	_ = 	snop;
	(pc) =	sbr.ind lr, $3  }
0x3a: {  	_ = 	snop  }
0x3b: {  	_ = 	snop  }
0x3c: {  	p2 =	seq.s32 s10, $0x1;
	s10 =	sld [smem:$0x3FB8]  }
0x3d: {  	_ =	shalt  }
0x3e: {  	_ =	shalt  }
0x3f: {  	_ =	shalt  }
0x40: {  	_ =	shalt  }
0x41: {  	_ =	shalt  }
0x42: {  	_ =	shalt  }
0x43: {  	_ =	shalt  }
0x44: {  	_ =	shalt  }
0x45: {  	_ =	shalt  }
0x46: {  	_ =	shalt  }
0x47: {  	_ =	shalt  }
0x48: {  	_ =	shalt  }
0x49: {  	_ =	shalt  }
0x4a: {  	_ =	shalt  }
0x4b: {  	_ =	shalt  }
0x4c: {  	_ =	shalt  }
0x4d: {  	_ =	shalt  }
0x4e: {  	_ =	shalt  }
0x4f: {  	_ =	shalt  }
0x50: {  	_ =	shalt  }
0x51: {  	_ =	shalt  }
0x52: {  	_ =	shalt  }
0x53: {  	_ =	shalt  }
0x54: {  	_ =	shalt  }
0x55: {  	_ =	shalt  }
0x56: {  	_ =	shalt  }
0x57: {  	_ =	shalt  }
0x58: {  	_ =	shalt  }
0x59: {  	_ =	shalt  }
0x5a: {  	_ =	shalt  }
0x5b: {  	_ =	shalt  }
0x5c: {  	_ =	shalt  }
0x5d: {  	_ =	shalt  }
0x5e: {  	_ =	shalt  }
0x5f: {  	_ =	shalt  }
0x60: {  	_ =	shalt  }
0x61: {  	_ =	shalt  }
0x62: {  	_ =	shalt  }
0x63: {  	_ =	shalt  }
0x64: {  	_ =	shalt  }
0x65: {  	_ =	shalt  }
0x66: {  	_ =	shalt  }
0x67: {  	_ =	shalt  }
0x68: {  	_ =	shalt  }
0x69: {  	_ =	shalt  }
0x6a: {  	_ =	shalt  }
0x6b: {  	_ =	shalt  }
0x6c: {  	_ =	shalt  }
0x6d: {  	_ =	shalt  }
0x6e: {  	_ =	shalt  }
0x6f: {  	_ =	shalt  }
0x70: {  	_ =	shalt  }
0x71: {  	_ =	shalt  }
0x72: {  	_ =	shalt  }
0x73: {  	_ =	shalt  }
0x74: {  	_ =	shalt  }
0x75: {  	_ =	shalt  }
0x76: {  	_ =	shalt  }
0x77: {  	_ =	shalt  }
0x78: {  	_ =	shalt  }
0x79: {  	_ =	shalt  }
0x7a: {  	_ =	shalt  }
0x7b: {  	_ =	shalt  }
0x7c: {  	_ =	shalt  }
0x7d: {  	_ =	shalt  }
0x7e: {  	_ =	shalt  }
0x7f: {  	_ =	shalt  }
0x80: {  	_ =	shalt  }
0x81: {  	_ =	shalt  }
0x82: {  	_ =	shalt  }
0x83: {  	_ =	shalt  }
0x84: {  	_ =	shalt  }
0x85: {  	_ =	shalt  }
0x86: {  	_ =	shalt  }
0x87: {  	_ =	shalt  }
.Lfunc_end0:
.L_simem_size_0:
called_computation_lowered:
.L_overlay_start_0:
0x88: {  	s2 =	sld [smem:$0x3FD9]  }
0x89: {  	s3 =	sld [smem:$0x3FFE];
	_ =	sdelay $0x1  }
0x8a: {  	s1 =	srdreg.scid  }
0x8b: {  	s0 =	sand.u32 $0x1, s1  }
0x8c: {  	s16 =	sshll.u32 s0, $0xA;
	s2 =	sadd.s32 s3, s2  }
0x8d: {  	s2 =	sadd.s32 s2, s16  }
0x8e: {  	[smem:$0x3FC4] =	sst s2  }
0x8f: {  	_ = 	snop  }
0x90: {  	(tm) =	ssettm $0x1  }
0x91: {  	s17 =	sld [smem:$0x3FFB];
	_ =	sdelay $0x3  }
0x92: {  	_ =	strace s17  }
0x93: {  	s2 =	sld [smem:$0x3FFC];
	_ =	sdelay $0x3  }
0x94: {  	_ =	strace s2  }
0x95: {  	s2 =	sld [smem:$0x3FFD];
	_ =	sdelay $0x3  }
0x96: {  	_ =	strace s2  }
0x97: {  	_ =	strace $0x8FFFFFFF  }
0x98: {  	s18 =	sld [smem:$0x3FDB];
	_ =	sdelay $0x1  }
0x99: {  	s19 =	simm.s32 $_scs_section_size  }
0x9a: {  	s4 =	simm.s32 $_size__tile_overlayer_lowered;
	s5 =	simm.s32 $_tile_overlayer_lowered  }
0x9b: {  	s22 =	simm.s32 $0x1BFF;
	s21 =	sshll.u32 s5, $0x1;
	s2 =	sadd.s32 s19, s18  }
0x9c: {  	s6 =	simm.s32 $0x0;
	s20 =	sshll.u32 s4, $0x1;
	s4 =	sadd.s32 s21, s2  }
0x9d: {  	[timem:s6], [sflag:s22] =	dma.local [hbm:s4], s20  }
0x9e: {  	_ =	swait.ge [sflag:s22], s20  }
0x9f: {  	s3 =	ssub.s32 $0x0, s20;
	[sflag:s22] =	ssyncset.done $0x0  }
0xa0: {  	[sflag:s22] =	ssyncadd.s32 s3;
	_ =	sdelay $0x1  }
0xa1: {  	s23 =	simm.s32 $0x1B8B  }
0xa2: {  	_ =	swait.ge [sflag:s23], $0x1  }
0xa3: {  	[sflag:s23] =	ssyncset.done $0x0  }
0xa4: {  	s25 =	simm.s32 $0x1B8E;
	s24 =	sld [smem:$0x3FFE];
	[sflag:s23] =	ssyncadd.s32 $0xFFFFFFFF  }
0xa5: {  	s26 =	simm.s32 $execute0_lowered;
	[smem:$0x3FD2] =	sst s25  }
0xa6: {  	s4 =	sshll.u32 s26, $0x1;
	_ =	strace $0x80000046;
	[dreg:$0x1] =	wrdreg $0xFFFFFFFF  }
0xa7: {  	s28 =	simm.s32 $_size_execute0_lowered;
	s2 =	sadd.s32 s2, s4;
	[dreg:$0x0] =	wrdreg $0x0  }
0xa8: {  	s4 =	sshll.u32 s28, $0x1;
	[dreg:$0x2] =	wrdreg s2  }
0xa9: {  	[dreg:$0x3] =	wrdreg s4  }
0xaa: {  	[dreg:$0x4] =	wrdreg $0xC0  }
0xab: {  	_ =	task [dreg:s6], $0x5FFFF  }
0xac: {  	[dreg:$0x1] =	wrdreg $0xFFFFFFFF  }
0xad: {  	[dreg:$0x0] =	wrdreg $0x60  }
0xae: {  	[dreg:$0x2] =	wrdreg s24  }
0xaf: {  	[dreg:$0x3] =	wrdreg $0x54000  }
0xb0: {  	[dreg:$0x4] =	wrdreg $0x9  }
0xb1: {  	_ =	task.clear_ibuf [dreg:s6], $0x5FFFF;
	_ =	strace $0x90000046  }
0xb2: {  	s29 =	simm.s32 $0x9;
	_ =	strace $0x80000048  }
0xb3: {  	_ =	swait.ge [sflag:s29], $0x1  }
0xb4: {  	[sflag:s29] =	ssyncadd.s32 $0xFFFFFFFF  }
0xb5: {  	_ =	strace $0x90000048  }
0xb6: {  	_ =	sfence  }
0xb7: {  	s30 =	sld [smem:$0x0];
	_ =	sdelay $0x2  }
0xb8: {  	s31 =	sshll.u32 s1, $0xD;
	s1 =	sshrl.u32 s1, $0x2  }
0xb9: {  	s3 =	sand.u32 $0x4000, s31;
	s1 =	sadd.s32 s1, s30  }
0xba: {  	s0 =	sor.u32 s3, s0;
	s1 =	sshll.u32 s1, $0x11  }
0xbb: {  	s0 =	sor.u32 s1, s0  }
0xbc: {  	s0 =	sadd.s32 $0x8F2B, s0  }
0xbd: {  	[sflag:s0] =	ssyncadd.remote.s32 $0x1  }
0xbe: {  	_ =	sfence.sel $0xFFFF  }
0xbf: {  	[dreg:$0x0] =	wrdreg $0xFFFFFFFF;
	(pc) =	sbr.abs _section_cstart, $3  }
0xc0: {  	[dreg:$0x1] =	wrdreg $0xFFFFFFFF  }
0xc1: {  	_ =	task.clear_ibuf [dreg:s6], $0x2FFFF;
	_ =	strace $0x9FFFFFFF  }
0xc2: {  	(tm) =	ssettm $0x7FFFFFFF  }
0xc3: {  	_ =	shalt  }
tec
execute0_lowered:
.L_overlay_start_1:
0x0: {  	(tag) =	ssettag $0x1  }
0x1: {  	s0 =	srdreg.scid;
	s6 =	rddreg [dreg:$0x0]  }
0x2: {  	s11 =	stileid.u32;
	s2 =	rddreg [dreg:$0x1]  }
0x3: {  	s3 =	simm.s32 $0x0;
	s12 =	simm.s32 $0x1400;
	s13 =	simm.s32 $0x80  }
0x4: {  	s17 =	simm.s32 $0xC00;
	s18 =	simm.s32 $0xC80;
	s19 =	simm.s32 $0xD00  }
0x5: {  	s20 =	simm.s32 $0xD80;
	s21 =	simm.s32 $0xE00;
	s22 =	simm.s32 $0xE80  }
0x6: {  	s23 =	simm.s32 $0xF00;
	s28 =	simm.s32 $0x1100;
	s29 =	simm.s32 $0x1180  }
0x7: {  	s30 =	simm.s32 $0x1200;
	s31 =	simm.s32 $0x1280;
	s14 =	simm.s32 $0x1  }
0x8: {  	s15 =	simm.s32 $0x0;
	s0 =	sand.u32 $0x1, s0;
	s7 =	smul.u32 $0x14000, s11  }
0x9: {  	[smem:$0x7FF] =	sst s3;
	s4 =	sadd.s32 $0x6E00, s6;
	s8 =	smul.u32 $0x50000, s11  }
0xa: {  	s26 =	sshll.u32 s11, $0x6;
	s1 =	sshll.u32 s0, $0x4;
	s5 =	smul.u32 $0x140000, s0  }
0xb: {  	_ =	strace $0x80000047;
	s0 =	ssub.s32 $0x2, s0;
	s1 =	sor.u32 s11, s1  }
0xc: {  	s24 =	sshrl.u32 s0, $0x1;
	s25 =	sshrl.u32 s8, $0x2;
	s11 =	simm.s32 $0x2  }
0xd: {  	s1 =	smul.u32 $0x280, s1;
	s7 =	sadd.s32 s7, s5;
	s5 =	sadd.s32 $0x6600, s6  }
0xe: {  	s0 =	ssub.s32 s0, s24;
	s10 =	sadd.s32 s25, s2;
	s24 =	simm.s32 $0xF80  }
0xf: {  	s25 =	simm.s32 $0x1000;
	s7 =	sshrl.u32 s7, $0x3;
	s10 =	sshrl.u32 s10, $0x3  }
0x10: {  	s1 =	sadd.s32 s1, s6;
	s9 =	sadd.s32 s7, s6;
	s6 =	sor.u32 $0x1C02, s26  }
0x11: {  	s26 =	simm.s32 $0x1080;
	s7 =	sadd.s32 $0x1600, s1;
	s8 =	sadd.s32 $0x9600, s9  }
0x12: {  	s9 =	smax.u32 s0, $0x1;
	s1 =	simm.s32 $0x1300;
	s0 =	simm.s32 $0x1380  }
.LBB2_1:
0x13: {  	[spmem:s10], [sflag:s6] =	dma.local [hbm:s4], $0x2800  }
0x14: {  	_ =	swait.ge [sflag:s11], $0x2800  }
0x15: {  	[sflag:s11] =	ssyncset.done $0x0  }
0x16: {  	[sflag:s11] =	ssyncadd.s32 $0xFFFFD800  }
0x17: {  	[tilespmem:s12], [sflag:$0x2] =	stream.linear.gather [hbm4b:s5+s3], $0x4000, $0x38;
	[tilespmem:$0x19400] =	vst v63  }
0x18: {  	_ =	swait.ge [sflag:s11], $0x4000  }
0x19: {  	[sflag:s11] =	ssyncset.done $0x0  }
0x1a: {  	[sflag:s11] =	ssyncadd.s32 $0xFFFFC000  }
0x1b: {  	[tilespmem:s3], [sflag:$0x2] =	stream.linear.gather [hbm4b:s7+s3], $0x1400, $0x38;
	[tilespmem:$0x19400] =	vst v63  }
0x1c: {  	_ =	swait.ge [sflag:s11], $0x1400  }
0x1d: {  	[sflag:s11] =	ssyncset.done $0x0  }
0x1e: {  	[sflag:s11] =	ssyncadd.s32 $0xFFFFEC00  }
0x1f: {  	[bflag:$0x0] =	sbarrier.arrive $0xFFFF  }
0x20: {  	[spmem:s2] =	stream.indirect.scatter.add.f32 [tilespmem:s12], [sflag:$0x1], $0x80, s3, s13, $0xb8;
	[tilespmem:$0x19400] =	vst v63  }
0x21: {  	_ = 	snop  }
0x22: {  	[spmem:s2] =	stream.indirect.scatter.add.f32 [tilespmem:s12], [sflag:$0x1], $0x80, s13, s13, $0xb8;
	[tilespmem:$0x19400] =	vst v63  }
0x23: {  	s16 =	simm.s32 $0x100  }
0x24: {  	[spmem:s2] =	stream.indirect.scatter.add.f32 [tilespmem:s12], [sflag:$0x1], $0x80, s16, s13, $0xb8;
	[tilespmem:$0x19400] =	vst v63  }
0x25: {  	s16 =	simm.s32 $0x180  }
0x26: {  	[spmem:s2] =	stream.indirect.scatter.add.f32 [tilespmem:s12], [sflag:$0x1], $0x80, s16, s13, $0xb8;
	[tilespmem:$0x19400] =	vst v63  }
0x27: {  	s16 =	simm.s32 $0x200  }
0x28: {  	[spmem:s2] =	stream.indirect.scatter.add.f32 [tilespmem:s12], [sflag:$0x1], $0x80, s16, s13, $0xb8;
	[tilespmem:$0x19400] =	vst v63  }
0x29: {  	s16 =	simm.s32 $0x280  }
0x2a: {  	[spmem:s2] =	stream.indirect.scatter.add.f32 [tilespmem:s12], [sflag:$0x1], $0x80, s16, s13, $0xb8;
	[tilespmem:$0x19400] =	vst v63  }
0x2b: {  	s16 =	simm.s32 $0x300  }
0x2c: {  	[spmem:s2] =	stream.indirect.scatter.add.f32 [tilespmem:s12], [sflag:$0x1], $0x80, s16, s13, $0xb8;
	[tilespmem:$0x19400] =	vst v63  }
0x2d: {  	s16 =	simm.s32 $0x380  }
0x2e: {  	[spmem:s2] =	stream.indirect.scatter.add.f32 [tilespmem:s12], [sflag:$0x1], $0x80, s16, s13, $0xb8;
	[tilespmem:$0x19400] =	vst v63  }
0x2f: {  	s16 =	simm.s32 $0x400  }
0x30: {  	[spmem:s2] =	stream.indirect.scatter.add.f32 [tilespmem:s12], [sflag:$0x1], $0x80, s16, s13, $0xb8;
	[tilespmem:$0x19400] =	vst v63  }
0x31: {  	s16 =	simm.s32 $0x480  }
0x32: {  	[spmem:s2] =	stream.indirect.scatter.add.f32 [tilespmem:s12], [sflag:$0x1], $0x80, s16, s13, $0xb8;
	[tilespmem:$0x19400] =	vst v63  }
0x33: {  	s16 =	simm.s32 $0x500  }
0x34: {  	[spmem:s2] =	stream.indirect.scatter.add.f32 [tilespmem:s12], [sflag:$0x1], $0x80, s16, s13, $0xb8;
	[tilespmem:$0x19400] =	vst v63  }
0x35: {  	s16 =	simm.s32 $0x580  }
0x36: {  	[spmem:s2] =	stream.indirect.scatter.add.f32 [tilespmem:s12], [sflag:$0x1], $0x80, s16, s13, $0xb8;
	[tilespmem:$0x19400] =	vst v63  }
0x37: {  	s16 =	simm.s32 $0x600  }
0x38: {  	[spmem:s2] =	stream.indirect.scatter.add.f32 [tilespmem:s12], [sflag:$0x1], $0x80, s16, s13, $0xb8;
	[tilespmem:$0x19400] =	vst v63  }
0x39: {  	s16 =	simm.s32 $0x680  }
0x3a: {  	[spmem:s2] =	stream.indirect.scatter.add.f32 [tilespmem:s12], [sflag:$0x1], $0x80, s16, s13, $0xb8;
	[tilespmem:$0x19400] =	vst v63  }
0x3b: {  	s16 =	simm.s32 $0x700  }
0x3c: {  	[spmem:s2] =	stream.indirect.scatter.add.f32 [tilespmem:s12], [sflag:$0x1], $0x80, s16, s13, $0xb8;
	[tilespmem:$0x19400] =	vst v63  }
0x3d: {  	s16 =	simm.s32 $0x780  }
0x3e: {  	[spmem:s2] =	stream.indirect.scatter.add.f32 [tilespmem:s12], [sflag:$0x1], $0x80, s16, s13, $0xb8;
	[tilespmem:$0x19400] =	vst v63  }
0x3f: {  	s16 =	simm.s32 $0x800  }
0x40: {  	[spmem:s2] =	stream.indirect.scatter.add.f32 [tilespmem:s12], [sflag:$0x1], $0x80, s16, s13, $0xb8;
	[tilespmem:$0x19400] =	vst v63  }
0x41: {  	s16 =	simm.s32 $0x880  }
0x42: {  	[spmem:s2] =	stream.indirect.scatter.add.f32 [tilespmem:s12], [sflag:$0x1], $0x80, s16, s13, $0xb8;
	[tilespmem:$0x19400] =	vst v63  }
0x43: {  	s16 =	simm.s32 $0x900  }
0x44: {  	[spmem:s2] =	stream.indirect.scatter.add.f32 [tilespmem:s12], [sflag:$0x1], $0x80, s16, s13, $0xb8;
	[tilespmem:$0x19400] =	vst v63  }
0x45: {  	s16 =	simm.s32 $0x980  }
0x46: {  	[spmem:s2] =	stream.indirect.scatter.add.f32 [tilespmem:s12], [sflag:$0x1], $0x80, s16, s13, $0xb8;
	[tilespmem:$0x19400] =	vst v63  }
0x47: {  	s16 =	simm.s32 $0xA00  }
0x48: {  	[spmem:s2] =	stream.indirect.scatter.add.f32 [tilespmem:s12], [sflag:$0x1], $0x80, s16, s13, $0xb8;
	[tilespmem:$0x19400] =	vst v63  }
0x49: {  	s16 =	simm.s32 $0xA80  }
0x4a: {  	[spmem:s2] =	stream.indirect.scatter.add.f32 [tilespmem:s12], [sflag:$0x1], $0x80, s16, s13, $0xb8;
	[tilespmem:$0x19400] =	vst v63  }
0x4b: {  	s16 =	simm.s32 $0xB00  }
0x4c: {  	[spmem:s2] =	stream.indirect.scatter.add.f32 [tilespmem:s12], [sflag:$0x1], $0x80, s16, s13, $0xb8;
	[tilespmem:$0x19400] =	vst v63  }
0x4d: {  	s16 =	simm.s32 $0xB80  }
0x4e: {  	[spmem:s2] =	stream.indirect.scatter.add.f32 [tilespmem:s12], [sflag:$0x1], $0x80, s16, s13, $0xb8;
	[tilespmem:$0x19400] =	vst v63  }
0x4f: {  	_ = 	snop  }
0x50: {  	[spmem:s2] =	stream.indirect.scatter.add.f32 [tilespmem:s12], [sflag:$0x1], $0x80, s17, s13, $0xb8;
	[tilespmem:$0x19400] =	vst v63  }
0x51: {  	_ = 	snop  }
0x52: {  	[spmem:s2] =	stream.indirect.scatter.add.f32 [tilespmem:s12], [sflag:$0x1], $0x80, s18, s13, $0xb8;
	[tilespmem:$0x19400] =	vst v63  }
0x53: {  	_ = 	snop  }
0x54: {  	[spmem:s2] =	stream.indirect.scatter.add.f32 [tilespmem:s12], [sflag:$0x1], $0x80, s19, s13, $0xb8;
	[tilespmem:$0x19400] =	vst v63  }
0x55: {  	_ = 	snop  }
0x56: {  	[spmem:s2] =	stream.indirect.scatter.add.f32 [tilespmem:s12], [sflag:$0x1], $0x80, s20, s13, $0xb8;
	[tilespmem:$0x19400] =	vst v63  }
0x57: {  	_ = 	snop  }
0x58: {  	[spmem:s2] =	stream.indirect.scatter.add.f32 [tilespmem:s12], [sflag:$0x1], $0x80, s21, s13, $0xb8;
	[tilespmem:$0x19400] =	vst v63  }
0x59: {  	_ = 	snop  }
0x5a: {  	[spmem:s2] =	stream.indirect.scatter.add.f32 [tilespmem:s12], [sflag:$0x1], $0x80, s22, s13, $0xb8;
	[tilespmem:$0x19400] =	vst v63  }
0x5b: {  	_ = 	snop  }
0x5c: {  	[spmem:s2] =	stream.indirect.scatter.add.f32 [tilespmem:s12], [sflag:$0x1], $0x80, s23, s13, $0xb8;
	[tilespmem:$0x19400] =	vst v63  }
0x5d: {  	_ = 	snop  }
0x5e: {  	[spmem:s2] =	stream.indirect.scatter.add.f32 [tilespmem:s12], [sflag:$0x1], $0x80, s24, s13, $0xb8;
	[tilespmem:$0x19400] =	vst v63  }
0x5f: {  	_ = 	snop  }
0x60: {  	[spmem:s2] =	stream.indirect.scatter.add.f32 [tilespmem:s12], [sflag:$0x1], $0x80, s25, s13, $0xb8;
	[tilespmem:$0x19400] =	vst v63  }
0x61: {  	_ = 	snop  }
0x62: {  	[spmem:s2] =	stream.indirect.scatter.add.f32 [tilespmem:s12], [sflag:$0x1], $0x80, s26, s13, $0xb8;
	[tilespmem:$0x19400] =	vst v63  }
0x63: {  	_ = 	snop  }
0x64: {  	[spmem:s2] =	stream.indirect.scatter.add.f32 [tilespmem:s12], [sflag:$0x1], $0x80, s28, s13, $0xb8;
	[tilespmem:$0x19400] =	vst v63  }
0x65: {  	_ = 	snop  }
0x66: {  	[spmem:s2] =	stream.indirect.scatter.add.f32 [tilespmem:s12], [sflag:$0x1], $0x80, s29, s13, $0xb8;
	[tilespmem:$0x19400] =	vst v63  }
0x67: {  	_ = 	snop  }
0x68: {  	[spmem:s2] =	stream.indirect.scatter.add.f32 [tilespmem:s12], [sflag:$0x1], $0x80, s30, s13, $0xb8;
	[tilespmem:$0x19400] =	vst v63  }
0x69: {  	_ = 	snop  }
0x6a: {  	[spmem:s2] =	stream.indirect.scatter.add.f32 [tilespmem:s12], [sflag:$0x1], $0x80, s31, s13, $0xb8;
	[tilespmem:$0x19400] =	vst v63  }
0x6b: {  	_ = 	snop  }
0x6c: {  	[spmem:s2] =	stream.indirect.scatter.add.f32 [tilespmem:s12], [sflag:$0x1], $0x80, s1, s13, $0xb8;
	[tilespmem:$0x19400] =	vst v63  }
0x6d: {  	_ = 	snop  }
0x6e: {  	[spmem:s2] =	stream.indirect.scatter.add.f32 [tilespmem:s12], [sflag:$0x1], $0x80, s0, s13, $0xb8;
	[tilespmem:$0x19400] =	vst v63  }
0x6f: {  	_ =	swait.ge [sflag:s14], $0x4000  }
0x70: {  	s16 =	simm.s32 $0x27;
	[sflag:s14] =	ssyncset.done $0x0  }
.LBB2_2:
0x71: {  	p0 =	sne.s32 s16, $0x1;
	s16 =	sadd.s32 $0xFFFFFFFF, s16;
	[sflag:s14] =	ssyncadd.s32 $0xFFFFC000  }
.Ltmp0:
0x72: {  	(pc) =	sbr.rel @p0 .LBB2_2-.Ltmp0, $3  }
0x73: {  	_ =	sdelay $0x1  }
0x74: {  	_ =	swait.ge [sflag:s14], $0x4000  }
0x75: {  	[sflag:s14] =	ssyncset.done $0x0  }
0x76: {  	s15 =	sadd.s32 $0x1, s15  }
0x77: {  	[sflag:s14] =	ssyncadd.s32 $0xFFFFC000;
	p0 =	sne.s32 s15, s9  }
.Ltmp1:
0x78: {  	[bflag:$0x0] =	sbarrier.arrive $0xFFFF;
	(pc) =	sbr.rel @p0 .LBB2_1-.Ltmp1, $4  }
0x79: {  	[hbm:s8], [sflag:s6] =	dma.local [spmem:s10], $0x2800  }
0x7a: {  	_ =	swait.ge [sflag:s11], $0x2800  }
0x7b: {  	[sflag:s11] =	ssyncset.done $0x0  }
0x7c: {  	[sflag:s11] =	ssyncadd.s32 $0xFFFFD800  }
0x7d: {  	_ =	sfence.sel $0x180000  }
0x7e: {  	[bflag:$0x0] =	sbarrier.arrive $0xFFFF  }
0x7f: {  	_ =	strace $0x90000047  }
0x80: {  	s0 =	stileid.u32;
	[bflag:$0x2] =	sbarrier.arrive $0xFFFF  }
0x81: {  	p0 =	sne.s32 s0, $0x0;
	s0 =	rddreg [dreg:$0x2]  }
0x82: {  	s0 =	sadd.s32 @!p0 $0x100000, s0  }
0x83: {  	[sflag:s0] =	ssyncadd.tile.s32 @!p0 $0x1;
	_ =	shalt  }
.Lfunc_end2:
_tile_overlayer_lowered:
.L_overlay_start_2:
0x84: {  	(tag) =	ssettag $0x2  }
0x85: {  	s0 =	rddreg [dreg:$0x0];
	s2 =	stileid.u32  }
0x86: {  	s1 =	rddreg [dreg:$0x1];
	p0 =	sne.s32 s2, $0x0  }
0x87: {  	s3 =	rddreg [dreg:$0x2];
	[bflag:$0x3] =	sbarrier.arrive $0xFFFF;
	s2 =	simm.s32 @!p0 $0x1C02  }
0x88: {  	[timem:s3], [sflag:s2] =	dma.local @!p0 [hbm:s0], s1  }
0x89: {  	s0 =	simm.s32 @!p0 $0x2  }
0x8a: {  	_ =	swait.ge @!p0 [sflag:s0], s1  }
0x8b: {  	s1 =	ssub.s32 @!p0 $0x0, s1;
	[sflag:s0] =	ssyncset.done @!p0 $0x0  }
0x8c: {  	[sflag:s0] =	ssyncadd.s32 @!p0 s1  }
0x8d: {  	[bflag:$0x3] =	sbarrier.arrive $0xFFFF  }
0x8e: {  	_ =	shalt  }

// kernel: kernel.9.cloned.1.call-start
scs
__scs_entry_jumppad:
0x0: {  	(pc) =	sbr.rel $0x88, $3  }
0x1: {  	(tag) =	ssettag $0x0;
	lr =	simm.s32 $0x1  }
0x2: {  	[smem:$0x3F9D] =	sst lr;
	_ =	strace $0xD0000000  }
0x3: {  	_ = 	snop  }
0x4: {  	_ = 	snop  }
0x5: {  	_ = 	snop  }
0x6: {  	_ = 	snop  }
0x7: {  	_ = 	snop  }
__scs_overlays_trampoline_lowered:
0x8: {  	[smem:$0x3FAC] =	sst s0  }
0x9: {  	[smem:$0x3FAD] =	sst s1  }
0xa: {  	[smem:$0x3FAE] =	sst s2  }
0xb: {  	[smem:$0x3FAF] =	sst s3  }
0xc: {  	[smem:$0x3FB0] =	sst s4  }
0xd: {  	[smem:$0x3FB1] =	sst s5  }
0xe: {  	[smem:$0x3FB2] =	sst s6  }
0xf: {  	[smem:$0x3FB3] =	sst s7  }
0x10: {  	[smem:$0x3FB4] =	sst s8  }
0x11: {  	[smem:$0x3FB5] =	sst s9;
	s0 =	simm.s32 @!p0 $0x0  }
0x12: {  	s1 =	sld [smem:$0x3F9B];
	s0 =	simm.s32 @p0 $0x1  }
0x13: {  	[smem:$0x3FB6] =	sst s0;
	s0 =	simm.s32 @!p1 $0x0  }
0x14: {  	s2 =	sld [smem:$0x3F9A];
	s0 =	simm.s32 @p1 $0x1  }
0x15: {  	[smem:$0x3FB7] =	sst s0;
	s0 =	simm.s32 @!p2 $0x0  }
0x16: {  	s3 =	sld [smem:$0x3FDB];
	s0 =	simm.s32 @p2 $0x1  }
0x17: {  	s4 =	simm.s32 $0x1BF5;
	[smem:$0x3FB9] =	sst s0  }
0x18: {  	s0 =	sld [smem:$0x3F9C];
	_ =	swait.ge [sflag:s4], $0x0  }
0x19: {  	s7 =	sld [smem:$0x3F9D]  }
0x1a: {  	s8 =	sadd.s32 $0xFFFFE003, lr  }
0x1b: {  	s9 =	sadd.s32 $0xFFFFFEF7, lr;
	s5 =	simm.s32 $0xFFFFFFFF;
	p2 =	slt.u32 s8, $0xFFFFF086  }
0x1c: {  	p1 =	slt.u32 s9, $0xF7A;
	s5 =	simm.s32 @!p2 $0x0  }
0x1d: {  	s5 =	simm.s32 @p1 $0x1;
	p0 =	seq.s32 s7, s2  }
0x1e: {  	s7 =	smul.u32 @!p0 $0xF7A, s2;
	p2 =	seq.s32 @!p0 s5, $0x0  }
0x1f: {  	s9 =	smul.u32 $0xF7A, s1;
	s8 =	simm.s32 @!p0 $0x1BF5;
	p2 =	por !p2, p0  }
0x20: {  	[sflag:s8] =	ssyncset.s32 @!p0 $0xFFFFF086;
	s6 =	sadd.s32 @!p0 s3, s7;
	s7 =	simm.s32 @!p0 $0x108  }
0x21: {  	s3 =	sadd.s32 s3, s9;
	s6 =	sadd.s32 @!p0 $0x88, s6;
	s7 =	simm.s32 @p2 $0x1082  }
0x22: {  	[simem:s7], [sflag:s8] =	dma.local @!p0 [hbm:s6], $0xF7A  }
0x23: {  	s9 =	sor.u32 $0xD0000000, s2;
	s6 =	simm.s32 $0x108;
	_ =	swait.ge @!p0 [sflag:s8], $0x0  }
0x24: {  	s3 =	sadd.s32 $0x88, s3;
	s6 =	simm.s32 @!p1 $0x1082;
	[sflag:s4] =	ssyncset.s32 $0xFFFFF086  }
0x25: {  	[simem:s6], [sflag:s4] =	dma.local [hbm:s3], $0xF7A  }
0x26: {  	[smem:$0x3F9D] =	sst s1;
	(tag) =	ssettag s2;
	_ =	strace s9  }
0x27: {  	s1 =	sld [smem:$0x3FAD]  }
0x28: {  	s2 =	sld [smem:$0x3FAE]  }
0x29: {  	s4 =	sld [smem:$0x3FB0]  }
0x2a: {  	p0 =	seq.s32 s5, $0x0;
	s5 =	sld [smem:$0x3FB1]  }
0x2b: {  	s6 =	sld [smem:$0x3FB2]  }
0x2c: {  	s7 =	sld [smem:$0x3FB3]  }
0x2d: {  	s3 =	simm.s32 $0x108;
	s8 =	sld [smem:$0x3FB4]  }
0x2e: {  	s3 =	simm.s32 @!p0 $0x1082;
	s9 =	sld [smem:$0x3FB5]  }
0x2f: {  	lr =	sadd.s32 s0, s3;
	s0 =	sld [smem:$0x3FAC]  }
0x30: {  	s3 =	sld [smem:$0x3FAF]  }
0x31: {  	[smem:$0x3FB8] =	sst s10  }
0x32: {  	s10 =	sld [smem:$0x3FB6];
	_ =	sdelay $0x3  }
0x33: {  	p0 =	seq.s32 s10, $0x1;
	s10 =	sld [smem:$0x3FB8];
	_ =	sdelay $0x3  }
0x34: {  	[smem:$0x3FB8] =	sst s10  }
0x35: {  	s10 =	sld [smem:$0x3FB7];
	_ =	sdelay $0x3  }
0x36: {  	p1 =	seq.s32 s10, $0x1;
	s10 =	sld [smem:$0x3FB8];
	_ =	sdelay $0x3  }
0x37: {  	[smem:$0x3FB8] =	sst s10  }
0x38: {  	s10 =	sld [smem:$0x3FB9]  }
0x39: {  	_ = 	snop;
	(pc) =	sbr.ind lr, $3  }
0x3a: {  	_ = 	snop  }
0x3b: {  	_ = 	snop  }
0x3c: {  	p2 =	seq.s32 s10, $0x1;
	s10 =	sld [smem:$0x3FB8]  }
0x3d: {  	_ =	shalt  }
0x3e: {  	_ =	shalt  }
0x3f: {  	_ =	shalt  }
0x40: {  	_ =	shalt  }
0x41: {  	_ =	shalt  }
0x42: {  	_ =	shalt  }
0x43: {  	_ =	shalt  }
0x44: {  	_ =	shalt  }
0x45: {  	_ =	shalt  }
0x46: {  	_ =	shalt  }
0x47: {  	_ =	shalt  }
0x48: {  	_ =	shalt  }
0x49: {  	_ =	shalt  }
0x4a: {  	_ =	shalt  }
0x4b: {  	_ =	shalt  }
0x4c: {  	_ =	shalt  }
0x4d: {  	_ =	shalt  }
0x4e: {  	_ =	shalt  }
0x4f: {  	_ =	shalt  }
0x50: {  	_ =	shalt  }
0x51: {  	_ =	shalt  }
0x52: {  	_ =	shalt  }
0x53: {  	_ =	shalt  }
0x54: {  	_ =	shalt  }
0x55: {  	_ =	shalt  }
0x56: {  	_ =	shalt  }
0x57: {  	_ =	shalt  }
0x58: {  	_ =	shalt  }
0x59: {  	_ =	shalt  }
0x5a: {  	_ =	shalt  }
0x5b: {  	_ =	shalt  }
0x5c: {  	_ =	shalt  }
0x5d: {  	_ =	shalt  }
0x5e: {  	_ =	shalt  }
0x5f: {  	_ =	shalt  }
0x60: {  	_ =	shalt  }
0x61: {  	_ =	shalt  }
0x62: {  	_ =	shalt  }
0x63: {  	_ =	shalt  }
0x64: {  	_ =	shalt  }
0x65: {  	_ =	shalt  }
0x66: {  	_ =	shalt  }
0x67: {  	_ =	shalt  }
0x68: {  	_ =	shalt  }
0x69: {  	_ =	shalt  }
0x6a: {  	_ =	shalt  }
0x6b: {  	_ =	shalt  }
0x6c: {  	_ =	shalt  }
0x6d: {  	_ =	shalt  }
0x6e: {  	_ =	shalt  }
0x6f: {  	_ =	shalt  }
0x70: {  	_ =	shalt  }
0x71: {  	_ =	shalt  }
0x72: {  	_ =	shalt  }
0x73: {  	_ =	shalt  }
0x74: {  	_ =	shalt  }
0x75: {  	_ =	shalt  }
0x76: {  	_ =	shalt  }
0x77: {  	_ =	shalt  }
0x78: {  	_ =	shalt  }
0x79: {  	_ =	shalt  }
0x7a: {  	_ =	shalt  }
0x7b: {  	_ =	shalt  }
0x7c: {  	_ =	shalt  }
0x7d: {  	_ =	shalt  }
0x7e: {  	_ =	shalt  }
0x7f: {  	_ =	shalt  }
0x80: {  	_ =	shalt  }
0x81: {  	_ =	shalt  }
0x82: {  	_ =	shalt  }
0x83: {  	_ =	shalt  }
0x84: {  	_ =	shalt  }
0x85: {  	_ =	shalt  }
0x86: {  	_ =	shalt  }
0x87: {  	_ =	shalt  }
.Lfunc_end0:
.L_simem_size_0:
called_computation.1_lowered:
.L_overlay_start_0:
0x88: {  	s2 =	sld [smem:$0x3FD9]  }
0x89: {  	s3 =	sld [smem:$0x3FFE];
	_ =	sdelay $0x1  }
0x8a: {  	s1 =	srdreg.scid  }
0x8b: {  	s0 =	sand.u32 $0x1, s1  }
0x8c: {  	s17 =	sshll.u32 s0, $0xA;
	s2 =	sadd.s32 s3, s2  }
0x8d: {  	s2 =	sadd.s32 s2, s17  }
0x8e: {  	[smem:$0x3FC4] =	sst s2  }
0x8f: {  	_ = 	snop  }
0x90: {  	s2 =	sld [smem:$0x3FD0];
	(tm) =	ssettm $0x1  }
0x91: {  	s18 =	sld [smem:$0x3FFB];
	_ =	sdelay $0x3  }
0x92: {  	_ =	strace s18  }
0x93: {  	s3 =	sld [smem:$0x3FFC];
	_ =	sdelay $0x3  }
0x94: {  	_ =	strace s3  }
0x95: {  	s3 =	sld [smem:$0x3FFD];
	_ =	sdelay $0x3  }
0x96: {  	_ =	strace s3  }
0x97: {  	_ =	strace $0x8FFFFFFF  }
0x98: {  	s19 =	sld [smem:$0x3FDB];
	_ =	sdelay $0x1  }
0x99: {  	s4 =	simm.s32 $_scs_section_size  }
0x9a: {  	s5 =	simm.s32 $_size__tile_overlayer_lowered;
	s6 =	simm.s32 $_tile_overlayer_lowered  }
0x9b: {  	s22 =	simm.s32 $0x1BFF;
	s21 =	sshll.u32 s6, $0x1;
	s3 =	sadd.s32 s4, s19  }
0x9c: {  	s7 =	simm.s32 $0x0;
	s20 =	sshll.u32 s5, $0x1;
	s5 =	sadd.s32 s21, s3  }
0x9d: {  	[timem:s7], [sflag:s22] =	dma.local [hbm:s5], s20  }
0x9e: {  	_ =	swait.ge [sflag:s22], s20  }
0x9f: {  	s4 =	ssub.s32 $0x0, s20;
	[sflag:s22] =	ssyncset.done $0x0  }
0xa0: {  	[sflag:s22] =	ssyncadd.s32 s4;
	_ =	sdelay $0x1  }
0xa1: {  	s23 =	simm.s32 $0x1B8B  }
0xa2: {  	_ =	swait.ge [sflag:s23], $0x1  }
0xa3: {  	[sflag:s23] =	ssyncset.done $0x0  }
0xa4: {  	s25 =	simm.s32 $0x1B8E;
	s24 =	sld [smem:$0x3FFE];
	[sflag:s23] =	ssyncadd.s32 $0xFFFFFFFF  }
0xa5: {  	s26 =	simm.s32 $execute0_lowered;
	[smem:$0x3FD2] =	sst s25  }
0xa6: {  	s5 =	sshll.u32 s26, $0x1;
	_ =	strace $0x80000049;
	[dreg:$0x1] =	wrdreg $0xFFFFFFFF  }
0xa7: {  	s28 =	simm.s32 $_size_execute0_lowered;
	s3 =	sadd.s32 s3, s5;
	[dreg:$0x0] =	wrdreg $0x0  }
0xa8: {  	s5 =	sshll.u32 s28, $0x1;
	[dreg:$0x2] =	wrdreg s3  }
0xa9: {  	[dreg:$0x3] =	wrdreg s5  }
0xaa: {  	[dreg:$0x4] =	wrdreg $0xC0  }
0xab: {  	_ =	task [dreg:s7], $0x5FFFF  }
0xac: {  	[dreg:$0x1] =	wrdreg $0xFFFFFFFF  }
0xad: {  	[dreg:$0x0] =	wrdreg $0x60  }
0xae: {  	[dreg:$0x2] =	wrdreg s24  }
0xaf: {  	[dreg:$0x3] =	wrdreg s2  }
0xb0: {  	[dreg:$0x4] =	wrdreg $0x8C000  }
0xb1: {  	[dreg:$0x5] =	wrdreg $0x9  }
0xb2: {  	_ =	task.clear_ibuf [dreg:s7], $0x6FFFF;
	_ =	strace $0x90000049  }
0xb3: {  	s29 =	simm.s32 $0x9;
	_ =	strace $0x8000004B  }
0xb4: {  	_ =	swait.ge [sflag:s29], $0x1  }
0xb5: {  	[sflag:s29] =	ssyncadd.s32 $0xFFFFFFFF  }
0xb6: {  	_ =	strace $0x9000004B  }
0xb7: {  	_ =	sfence  }
0xb8: {  	s30 =	sld [smem:$0x0];
	_ =	sdelay $0x2  }
0xb9: {  	s31 =	sshll.u32 s1, $0xD;
	s1 =	sshrl.u32 s1, $0x2  }
0xba: {  	s3 =	sand.u32 $0x4000, s31;
	s1 =	sadd.s32 s1, s30  }
0xbb: {  	s0 =	sor.u32 s3, s0;
	s1 =	sshll.u32 s1, $0x11  }
0xbc: {  	s0 =	sor.u32 s1, s0  }
0xbd: {  	s0 =	sadd.s32 $0x8F2B, s0  }
0xbe: {  	[sflag:s0] =	ssyncadd.remote.s32 $0x1  }
0xbf: {  	_ =	sfence.sel $0xFFFF  }
0xc0: {  	[dreg:$0x0] =	wrdreg $0xFFFFFFFF;
	(pc) =	sbr.abs _section_cstart, $3  }
0xc1: {  	[dreg:$0x1] =	wrdreg $0xFFFFFFFF  }
0xc2: {  	_ =	task.clear_ibuf [dreg:s7], $0x2FFFF;
	_ =	strace $0x9FFFFFFF  }
0xc3: {  	(tm) =	ssettm $0x7FFFFFFF  }
tec
execute0_lowered:
.L_overlay_start_1:
0x0: {  	(tag) =	ssettag $0x1  }
0x1: {  	s0 =	rddreg [dreg:$0x0]  }
0x2: {  	s1 =	rddreg [dreg:$0x1]  }
0x3: {  	s2 =	rddreg [dreg:$0x2];
	s3 =	srdreg.scid  }
0x4: {  	s4 =	simm.s32 $0x0;
	s10 =	stileid.u32;
	s14 =	simm.s32 $0xB  }
0x5: {  	s16 =	simm.s32 $0x40;
	s18 =	simm.s32 $0xC00;
	s6 =	smul.u32 $0x14000, s10  }
0x6: {  	s20 =	simm.s32 $0x2C00;
	s21 =	simm.s32 $0x4C00;
	s23 =	smul.u32 $0x50000, s10  }
0x7: {  	s22 =	simm.s32 $0x1;
	s28 =	simm.s32 $0x7;
	s9 =	smul.u32 $0x280, s10  }
0x8: {  	s29 =	simm.s32 $0x8;
	s3 =	sand.u32 $0x1, s3;
	s12 =	smul.u32 $0xA00, s10  }
0x9: {  	s30 =	simm.s32 $0x0;
	[smem:$0x7FF] =	sst s4;
	s5 =	smul.u32 $0x140000, s3  }
0xa: {  	s26 =	sshll.u32 s10, $0x6;
	s15 =	smul.u32 $0x2800, s3;
	s3 =	ssub.s32 $0x2, s3  }
0xb: {  	_ =	strace $0x8000004A;
	s8 =	sshrl.u32 s3, $0x1;
	s5 =	sadd.s32 s6, s5  }
0xc: {  	s3 =	ssub.s32 s3, s8;
	s6 =	sshrl.u32 s23, $0x2;
	s24 =	sadd.s32 s9, s15  }
0xd: {  	s8 =	sadd.s32 s1, s12;
	s12 =	sor.u32 $0x80, s12;
	s23 =	simm.s32 $0x6C00  }
0xe: {  	s7 =	sshrl.u32 s5, $0x3;
	s5 =	sadd.s32 $0x59600, s0;
	s13 =	sadd.s32 s6, s2  }
.Ltmp0:
0xf: {  	s25 =	sshll.u32 s24, $0x4;
	s31 =	sadd.s32 $0x40, s8;
	(pc) =	sbr.rel .LBB2_1-.Ltmp0, $4  }
0x10: {  	s11 =	smax.u32 s3, $0x1;
	s24 =	simm.s32 $0x2;
	s0 =	sadd.s32 s7, s0  }
0x11: {  	s6 =	sadd.s32 s5, s25;
	s7 =	sor.u32 $0x1C0B, s26;
	[dreg:$0x5] =	wrdreg s31  }
0x12: {  	s13 =	sshrl.u32 s13, $0x3;
	[dreg:$0x4] =	wrdreg s6;
	s0 =	sadd.s32 $0xA9600, s0  }
0x13: {  	v0 =	vmov s15;
	s25 =	simm.s32 $0x5;
	s26 =	simm.s32 $0x4;
	[dreg:$0x6] =	wrdreg s0  }
.LBB2_11:
0x14: {  	_ =	swait.ge [sflag:s28], $0x2000  }
0x15: {  	[sflag:s28] =	ssyncset.done $0x0  }
0x16: {  	[sflag:s28] =	ssyncadd.s32 $0xFFFFE000  }
0x17: {  	_ =	swait.ge [sflag:s29], $0x2000  }
0x18: {  	[sflag:s29] =	ssyncset.done $0x0  }
0x19: {  	s30 =	sadd.s32 $0x1, s30;
	[sflag:s29] =	ssyncadd.s32 $0xFFFFE000  }
0x1a: {  	p0 =	sne.s32 s30, s11;
	[bflag:$0x0] =	sbarrier.arrive $0xFFFF  }
.Ltmp1:
0x1b: {  	s0 =	rddreg [dreg:$0x6];
	(pc) =	sbr.rel @!p0 .LBB2_12-.Ltmp1, $4  }
0x1c: {  	[hbm:s0], [sflag:s7] =	dma.local [spmem:s13], $0x2800  }
0x1d: {  	_ =	swait.ge [sflag:s14], $0x2800  }
0x1e: {  	[sflag:s14] =	ssyncset.done $0x0  }
0x1f: {  	[sflag:s14] =	ssyncadd.s32 $0xFFFFD800  }
.LBB2_1:
0x20: {  	s0 =	rddreg [dreg:$0x4]  }
0x21: {  	[spmem:s13], [sflag:s7] =	dma.local [hbm:s0], $0x2800  }
0x22: {  	_ =	swait.ge [sflag:s14], $0x2800  }
0x23: {  	[sflag:s14] =	ssyncset.done $0x0  }
0x24: {  	[sflag:s14] =	ssyncadd.s32 $0xFFFFD800  }
0x25: {  	[tilespmem:s4], [sflag:$0xB] =	stream.linear.gather [hbm4b:s8+s4], $0x200, $0x38;
	[tilespmem:$0x1CC00] =	vst v63  }
0x26: {  	_ =	swait.ge [sflag:s14], $0x200  }
0x27: {  	[sflag:s14] =	ssyncset.done $0x0  }
0x28: {  	s3 =	simm.s32 $0x200;
	s15 =	rddreg [dreg:$0x5];
	[sflag:s14] =	ssyncadd.s32 $0xFFFFFE00  }
0x29: {  	[tilespmem:s3], [sflag:$0xB] =	stream.linear.gather [hbm4b:s15+s4], $0x200, $0x38;
	[tilespmem:$0x1CC00] =	vst v63  }
0x2a: {  	_ =	swait.ge [sflag:s14], $0x200  }
0x2b: {  	[sflag:s14] =	ssyncset.done $0x0  }
0x2c: {  	[sflag:s14] =	ssyncadd.s32 $0xFFFFFE00  }
0x2d: {  	v1 =	vld [tilespmem:$0x0]  }
0x2e: {  	v2 =	vld [tilespmem:$0x10];
	_ =	sdelay $0x1  }
0x2f: {  	v3 =	vld [tilespmem:$0x20];
	_ =	sdelay $0x1  }
0x30: {  	v5 =	vld [tilespmem:$0x30];
	v4 =	vand.u32 $0x7FFF, v1;
	v1 =	vshra.s32 v1, $0xF  }
0x31: {  	v35 =	vand.u32 $0x7FFF, v2;
	v4 =	vadd.s32 v0, v4;
	[tilespmem:$0x800] =	vst v1  }
0x32: {  	v36 =	vld [tilespmem:$0x80];
	v1 =	vadd.s32 v0, v35;
	[tilespmem:$0x400] =	vst v4  }
0x33: {  	[tilespmem:$0x410] =	vst v1;
	v1 =	vshra.s32 v2, $0xF;
	v2 =	vand.u32 $0x7FFF, v3  }
0x34: {  	[tilespmem:$0x810] =	vst v1;
	v1 =	vadd.s32 v0, v2;
	v2 =	vld [tilespmem:$0x90]  }
0x35: {  	[tilespmem:$0x420] =	vst v1;
	v1 =	vshra.s32 v3, $0xF;
	v3 =	vand.u32 $0x7FFF, v5  }
0x36: {  	[tilespmem:$0x820] =	vst v1;
	v1 =	vadd.s32 v0, v3;
	v3 =	vld [tilespmem:$0xA0]  }
0x37: {  	v37 =	vand.u32 $0x7FFF, v36;
	[tilespmem:$0x430] =	vst v1;
	v1 =	vshra.s32 v5, $0xF  }
0x38: {  	v38 =	vld [tilespmem:$0xB0];
	[tilespmem:$0x830] =	vst v1;
	v1 =	vadd.s32 v0, v37  }
0x39: {  	[tilespmem:$0x480] =	vst v1;
	v1 =	vshra.s32 v36, $0xF;
	v39 =	vand.u32 $0x7FFF, v2  }
0x3a: {  	v40 =	vld [tilespmem:$0x100];
	[tilespmem:$0x880] =	vst v1;
	v1 =	vadd.s32 v0, v39  }
0x3b: {  	[tilespmem:$0x490] =	vst v1;
	v1 =	vshra.s32 v2, $0xF;
	v2 =	vand.u32 $0x7FFF, v3  }
0x3c: {  	[tilespmem:$0x890] =	vst v1;
	v1 =	vadd.s32 v0, v2;
	v2 =	vld [tilespmem:$0x110]  }
0x3d: {  	[tilespmem:$0x4A0] =	vst v1;
	v1 =	vshra.s32 v3, $0xF;
	v3 =	vand.u32 $0x7FFF, v38  }
0x3e: {  	[tilespmem:$0x8A0] =	vst v1;
	v1 =	vadd.s32 v0, v3;
	v3 =	vld [tilespmem:$0x120]  }
0x3f: {  	v41 =	vand.u32 $0x7FFF, v40;
	[tilespmem:$0x4B0] =	vst v1;
	v1 =	vshra.s32 v38, $0xF  }
0x40: {  	v42 =	vld [tilespmem:$0x130];
	[tilespmem:$0x8B0] =	vst v1;
	v1 =	vadd.s32 v0, v41  }
0x41: {  	[tilespmem:$0x500] =	vst v1;
	v1 =	vshra.s32 v40, $0xF;
	v43 =	vand.u32 $0x7FFF, v2  }
0x42: {  	v44 =	vld [tilespmem:$0x180];
	[tilespmem:$0x900] =	vst v1;
	v1 =	vadd.s32 v0, v43  }
0x43: {  	[tilespmem:$0x510] =	vst v1;
	v1 =	vshra.s32 v2, $0xF;
	v2 =	vand.u32 $0x7FFF, v3  }
0x44: {  	[tilespmem:$0x910] =	vst v1;
	v1 =	vadd.s32 v0, v2;
	v2 =	vld [tilespmem:$0x190]  }
0x45: {  	[tilespmem:$0x520] =	vst v1;
	v1 =	vshra.s32 v3, $0xF;
	v3 =	vand.u32 $0x7FFF, v42  }
0x46: {  	[tilespmem:$0x920] =	vst v1;
	v1 =	vadd.s32 v0, v3;
	v3 =	vld [tilespmem:$0x1A0]  }
0x47: {  	v45 =	vand.u32 $0x7FFF, v44;
	[tilespmem:$0x530] =	vst v1;
	v1 =	vshra.s32 v42, $0xF  }
0x48: {  	v46 =	vld [tilespmem:$0x1B0];
	[tilespmem:$0x930] =	vst v1;
	v1 =	vadd.s32 v0, v45  }
0x49: {  	[tilespmem:$0x580] =	vst v1;
	v1 =	vshra.s32 v44, $0xF;
	v47 =	vand.u32 $0x7FFF, v2  }
0x4a: {  	v48 =	vld [tilespmem:$0x200];
	[tilespmem:$0x980] =	vst v1;
	v1 =	vadd.s32 v0, v47  }
0x4b: {  	[tilespmem:$0x590] =	vst v1;
	v1 =	vshra.s32 v2, $0xF;
	v2 =	vand.u32 $0x7FFF, v3  }
0x4c: {  	[tilespmem:$0x990] =	vst v1;
	v1 =	vadd.s32 v0, v2;
	v2 =	vld [tilespmem:$0x210]  }
0x4d: {  	[tilespmem:$0x5A0] =	vst v1;
	v1 =	vshra.s32 v3, $0xF;
	v3 =	vand.u32 $0x7FFF, v46  }
0x4e: {  	[tilespmem:$0x9A0] =	vst v1;
	v1 =	vadd.s32 v0, v3;
	v3 =	vld [tilespmem:$0x220]  }
0x4f: {  	v49 =	vand.u32 $0x7FFF, v48;
	[tilespmem:$0x5B0] =	vst v1;
	v1 =	vshra.s32 v46, $0xF  }
0x50: {  	v50 =	vld [tilespmem:$0x230];
	[tilespmem:$0x9B0] =	vst v1;
	v1 =	vadd.s32 v0, v49  }
0x51: {  	[tilespmem:$0x600] =	vst v1;
	v1 =	vshra.s32 v48, $0xF;
	v51 =	vand.u32 $0x7FFF, v2  }
0x52: {  	v52 =	vld [tilespmem:$0x280];
	[tilespmem:$0xA00] =	vst v1;
	v1 =	vadd.s32 v0, v51  }
0x53: {  	[tilespmem:$0x610] =	vst v1;
	v1 =	vshra.s32 v2, $0xF;
	v2 =	vand.u32 $0x7FFF, v3  }
0x54: {  	[tilespmem:$0xA10] =	vst v1;
	v1 =	vadd.s32 v0, v2;
	v2 =	vld [tilespmem:$0x290]  }
0x55: {  	[tilespmem:$0x620] =	vst v1;
	v1 =	vshra.s32 v3, $0xF;
	v3 =	vand.u32 $0x7FFF, v50  }
0x56: {  	[tilespmem:$0xA20] =	vst v1;
	v1 =	vadd.s32 v0, v3;
	v3 =	vld [tilespmem:$0x2A0]  }
0x57: {  	v53 =	vand.u32 $0x7FFF, v52;
	[tilespmem:$0x630] =	vst v1;
	v1 =	vshra.s32 v50, $0xF  }
0x58: {  	v54 =	vld [tilespmem:$0x2B0];
	[tilespmem:$0xA30] =	vst v1;
	v1 =	vadd.s32 v0, v53  }
0x59: {  	[tilespmem:$0x680] =	vst v1;
	v1 =	vshra.s32 v52, $0xF;
	v55 =	vand.u32 $0x7FFF, v2  }
0x5a: {  	v56 =	vld [tilespmem:$0x300];
	[tilespmem:$0xA80] =	vst v1;
	v1 =	vadd.s32 v0, v55  }
0x5b: {  	[tilespmem:$0x690] =	vst v1;
	v1 =	vshra.s32 v2, $0xF;
	v2 =	vand.u32 $0x7FFF, v3  }
0x5c: {  	[tilespmem:$0xA90] =	vst v1;
	v1 =	vadd.s32 v0, v2;
	v2 =	vld [tilespmem:$0x310]  }
0x5d: {  	[tilespmem:$0x6A0] =	vst v1;
	v1 =	vshra.s32 v3, $0xF;
	v3 =	vand.u32 $0x7FFF, v54  }
0x5e: {  	[tilespmem:$0xAA0] =	vst v1;
	v1 =	vadd.s32 v0, v3;
	v3 =	vld [tilespmem:$0x320]  }
0x5f: {  	v57 =	vand.u32 $0x7FFF, v56;
	[tilespmem:$0x6B0] =	vst v1;
	v1 =	vshra.s32 v54, $0xF  }
0x60: {  	v58 =	vld [tilespmem:$0x330];
	[tilespmem:$0xAB0] =	vst v1;
	v1 =	vadd.s32 v0, v57  }
0x61: {  	[tilespmem:$0x700] =	vst v1;
	v1 =	vshra.s32 v56, $0xF;
	v59 =	vand.u32 $0x7FFF, v2  }
0x62: {  	v60 =	vld [tilespmem:$0x380];
	[tilespmem:$0xB00] =	vst v1;
	v1 =	vadd.s32 v0, v59  }
0x63: {  	[tilespmem:$0x710] =	vst v1;
	v1 =	vshra.s32 v2, $0xF;
	v2 =	vand.u32 $0x7FFF, v3  }
0x64: {  	[tilespmem:$0xB10] =	vst v1;
	v1 =	vadd.s32 v0, v2;
	v2 =	vld [tilespmem:$0x390]  }
0x65: {  	[tilespmem:$0x720] =	vst v1;
	v1 =	vshra.s32 v3, $0xF;
	v3 =	vand.u32 $0x7FFF, v58  }
0x66: {  	[tilespmem:$0xB20] =	vst v1;
	v1 =	vadd.s32 v0, v3;
	v3 =	vld [tilespmem:$0x3A0]  }
0x67: {  	v61 =	vand.u32 $0x7FFF, v60;
	[tilespmem:$0x730] =	vst v1;
	v1 =	vshra.s32 v58, $0xF  }
0x68: {  	v62 =	vld [tilespmem:$0x3B0];
	[tilespmem:$0xB30] =	vst v1;
	v1 =	vadd.s32 v0, v61  }
0x69: {  	[tilespmem:$0x780] =	vst v1;
	v1 =	vshra.s32 v60, $0xF;
	v63 =	vand.u32 $0x7FFF, v2  }
0x6a: {  	[tilespmem:$0xB80] =	vst v1;
	v1 =	vadd.s32 v0, v63  }
0x6b: {  	[tilespmem:$0x790] =	vst v1;
	v1 =	vshra.s32 v2, $0xF;
	v2 =	vand.u32 $0x7FFF, v3  }
0x6c: {  	[tilespmem:$0xB90] =	vst v1;
	v1 =	vadd.s32 v0, v2  }
0x6d: {  	v2 =	vand.u32 $0x7FFF, v62;
	[tilespmem:$0x7A0] =	vst v1;
	v1 =	vshra.s32 v3, $0xF  }
0x6e: {  	[tilespmem:$0xBA0] =	vst v1;
	v1 =	vadd.s32 v0, v2  }
0x6f: {  	[tilespmem:$0x7B0] =	vst v1;
	v1 =	vshra.s32 v62, $0xF  }
.Ltmp2:
0x70: {  	[tilespmem:$0xBB0] =	vst v1;
	(pc) =	sbr.rel .LBB2_2-.Ltmp2, $4  }
0x71: {  	s17 =	simm.s32 $0x400;
	[bflag:$0x0] =	sbarrier.arrive $0xFFFF  }
0x72: {  	[tilespmem:s18], [sflag:$0x1] =	stream.indirect.gather [hbm4b:s5+s16], $0x80, s17, s16, $0xb8;
	[tilespmem:$0x1CC00] =	vst v63  }
0x73: {  	s19 =	simm.s32 $0x480;
	s31 =	simm.s32 $0x1;
	s0 =	simm.s32 $0x0  }
0x74: {  	[tilespmem:s20], [sflag:$0x2] =	stream.indirect.gather [hbm4b:s5+s16], $0x80, s19, s16, $0xb8;
	[tilespmem:$0x1CC00] =	vst v63  }
.LBB2_9:
0x75: {  	s17 =	sshll.u32 s15, $0x9  }
0x76: {  	v1 =	vld [tilespmem:s17+$0x0]  }
0x77: {  	v2 =	vld [tilespmem:s17+$0x10];
	_ =	sdelay $0x1  }
0x78: {  	v3 =	vld [tilespmem:s17+$0x20];
	_ =	sdelay $0x1  }
0x79: {  	v5 =	vld [tilespmem:s17+$0x30];
	v4 =	vand.u32 $0x7FFF, v1;
	v1 =	vshra.s32 v1, $0xF  }
0x7a: {  	v51 =	vand.u32 $0x7FFF, v2;
	v4 =	vadd.s32 v0, v4;
	[tilespmem:s17+$0x800] =	vst v1  }
0x7b: {  	v52 =	vld [tilespmem:s17+$0x80];
	v1 =	vadd.s32 v0, v51;
	[tilespmem:s17+$0x400] =	vst v4  }
0x7c: {  	[tilespmem:s17+$0x410] =	vst v1;
	v1 =	vshra.s32 v2, $0xF;
	v2 =	vand.u32 $0x7FFF, v3  }
0x7d: {  	[tilespmem:s17+$0x810] =	vst v1;
	v1 =	vadd.s32 v0, v2;
	v2 =	vld [tilespmem:s17+$0x90]  }
0x7e: {  	[tilespmem:s17+$0x420] =	vst v1;
	v1 =	vshra.s32 v3, $0xF;
	v3 =	vand.u32 $0x7FFF, v5  }
0x7f: {  	[tilespmem:s17+$0x820] =	vst v1;
	v1 =	vadd.s32 v0, v3;
	v3 =	vld [tilespmem:s17+$0xA0]  }
0x80: {  	v53 =	vand.u32 $0x7FFF, v52;
	[tilespmem:s17+$0x430] =	vst v1;
	v1 =	vshra.s32 v5, $0xF  }
0x81: {  	v54 =	vld [tilespmem:s17+$0xB0];
	[tilespmem:s17+$0x830] =	vst v1;
	v1 =	vadd.s32 v0, v53  }
0x82: {  	[tilespmem:s17+$0x480] =	vst v1;
	v1 =	vshra.s32 v52, $0xF;
	v55 =	vand.u32 $0x7FFF, v2  }
0x83: {  	v56 =	vld [tilespmem:s17+$0x100];
	[tilespmem:s17+$0x880] =	vst v1;
	v1 =	vadd.s32 v0, v55  }
0x84: {  	[tilespmem:s17+$0x490] =	vst v1;
	v1 =	vshra.s32 v2, $0xF;
	v2 =	vand.u32 $0x7FFF, v3  }
0x85: {  	[tilespmem:s17+$0x890] =	vst v1;
	v1 =	vadd.s32 v0, v2;
	v2 =	vld [tilespmem:s17+$0x110]  }
0x86: {  	[tilespmem:s17+$0x4A0] =	vst v1;
	v1 =	vshra.s32 v3, $0xF;
	v3 =	vand.u32 $0x7FFF, v54  }
0x87: {  	[tilespmem:s17+$0x8A0] =	vst v1;
	v1 =	vadd.s32 v0, v3;
	v3 =	vld [tilespmem:s17+$0x120]  }
0x88: {  	v57 =	vand.u32 $0x7FFF, v56;
	[tilespmem:s17+$0x4B0] =	vst v1;
	v1 =	vshra.s32 v54, $0xF  }
0x89: {  	v58 =	vld [tilespmem:s17+$0x130];
	[tilespmem:s17+$0x8B0] =	vst v1;
	v1 =	vadd.s32 v0, v57  }
0x8a: {  	[tilespmem:s17+$0x500] =	vst v1;
	v1 =	vshra.s32 v56, $0xF;
	v59 =	vand.u32 $0x7FFF, v2  }
0x8b: {  	v60 =	vld [tilespmem:s17+$0x180];
	[tilespmem:s17+$0x900] =	vst v1;
	v1 =	vadd.s32 v0, v59  }
0x8c: {  	[tilespmem:s17+$0x510] =	vst v1;
	v1 =	vshra.s32 v2, $0xF;
	v2 =	vand.u32 $0x7FFF, v3  }
0x8d: {  	[tilespmem:s17+$0x910] =	vst v1;
	v1 =	vadd.s32 v0, v2;
	v2 =	vld [tilespmem:s17+$0x190]  }
0x8e: {  	[tilespmem:s17+$0x520] =	vst v1;
	v1 =	vshra.s32 v3, $0xF;
	v3 =	vand.u32 $0x7FFF, v58  }
0x8f: {  	[tilespmem:s17+$0x920] =	vst v1;
	v1 =	vadd.s32 v0, v3;
	v3 =	vld [tilespmem:s17+$0x1A0]  }
0x90: {  	v61 =	vand.u32 $0x7FFF, v60;
	[tilespmem:s17+$0x530] =	vst v1;
	v1 =	vshra.s32 v58, $0xF  }
0x91: {  	v62 =	vld [tilespmem:s17+$0x1B0];
	[tilespmem:s17+$0x930] =	vst v1;
	v1 =	vadd.s32 v0, v61  }
0x92: {  	[tilespmem:s17+$0x580] =	vst v1;
	v1 =	vshra.s32 v60, $0xF;
	v63 =	vand.u32 $0x7FFF, v2  }
0x93: {  	[tilespmem:s17+$0x980] =	vst v1;
	v1 =	vadd.s32 v0, v63  }
0x94: {  	[tilespmem:s17+$0x590] =	vst v1;
	v1 =	vshra.s32 v2, $0xF;
	v2 =	vand.u32 $0x7FFF, v3  }
0x95: {  	[tilespmem:s17+$0x990] =	vst v1;
	v1 =	vadd.s32 v0, v2  }
0x96: {  	v2 =	vand.u32 $0x7FFF, v62;
	[tilespmem:s17+$0x5A0] =	vst v1;
	v1 =	vshra.s32 v3, $0xF  }
0x97: {  	[tilespmem:s17+$0x9A0] =	vst v1;
	v1 =	vadd.s32 v0, v2  }
0x98: {  	[tilespmem:s17+$0x5B0] =	vst v1;
	v1 =	vshra.s32 v62, $0xF  }
0x99: {  	[tilespmem:s17+$0x9B0] =	vst v1  }
.LBB2_10:
0x9a: {  	_ =	swait.ge [sflag:s25], $0x2000  }
0x9b: {  	p0 =	seq.s32 s0, $0x9C0;
	[sflag:s25] =	ssyncset.done $0x0  }
0x9c: {  	s6 =	simm.s32 @p0 $0x3;
	[sflag:s25] =	ssyncadd.s32 $0xFFFFE000  }
0x9d: {  	_ =	swait.ge @p0 [sflag:s6], $0x2000  }
0x9e: {  	s9 =	simm.s32 @p0 $0x40;
	[sflag:s6] =	ssyncset.done @p0 $0x0  }
0x9f: {  	s10 =	simm.s32 @p0 $0x4C00;
	[sflag:s6] =	ssyncadd.s32 @p0 $0xFFFFE000;
	s6 =	sadd.s32 @p0 $0x900, s3  }
0xa0: {  	[spmem:s2] =	stream.indirect.scatter.add.f32 @p0 [tilespmem:s10], [sflag:$0x7], $0x80, s6, s9, $0xb8;
	[tilespmem:$0x1CC00] =	vst v63  }
0xa1: {  	s6 =	simm.s32 @p0 $0x6  }
0xa2: {  	_ =	swait.ge @p0 [sflag:s6], $0x2000  }
0xa3: {  	[sflag:s6] =	ssyncset.done @p0 $0x0  }
0xa4: {  	[sflag:s6] =	ssyncadd.s32 @p0 $0xFFFFE000;
	s6 =	sshll.u32 @!p0 s15, $0x9  }
0xa5: {  	s10 =	simm.s32 @!p0 $0x40;
	s15 =	simm.s32 @!p0 $0xC00;
	s9 =	sor.u32 @!p0 $0x400, s6  }
0xa6: {  	[tilespmem:s15], [sflag:$0x1] =	stream.indirect.gather @!p0 [hbm4b:s5+s10], $0x80, s9, s10, $0xb8;
	[tilespmem:$0x1CC00] =	vst v63  }
0xa7: {  	s9 =	simm.s32 @!p0 $0x3  }
0xa8: {  	_ =	swait.ge @!p0 [sflag:s9], $0x2000  }
0xa9: {  	[sflag:s9] =	ssyncset.done @!p0 $0x0  }
0xaa: {  	s15 =	simm.s32 @!p0 $0x4C00;
	[sflag:s9] =	ssyncadd.s32 @!p0 $0xFFFFE000;
	s9 =	sadd.s32 @!p0 $0x900, s3  }
0xab: {  	[spmem:s2] =	stream.indirect.scatter.add.f32 @!p0 [tilespmem:s15], [sflag:$0x7], $0x80, s9, s10, $0xb8;
	[tilespmem:$0x1CC00] =	vst v63  }
0xac: {  	s9 =	simm.s32 @!p0 $0x6  }
0xad: {  	_ =	swait.ge @!p0 [sflag:s9], $0x2000  }
0xae: {  	s0 =	sadd.s32 $0x40, s0;
	[sflag:s9] =	ssyncset.done @!p0 $0x0  }
0xaf: {  	s6 =	sor.u32 @!p0 $0x480, s6;
	[sflag:s9] =	ssyncadd.s32 @!p0 $0xFFFFE000;
	s9 =	simm.s32 @!p0 $0x2C00  }
0xb0: {  	[tilespmem:s9], [sflag:$0x2] =	stream.indirect.gather @!p0 [hbm4b:s5+s10], $0x80, s6, s10, $0xb8;
	[tilespmem:$0x1CC00] =	vst v63  }
0xb1: {  	p0 =	sne.s32 s0, $0xA00  }
.Ltmp3:
0xb2: {  	_ = 	snop;
	(pc) =	sbr.rel @!p0 .LBB2_11-.Ltmp3, $4  }
0xb3: {  	_ =	swait.ge [sflag:s26], $0x2000  }
0xb4: {  	[sflag:s26] =	ssyncset.done $0x0  }
0xb5: {  	s19 =	sadd.s32 $0x980, s3;
	s31 =	sadd.s32 $0x1, s31;
	[sflag:s26] =	ssyncadd.s32 $0xFFFFE000  }
0xb6: {  	[spmem:s2] =	stream.indirect.scatter.add.f32 [tilespmem:s23], [sflag:$0x8], $0x80, s19, s16, $0xb8;
	[tilespmem:$0x1CC00] =	vst v63  }
.LBB2_2:
0xb7: {  	s17 =	sadd.s32 $0xFFFFFFFF, s31  }
0xb8: {  	p0 =	slt.u32 s17, $0x26  }
.Ltmp4:
0xb9: {  	_ = 	snop;
	(pc) =	sbr.rel @!p0 .LBB2_5-.Ltmp4, $3  }
0xba: {  	_ =	sdelay $0x1  }
0xbb: {  	s3 =	sand.u32 $0x1, s17  }
0xbc: {  	s15 =	sshll.u32 s3, $0xB  }
0xbd: {  	p0 =	seq.s32 s0, $0x0  }
.Ltmp5:
0xbe: {  	_ = 	snop;
	(pc) =	sbr.rel @p0 .LBB2_4-.Ltmp5, $4  }
0xbf: {  	s15 =	sadd.s32 s0, s12;
	s19 =	sand.u32 $0x40, s0  }
0xc0: {  	s6 =	sand.u32 $0x1FF80, s15;
	s15 =	sshll.u32 s3, $0xB;
	s19 =	sadd.s32 s1, s19  }
0xc1: {  	s10 =	sadd.s32 $0x9, s3;
	s9 =	sshrl.u32 s15, $0x2;
	s6 =	sadd.s32 s6, s19  }
0xc2: {  	[tilespmem:s9], [sflag:s10] =	stream.linear.gather [hbm4b:s6+s4], $0x200, $0x38;
	[tilespmem:$0x1CC00] =	vst v63  }
.LBB2_5:
0xc3: {  	_ =	swait.ge [sflag:s28], $0x2000  }
0xc4: {  	[sflag:s28] =	ssyncset.done $0x0  }
0xc5: {  	p0 =	por $0x0, $0x0;
	[sflag:s28] =	ssyncadd.s32 $0xFFFFE000  }
.LBB2_6:
0xc6: {  	s6 =	sshrl.u32 s15, $0x2  }
0xc7: {  	s6 =	sadd.s32 $0x500, s6  }
0xc8: {  	[tilespmem:s21], [sflag:$0x3] =	stream.indirect.gather [hbm4b:s5+s16], $0x80, s6, s16, $0xb8;
	[tilespmem:$0x1CC00] =	vst v63  }
0xc9: {  	_ =	swait.ge [sflag:s22], $0x2000  }
0xca: {  	s3 =	sshll.u32 s3, $0x9;
	[sflag:s22] =	ssyncset.done $0x0  }
0xcb: {  	s10 =	sor.u32 $0x800, s3;
	s6 =	simm.s32 @!p0 $0x8;
	[sflag:s22] =	ssyncadd.s32 $0xFFFFE000  }
0xcc: {  	[spmem:s2] =	stream.indirect.scatter.add.f32 [tilespmem:s18], [sflag:$0x5], $0x80, s10, s16, $0xb8;
	[tilespmem:$0x1CC00] =	vst v63  }
0xcd: {  	_ =	swait.ge @!p0 [sflag:s6], $0x2000  }
0xce: {  	[sflag:s6] =	ssyncset.done @!p0 $0x0  }
0xcf: {  	s15 =	sadd.s32 $0x580, s3;
	[sflag:s6] =	ssyncadd.s32 @!p0 $0xFFFFE000;
	p0 =	seq.s32 s17, $0x0  }
0xd0: {  	[tilespmem:s23], [sflag:$0x4] =	stream.indirect.gather [hbm4b:s5+s16], $0x80, s15, s16, $0xb8;
	[tilespmem:$0x1CC00] =	vst v63  }
.Ltmp6:
0xd1: {  	_ = 	snop;
	(pc) =	sbr.rel @p0 .LBB2_9-.Ltmp6, $4  }
0xd2: {  	_ =	swait.ge [sflag:s24], $0x2000  }
0xd3: {  	[sflag:s24] =	ssyncset.done $0x0  }
0xd4: {  	s19 =	sadd.s32 $0x880, s3;
	s15 =	sand.u32 $0x1, s31;
	[sflag:s24] =	ssyncadd.s32 $0xFFFFE000  }
0xd5: {  	[spmem:s2] =	stream.indirect.scatter.add.f32 [tilespmem:s20], [sflag:$0x6], $0x80, s19, s16, $0xb8;
	[tilespmem:$0x1CC00] =	vst v63  }
0xd6: {  	p0 =	seq.s32 s17, $0x27  }
.Ltmp7:
0xd7: {  	_ = 	snop;
	(pc) =	sbr.rel @p0 .LBB2_10-.Ltmp7, $1  }
0xd8: {  	_ =	sdelay $0x3  }
.Ltmp8:
0xd9: {  	(pc) =	sbr.rel .LBB2_9-.Ltmp8, $4  }
0xda: {  	s6 =	sadd.s32 $0x9, s15  }
0xdb: {  	_ =	swait.ge [sflag:s6], $0x200  }
0xdc: {  	[sflag:s6] =	ssyncset.done $0x0  }
0xdd: {  	[sflag:s6] =	ssyncadd.s32 $0xFFFFFE00  }
.LBB2_4:
.Ltmp9:
0xde: {  	(pc) =	sbr.rel .LBB2_6-.Ltmp9, $2  }
0xdf: {  	_ =	sdelay $0x2  }
0xe0: {  	p0 =	por $0x1, $0x1  }
.LBB2_12:
0xe1: {  	_ =	sfence.sel $0x180000  }
0xe2: {  	[bflag:$0x0] =	sbarrier.arrive $0xFFFF  }
0xe3: {  	_ =	strace $0x9000004A  }
0xe4: {  	s0 =	stileid.u32;
	[bflag:$0x2] =	sbarrier.arrive $0xFFFF  }
0xe5: {  	p0 =	sne.s32 s0, $0x0;
	s0 =	rddreg [dreg:$0x3]  }
0xe6: {  	s0 =	sadd.s32 @!p0 $0x100000, s0  }
0xe7: {  	[sflag:s0] =	ssyncadd.tile.s32 @!p0 $0x1;
	_ =	shalt  }
.Lfunc_end2:
_tile_overlayer_lowered:
.L_overlay_start_2:
0xe8: {  	(tag) =	ssettag $0x2  }
0xe9: {  	s0 =	rddreg [dreg:$0x0];
	s2 =	stileid.u32  }
0xea: {  	s1 =	rddreg [dreg:$0x1];
	p0 =	sne.s32 s2, $0x0  }
0xeb: {  	s3 =	rddreg [dreg:$0x2];
	[bflag:$0x3] =	sbarrier.arrive $0xFFFF;
	s2 =	simm.s32 @!p0 $0x1C0B  }
0xec: {  	[timem:s3], [sflag:s2] =	dma.local @!p0 [hbm:s0], s1  }
0xed: {  	s0 =	simm.s32 @!p0 $0xB  }
0xee: {  	_ =	swait.ge @!p0 [sflag:s0], s1  }
0xef: {  	s1 =	ssub.s32 @!p0 $0x0, s1;
	[sflag:s0] =	ssyncset.done @!p0 $0x0  }
0xf0: {  	[sflag:s0] =	ssyncadd.s32 @!p0 s1  }
0xf1: {  	[bflag:$0x3] =	sbarrier.arrive $0xFFFF  }
0xf2: {  	_ =	shalt  }

</sc_bundles>
